<compile_context>
chip_gen: v7x
topology: tpu7x:2x2x1
jax: 0.10.2.dev20260603
libtpu: 0.0.44.dev20260713+nightly
codegen_flags: <defaults>
</compile_context>

<pallas_src>
import functools
import math

import jax
import jax.numpy as jnp
from jax import lax
from jax.experimental import pallas as pl
from jax.experimental.pallas import tpu as pltpu
from jax.experimental.pallas import tpu_sc as plsc

HEADS = 8
OUT = 16
DK = 32
KNN = 16
ATTN_TAU = 1.0
ATTN_GAMMA = 0.5
ATTN_MU = 0.7

SC_NC = 2
SC_NS = 16
SC_NW = SC_NC * SC_NS
SC_CH = 128
SC_GRP = 8

R1 = 2000
R3 = 1000


def _proj_body(wq_ref, wk_ref, a_ref):
    scale = 1.0 / math.sqrt(DK)
    for h in range(HEADS):
        ah = lax.dot_general(
            wq_ref[h], wk_ref[h], (((1,), (1,)), ((), ())),
            preferred_element_type=jnp.float32)
        a_ref[:, h * OUT:(h + 1) * OUT] = ah * scale


def _make_proj(WQ, WK):
    return pl.pallas_call(
        _proj_body,
        out_shape=jax.ShapeDtypeStruct((OUT, HEADS * OUT), jnp.float32),
    )(WQ, WK)


def _enc_body(x_ref, w0_ref, b0_ref, w1_ref, b1_ref, w2_ref, z_ref):
    xb = x_ref[...]
    h0 = jnp.maximum(
        jnp.dot(xb, w0_ref[...], preferred_element_type=jnp.float32)
        + b0_ref[...], 0.0)
    h1 = jnp.maximum(
        jnp.dot(h0, w1_ref[...], preferred_element_type=jnp.float32)
        + b1_ref[...], 0.0)
    z_ref[...] = jnp.dot(h1, w2_ref[...], preferred_element_type=jnp.float32)


def _encode(x, W0, b0, W1, b1, W2):
    n, d = x.shape
    grid = n // R1
    full = lambda i: (0, 0)
    return pl.pallas_call(
        _enc_body,
        grid=(grid,),
        in_specs=[
            pl.BlockSpec((R1, d), lambda i: (i, 0)),
            pl.BlockSpec(W0.shape, full),
            pl.BlockSpec((1, 64), full),
            pl.BlockSpec(W1.shape, full),
            pl.BlockSpec((1, 64), full),
            pl.BlockSpec(W2.shape, full),
        ],
        out_specs=pl.BlockSpec((R1, OUT), lambda i: (i, 0)),
        out_shape=jax.ShapeDtypeStruct((n, OUT), jnp.float32),
    )(x, W0, b0, W1, b1, W2)


def _gather_rows(table, idx2, groups_per_worker):
    chunks_pad = idx2.shape[0]
    half = groups_per_worker // 2
    mesh = plsc.VectorSubcoreMesh(
        core_axis_name="c", subcore_axis_name="s",
        num_cores=SC_NC, num_subcores=SC_NS)

    @functools.partial(
        pl.kernel,
        out_type=jax.ShapeDtypeStruct((chunks_pad, SC_CH, OUT), jnp.float32),
        mesh=mesh,
        scratch_types=[
            pltpu.VMEM((2, SC_GRP, SC_CH), jnp.int32),
            pltpu.VMEM((2, SC_GRP, SC_CH, OUT), jnp.float32),
            pltpu.SemaphoreType.DMA((2,)),
            pltpu.SemaphoreType.DMA((2,)),
            pltpu.SemaphoreType.DMA((2,)),
        ],
        compiler_params=pltpu.CompilerParams(use_tc_tiling_on_sc=False),
    )
    def gather_kernel(table_hbm, idx_hbm, out_hbm, idx_v, rows_v,
                      isem, gsem, osem):
        wid = lax.axis_index("s") * SC_NC + lax.axis_index("c")
        base = wid * groups_per_worker * SC_GRP
        last = base + (groups_per_worker - 1) * SC_GRP

        for b in range(2):
            pltpu.async_copy(idx_hbm.at[pl.ds(base + b * SC_GRP, SC_GRP)],
                             idx_v.at[b], isem.at[b])

        def body(i, carry):
            for b in range(2):
                g = 2 * i + b
                cstart = base + g * SC_GRP
                pltpu.make_async_copy(
                    idx_hbm.at[pl.ds(cstart, SC_GRP)], idx_v.at[b],
                    isem.at[b]).wait()

                @pl.when(i > 0)
                def _():
                    pltpu.make_async_copy(
                        rows_v.at[b], out_hbm.at[pl.ds(cstart, SC_GRP)],
                        osem.at[b]).wait()

                copies = [
                    pltpu.async_copy(table_hbm.at[idx_v.at[b].at[j]],
                                     rows_v.at[b].at[j], gsem.at[b])
                    for j in range(SC_GRP)
                ]
                for cp in copies:
                    cp.wait()

                cnext = jnp.minimum(cstart + 2 * SC_GRP, last)
                pltpu.async_copy(idx_hbm.at[pl.ds(cnext, SC_GRP)],
                                 idx_v.at[b], isem.at[b])
                pltpu.async_copy(rows_v.at[b],
                                 out_hbm.at[pl.ds(cstart, SC_GRP)],
                                 osem.at[b])
            return carry

        lax.fori_loop(0, half, body, 0)
        for b in range(2):
            pltpu.make_async_copy(
                idx_hbm.at[pl.ds(base, SC_GRP)], idx_v.at[b],
                isem.at[b]).wait()
            pltpu.make_async_copy(
                rows_v.at[b], out_hbm.at[pl.ds(base, SC_GRP)],
                osem.at[b]).wait()

    return gather_kernel(table, idx2)


def _att_body(zn2_ref, z_ref, a_ref, wb_ref, ct_ref, selk_ref, tile16_ref,
              eta_ref, out_ref):
    zn2 = zn2_ref[...]
    z = z_ref[...]
    q = jnp.dot(z, a_ref[...], preferred_element_type=jnp.float32)
    zc = z - ct_ref[:, :OUT]
    d2 = jnp.sum(zc * zc, axis=1, keepdims=True)
    selk = selk_ref[...]
    tile16 = tile16_ref[...]
    eta = eta_ref[0, 0]
    m = jnp.maximum(eta, 0.0) + jnp.log1p(jnp.exp(-jnp.abs(eta)))
    diff = zn2 - ct_ref[...]
    d2n = jnp.dot(diff * diff, selk, preferred_element_type=jnp.float32)
    fpos = jnp.maximum(d2 - m, 0.0)
    fposn = jnp.maximum(d2n - m, 0.0)
    damp = ATTN_GAMMA * (fpos + fposn)
    inv_tau = 1.0 / max(1e-6, ATTN_TAU)
    acc = jnp.zeros_like(damp)
    for h in range(HEADS):
        qh = q[:, h * OUT:(h + 1) * OUT]
        qrep = jnp.dot(qh, tile16, preferred_element_type=jnp.float32)
        lg = jnp.dot(zn2 * qrep, selk, preferred_element_type=jnp.float32)
        lg = (lg - damp) * inv_tau
        lg = lg - jnp.max(lg, axis=1, keepdims=True)
        e = jnp.exp(lg)
        acc = acc + e / jnp.sum(e, axis=1, keepdims=True)
    wattn = jnp.maximum(acc * (1.0 / HEADS), 0.0)
    w = (1.0 - ATTN_MU) * wb_ref[...] + ATTN_MU * wattn
    wn = w / jnp.maximum(jnp.sum(w, axis=1, keepdims=True), 1e-8)
    dd = d2 - d2n
    smooth = jnp.sum(wn * dd * dd, axis=1, keepdims=True)
    out_ref[...] = jnp.concatenate([d2 - m, smooth], axis=1)


def _attention(znp2, Z, A, W_base, c, eta2):
    n = Z.shape[0]
    grid = n // R3
    ct = jnp.tile(c.reshape(1, OUT), (1, KNN))
    lane = jnp.arange(KNN * OUT, dtype=jnp.int32)
    selk = (lane[:, None] // OUT
            == jnp.arange(KNN, dtype=jnp.int32)[None, :]).astype(jnp.float32)
    tile16 = (jnp.arange(OUT, dtype=jnp.int32)[:, None]
              == lane[None, :] % OUT).astype(jnp.float32)
    full = lambda i: (0, 0)
    return pl.pallas_call(
        _att_body,
        grid=(grid,),
        in_specs=[
            pl.BlockSpec((R3, KNN * OUT), lambda i: (i, 0)),
            pl.BlockSpec((R3, OUT), lambda i: (i, 0)),
            pl.BlockSpec((OUT, HEADS * OUT), full),
            pl.BlockSpec((R3, KNN), lambda i: (i, 0)),
            pl.BlockSpec((1, KNN * OUT), full),
            pl.BlockSpec((KNN * OUT, KNN), full),
            pl.BlockSpec((OUT, KNN * OUT), full),
            pl.BlockSpec((1, 1), full),
        ],
        out_specs=pl.BlockSpec((R3, 2), lambda i: (i, 0)),
        out_shape=jax.ShapeDtypeStruct((n, 2), jnp.float32),
    )(znp2, Z, A, W_base, ct, selk, tile16, eta2)


def kernel(x, nn_idx, W_base, W0, b0, W1, b1, W2, WQ, WK, c, eta):
    n = x.shape[0]
    A = _make_proj(WQ, WK)
    Z = _encode(x, W0, b0.reshape(1, -1), W1, b1.reshape(1, -1), W2)

    e = n * KNN
    chunks = -(-e // SC_CH)
    gpw = -(-chunks // (SC_NW * SC_GRP))
    gpw += gpw % 2
    chunks_pad = SC_NW * gpw * SC_GRP
    flat = nn_idx.reshape(-1)
    flat = jnp.pad(flat, (0, chunks_pad * SC_CH - e))
    idx2 = flat.reshape(chunks_pad, SC_CH)

    znei = _gather_rows(Z, idx2, gpw)
    znp2 = znei.reshape(-1, KNN * OUT)

    return _attention(znp2, Z, A, W_base, c, eta.reshape(1, 1))

# --- scband reference (transcript-rebuilt; emitter-appended) ---
"""Pipeline reference for scband-gar-dsvdd-32049045963527 (READ-ONLY COPY).

The authoritative reference and input builder live on the scoring server;
editing this copy changes nothing except your own understanding.
"""

import math
import jax, jax.numpy as jnp
import numpy as np

HEADS = 8
DK = 32
ATTN_TAU = 1.0
ATTN_GAMMA = 0.5
ATTN_MU = 0.7


def _mlp(x, W0, b0, W1, b1, W2):
    h = jax.nn.relu(x @ W0 + b0)
    h = jax.nn.relu(h @ W1 + b1)
    return h @ W2


def setup_inputs(seed: int = 0):
    key = jax.random.key(seed)
    ks = jax.random.split(key, 12)
    N, D, K, OUT = 100000, 128, 16, 16
    inp = {}
    inp["x"] = jax.random.normal(ks[0], (N, D), dtype=jnp.float32)
    inp["nn_idx"] = jax.random.randint(ks[1], (N, K), 0, N, dtype=jnp.int32)
    inp["W_base"] = jax.random.uniform(ks[2], (N, K), dtype=jnp.float32)
    inp["W0"] = jax.random.normal(ks[3], (D, 64), dtype=jnp.float32) / math.sqrt(D)
    inp["b0"] = jnp.zeros((64,), dtype=jnp.float32)
    inp["W1"] = jax.random.normal(ks[4], (64, 64), dtype=jnp.float32) / 8.0
    inp["b1"] = jnp.zeros((64,), dtype=jnp.float32)
    inp["W2"] = jax.random.normal(ks[5], (64, OUT), dtype=jnp.float32) / 8.0
    inp["WQ"] = jax.random.normal(ks[6], (HEADS, OUT, DK), dtype=jnp.float32) / math.sqrt(OUT)
    inp["WK"] = jax.random.normal(ks[7], (HEADS, OUT, DK), dtype=jnp.float32) / math.sqrt(OUT)
    inp["c"] = jax.random.normal(ks[8], (OUT,), dtype=jnp.float32) * 0.1
    inp["eta"] = jnp.float32(0.0)
    return inp


def reference(x, nn_idx, W_base, W0, b0, W1, b1, W2, WQ, WK, c, eta):
    # Encoder and DSVDD score f = ||z - c||^2 - softplus(eta)
    Z = _mlp(x, W0, b0, W1, b1, W2)
    d2 = jnp.sum((Z - c) ** 2, axis=1)
    m = jax.nn.softplus(eta)
    f = d2 - m
    # Gather neighbor latents (message passing over kNN graph)
    Z_nei = jnp.take(Z, nn_idx, axis=0)  # [N, K, OUT]
    f_pos = jax.nn.relu(f)
    damp = ATTN_GAMMA * (f_pos[:, None] + jnp.take(f_pos, nn_idx, axis=0))  # [N, K]
    scale = 1.0 / math.sqrt(DK)
    acc = None
    for h in range(HEADS):
        q = Z @ WQ[h]            # [N, DK]
        kh = Z_nei @ WK[h]       # [N, K, DK]
        logits = jnp.sum(q[:, None, :] * kh, axis=-1) * scale
        logits = (logits - damp) / max(1e-6, ATTN_TAU)
        w = jax.nn.softmax(logits, axis=1)
        acc = w if acc is None else acc + w
    W_attn = acc / HEADS
    # EMA buffer is initialized with W_attn.detach() on the first call, then clamped
    W_attn = jnp.maximum(jax.lax.stop_gradient(W_attn), 0.0)
    W = (1.0 - ATTN_MU) * W_base + ATTN_MU * W_attn
    Wn = W / jnp.clip(jnp.sum(W, axis=1, keepdims=True), 1e-8, None)
    d2_nei = jnp.take(d2, nn_idx, axis=0)  # [N, K]
    smooth = jnp.sum(Wn * (d2[:, None] - d2_nei) ** 2, axis=1)  # per-node graph smoothness
    return jnp.stack([f, smooth], axis=1)  # [N, 2]

if __name__ == "__main__":
    import jax
    _d = setup_inputs()
    print(jax.jit(kernel)(*tuple(_d.values())))

</pallas_src>

<mosaic_0001>
#map = affine_map<(d0, d1) -> (0, 0)>
#map1 = affine_map<(d0, d1) -> (0, 0, 0)>
module attributes {stable_mosaic.version = 14 : i64} {
  func.func @gather_kernel(%arg0: i32, %arg1: i32, %arg2: memref<100000x16xf32, #tpu.memory_space<hbm>>, %arg3: memref<12800x128xi32, #tpu.memory_space<hbm>>, %arg4: memref<12800x128x16xf32, #tpu.memory_space<hbm>>, %arg5: memref<2x8x128xi32, #tpu.memory_space<vmem>>, %arg6: memref<2x8x128x16xf32, #tpu.memory_space<vmem>>, %arg7: memref<2x!tpu.dma_semaphore, #tpu.memory_space<semaphore_mem>>, %arg8: memref<2x!tpu.dma_semaphore, #tpu.memory_space<semaphore_mem>>, %arg9: memref<2x!tpu.dma_semaphore, #tpu.memory_space<semaphore_mem>>) attributes {dimension_semantics = [#tpu.dimension_semantics<core_parallel>, #tpu.dimension_semantics<subcore_parallel>], iteration_bounds = array<i64: 2, 16>, scalar_prefetch = 0 : i64, scratch_operands = 5 : i64, tpu.core_type = #tpu.core_type<sc_vector_subcore>, window_params = [{transform_indices = #map}, {transform_indices = #map}, {transform_indices = #map1}]} {
    %mul3A = arith.constant 2 : i32
    %mul3A_0 = arith.muli %arg1, %mul3A : i32
    %add3A = arith.addi %mul3A_0, %arg0 : i32
    %mul3A_1 = arith.constant 50 : i32
    %mul3A_2 = arith.muli %add3A, %mul3A_1 : i32
    %mul3A_3 = arith.constant 8 : i32
    %mul3A_4 = arith.muli %mul3A_2, %mul3A_3 : i32
    %add3A_5 = arith.constant 392 : i32
    %add3A_6 = arith.addi %mul3A_4, %add3A_5 : i32
    %add3A_7 = arith.constant 0 : i32
    %add3A_8 = arith.addi %mul3A_4, %add3A_7 : i32
    %dma_start3A = arith.constant 0 : i32
    %dma_start3A_9 = arith.constant 0 : i32
    %dma_start3A_10 = arith.constant 0 : i32
    %dma_start3A_11 = arith.constant 0 : i32
    %dma_start3A_12 = tpu.memref_slice %arg5[%dma_start3A, %dma_start3A_10, %dma_start3A_11] : memref<2x8x128xi32, #tpu.memory_space<vmem>> -> memref<1x8x128xi32, #tpu.memory_space<vmem>>
    %dma_start3A_13 = tpu.memref_squeeze %dma_start3A_12 : memref<1x8x128xi32, #tpu.memory_space<vmem>> -> memref<8x128xi32, #tpu.memory_space<vmem>>
    %dma_start3A_14 = arith.constant 0 : i32
    %dma_start3A_15 = tpu.memref_slice %arg3[%add3A_8, %dma_start3A_14] : memref<12800x128xi32, #tpu.memory_space<hbm>> -> memref<8x128xi32, #tpu.memory_space<hbm>>
    %dma_start3A_16 = tpu.memref_slice %arg7[%dma_start3A_9] : memref<2x!tpu.dma_semaphore, #tpu.memory_space<semaphore_mem>> -> memref<1x!tpu.dma_semaphore, #tpu.memory_space<semaphore_mem>>
    %dma_start3A_17 = tpu.memref_squeeze %dma_start3A_16 : memref<1x!tpu.dma_semaphore, #tpu.memory_space<semaphore_mem>> -> memref<!tpu.dma_semaphore, #tpu.memory_space<semaphore_mem>>
    %dma_start3A_18 = arith.constant 0 : i32
    %dma_start3A_19 = arith.constant 0 : i32
    %dma_start3A_20 = tpu.memref_slice %arg5[%dma_start3A, %dma_start3A_18, %dma_start3A_19] : memref<2x8x128xi32, #tpu.memory_space<vmem>> -> memref<1x8x128xi32, #tpu.memory_space<vmem>>
    %dma_start3A_21 = tpu.memref_squeeze %dma_start3A_20 : memref<1x8x128xi32, #tpu.memory_space<vmem>> -> memref<8x128xi32, #tpu.memory_space<vmem>>
    %dma_start3A_22 = arith.constant 0 : i32
    %dma_start3A_23 = tpu.memref_slice %arg3[%add3A_8, %dma_start3A_22] : memref<12800x128xi32, #tpu.memory_space<hbm>> -> memref<8x128xi32, #tpu.memory_space<hbm>>
    tpu.enqueue_dma source(%dma_start3A_23 : memref<8x128xi32, #tpu.memory_space<hbm>>) target(%dma_start3A_21 : memref<8x128xi32, #tpu.memory_space<vmem>>) target_semaphore(%dma_start3A_17 : memref<!tpu.dma_semaphore, #tpu.memory_space<semaphore_mem>>)
    %add3A_24 = arith.constant 8 : i32
    %add3A_25 = arith.addi %mul3A_4, %add3A_24 : i32
    %dma_start3A_26 = arith.constant 1 : i32
    %dma_start3A_27 = arith.constant 1 : i32
    %dma_start3A_28 = arith.constant 0 : i32
    %dma_start3A_29 = arith.constant 0 : i32
    %dma_start3A_30 = tpu.memref_slice %arg5[%dma_start3A_26, %dma_start3A_28, %dma_start3A_29] : memref<2x8x128xi32, #tpu.memory_space<vmem>> -> memref<1x8x128xi32, #tpu.memory_space<vmem>>
    %dma_start3A_31 = tpu.memref_squeeze %dma_start3A_30 : memref<1x8x128xi32, #tpu.memory_space<vmem>> -> memref<8x128xi32, #tpu.memory_space<vmem>>
    %dma_start3A_32 = arith.constant 0 : i32
    %dma_start3A_33 = tpu.memref_slice %arg3[%add3A_25, %dma_start3A_32] : memref<12800x128xi32, #tpu.memory_space<hbm>> -> memref<8x128xi32, #tpu.memory_space<hbm>>
    %dma_start3A_34 = tpu.memref_slice %arg7[%dma_start3A_27] : memref<2x!tpu.dma_semaphore, #tpu.memory_space<semaphore_mem>> -> memref<1x!tpu.dma_semaphore, #tpu.memory_space<semaphore_mem>>
    %dma_start3A_35 = tpu.memref_squeeze %dma_start3A_34 : memref<1x!tpu.dma_semaphore, #tpu.memory_space<semaphore_mem>> -> memref<!tpu.dma_semaphore, #tpu.memory_space<semaphore_mem>>
    %dma_start3A_36 = arith.constant 0 : i32
    %dma_start3A_37 = arith.constant 0 : i32
    %dma_start3A_38 = tpu.memref_slice %arg5[%dma_start3A_26, %dma_start3A_36, %dma_start3A_37] : memref<2x8x128xi32, #tpu.memory_space<vmem>> -> memref<1x8x128xi32, #tpu.memory_space<vmem>>
    %dma_start3A_39 = tpu.memref_squeeze %dma_start3A_38 : memref<1x8x128xi32, #tpu.memory_space<vmem>> -> memref<8x128xi32, #tpu.memory_space<vmem>>
    %dma_start3A_40 = arith.constant 0 : i32
    %dma_start3A_41 = tpu.memref_slice %arg3[%add3A_25, %dma_start3A_40] : memref<12800x128xi32, #tpu.memory_space<hbm>> -> memref<8x128xi32, #tpu.memory_space<hbm>>
    tpu.enqueue_dma source(%dma_start3A_41 : memref<8x128xi32, #tpu.memory_space<hbm>>) target(%dma_start3A_39 : memref<8x128xi32, #tpu.memory_space<vmem>>) target_semaphore(%dma_start3A_35 : memref<!tpu.dma_semaphore, #tpu.memory_space<semaphore_mem>>)
    %scan3A = arith.constant 0 : i32
    %scan3A_42 = arith.constant 0 : i32
    %scan3A_43 = arith.constant 25 : i32
    %scan3A_44 = arith.addi %scan3A_42, %scan3A_43 : i32
    %scan3A_45 = arith.constant 1 : i32
    scf.for %scan3A_118 = %scan3A_42 to %scan3A_44 step %scan3A_45  : i32 {
      %mul3A_119 = arith.constant 2 : i32
      %mul3A_120 = arith.muli %mul3A_119, %scan3A_118 : i32
      %add3A_121 = arith.constant 0 : i32
      %add3A_122 = arith.addi %mul3A_120, %add3A_121 : i32
      %mul3A_123 = arith.constant 8 : i32
      %mul3A_124 = arith.muli %add3A_122, %mul3A_123 : i32
      %add3A_125 = arith.addi %mul3A_4, %mul3A_124 : i32
      %dma_wait3A_126 = arith.constant 0 : i32
      %dma_wait3A_127 = arith.constant 0 : i32
      %dma_wait3A_128 = arith.constant 0 : i32
      %dma_wait3A_129 = arith.constant 0 : i32
      %dma_wait3A_130 = tpu.memref_slice %arg5[%dma_wait3A_126, %dma_wait3A_128, %dma_wait3A_129] : memref<2x8x128xi32, #tpu.memory_space<vmem>> -> memref<1x8x128xi32, #tpu.memory_space<vmem>>
      %dma_wait3A_131 = tpu.memref_squeeze %dma_wait3A_130 : memref<1x8x128xi32, #tpu.memory_space<vmem>> -> memref<8x128xi32, #tpu.memory_space<vmem>>
      %dma_wait3A_132 = arith.constant 0 : i32
      %dma_wait3A_133 = tpu.memref_slice %arg3[%add3A_125, %dma_wait3A_132] : memref<12800x128xi32, #tpu.memory_space<hbm>> -> memref<8x128xi32, #tpu.memory_space<hbm>>
      %dma_wait3A_134 = tpu.memref_slice %arg7[%dma_wait3A_127] : memref<2x!tpu.dma_semaphore, #tpu.memory_space<semaphore_mem>> -> memref<1x!tpu.dma_semaphore, #tpu.memory_space<semaphore_mem>>
      %dma_wait3A_135 = tpu.memref_squeeze %dma_wait3A_134 : memref<1x!tpu.dma_semaphore, #tpu.memory_space<semaphore_mem>> -> memref<!tpu.dma_semaphore, #tpu.memory_space<semaphore_mem>>
      %dma_wait3A_136 = arith.constant 0 : i32
      %dma_wait3A_137 = arith.constant 0 : i32
      %dma_wait3A_138 = tpu.memref_slice %arg5[%dma_wait3A_126, %dma_wait3A_136, %dma_wait3A_137] : memref<2x8x128xi32, #tpu.memory_space<vmem>> -> memref<1x8x128xi32, #tpu.memory_space<vmem>>
      %dma_wait3A_139 = tpu.memref_squeeze %dma_wait3A_138 : memref<1x8x128xi32, #tpu.memory_space<vmem>> -> memref<8x128xi32, #tpu.memory_space<vmem>>
      %dma_wait3A_140 = arith.constant 0 : i32
      %dma_wait3A_141 = tpu.memref_slice %arg3[%add3A_125, %dma_wait3A_140] : memref<12800x128xi32, #tpu.memory_space<hbm>> -> memref<8x128xi32, #tpu.memory_space<hbm>>
      tpu.wait_dma2 semaphore(%dma_wait3A_135 : memref<!tpu.dma_semaphore, #tpu.memory_space<semaphore_mem>>) src(%dma_wait3A_141 : memref<8x128xi32, #tpu.memory_space<hbm>>) dst(%dma_wait3A_139 : memref<8x128xi32, #tpu.memory_space<vmem>>)
      %gt3A = arith.constant 0 : i32
      %gt3A_142 = arith.cmpi sgt, %scan3A_118, %gt3A : i32
      %convert_element_type3A = arith.extui %gt3A_142 : i1 to i32
      %cond3A = arith.constant 0 : i32
      %cond3A_143 = arith.cmpi ne, %convert_element_type3A, %cond3A : i32
      scf.if %cond3A_143 {
        %dma_wait3A_1081 = arith.constant 0 : i32
        %dma_wait3A_1082 = arith.constant 0 : i32
        %dma_wait3A_1083 = arith.constant 0 : i32
        %dma_wait3A_1084 = arith.constant 0 : i32
        %dma_wait3A_1085 = arith.constant 0 : i32
        %dma_wait3A_1086 = tpu.memref_slice %arg6[%dma_wait3A_1081, %dma_wait3A_1083, %dma_wait3A_1084, %dma_wait3A_1085] : memref<2x8x128x16xf32, #tpu.memory_space<vmem>> -> memref<1x8x128x16xf32, #tpu.memory_space<vmem>>
        %dma_wait3A_1087 = tpu.memref_squeeze %dma_wait3A_1086 : memref<1x8x128x16xf32, #tpu.memory_space<vmem>> -> memref<8x128x16xf32, #tpu.memory_space<vmem>>
        %dma_wait3A_1088 = arith.constant 0 : i32
        %dma_wait3A_1089 = arith.constant 0 : i32
        %dma_wait3A_1090 = tpu.memref_slice %arg4[%add3A_125, %dma_wait3A_1088, %dma_wait3A_1089] : memref<12800x128x16xf32, #tpu.memory_space<hbm>> -> memref<8x128x16xf32, #tpu.memory_space<hbm>>
        %dma_wait3A_1091 = tpu.memref_slice %arg9[%dma_wait3A_1082] : memref<2x!tpu.dma_semaphore, #tpu.memory_space<semaphore_mem>> -> memref<1x!tpu.dma_semaphore, #tpu.memory_space<semaphore_mem>>
        %dma_wait3A_1092 = tpu.memref_squeeze %dma_wait3A_1091 : memref<1x!tpu.dma_semaphore, #tpu.memory_space<semaphore_mem>> -> memref<!tpu.dma_semaphore, #tpu.memory_space<semaphore_mem>>
        %dma_wait3A_1093 = arith.constant 0 : i32
        %dma_wait3A_1094 = arith.constant 0 : i32
        %dma_wait3A_1095 = tpu.memref_slice %arg4[%add3A_125, %dma_wait3A_1093, %dma_wait3A_1094] : memref<12800x128x16xf32, #tpu.memory_space<hbm>> -> memref<8x128x16xf32, #tpu.memory_space<hbm>>
        %dma_wait3A_1096 = arith.constant 0 : i32
        %dma_wait3A_1097 = arith.constant 0 : i32
        %dma_wait3A_1098 = arith.constant 0 : i32
        %dma_wait3A_1099 = tpu.memref_slice %arg6[%dma_wait3A_1081, %dma_wait3A_1096, %dma_wait3A_1097, %dma_wait3A_1098] : memref<2x8x128x16xf32, #tpu.memory_space<vmem>> -> memref<1x8x128x16xf32, #tpu.memory_space<vmem>>
        %dma_wait3A_1100 = tpu.memref_squeeze %dma_wait3A_1099 : memref<1x8x128x16xf32, #tpu.memory_space<vmem>> -> memref<8x128x16xf32, #tpu.memory_space<vmem>>
        tpu.wait_dma2 semaphore(%dma_wait3A_1092 : memref<!tpu.dma_semaphore, #tpu.memory_space<semaphore_mem>>) src(%dma_wait3A_1100 : memref<8x128x16xf32, #tpu.memory_space<vmem>>) dst(%dma_wait3A_1095 : memref<8x128x16xf32, #tpu.memory_space<hbm>>)
      } else {
      }
      %dma_start3A_144 = arith.constant 0 : i32
      %dma_start3A_145 = arith.constant 0 : i32
      %dma_start3A_146 = arith.constant 0 : i32
      %dma_start3A_147 = arith.constant 0 : i32
      %dma_start3A_148 = arith.constant 0 : i32
      %dma_start3A_149 = arith.constant 0 : i32
      %dma_start3A_150 = arith.constant 0 : i32
      %dma_start3A_151 = arith.constant 0 : i32
      %dma_start3A_152 = tpu.memref_slice %arg6[%dma_start3A_146, %dma_start3A_149, %dma_start3A_150, %dma_start3A_151] : memref<2x8x128x16xf32, #tpu.memory_space<vmem>> -> memref<1x8x128x16xf32, #tpu.memory_space<vmem>>
      %dma_start3A_153 = tpu.memref_squeeze %dma_start3A_152 : memref<1x8x128x16xf32, #tpu.memory_space<vmem>> -> memref<8x128x16xf32, #tpu.memory_space<vmem>>
      %dma_start3A_154 = arith.constant 0 : i32
      %dma_start3A_155 = arith.constant 0 : i32
      %dma_start3A_156 = tpu.memref_slice %dma_start3A_153[%dma_start3A_147, %dma_start3A_154, %dma_start3A_155] : memref<8x128x16xf32, #tpu.memory_space<vmem>> -> memref<1x128x16xf32, #tpu.memory_space<vmem>>
      %dma_start3A_157 = tpu.memref_squeeze %dma_start3A_156 : memref<1x128x16xf32, #tpu.memory_space<vmem>> -> memref<128x16xf32, #tpu.memory_space<vmem>>
      %dma_start3A_158 = arith.constant 0 : i32
      %dma_start3A_159 = arith.constant 0 : i32
      %dma_start3A_160 = tpu.memref_slice %arg5[%dma_start3A_144, %dma_start3A_158, %dma_start3A_159] : memref<2x8x128xi32, #tpu.memory_space<vmem>> -> memref<1x8x128xi32, #tpu.memory_space<vmem>>
      %dma_start3A_161 = tpu.memref_squeeze %dma_start3A_160 : memref<1x8x128xi32, #tpu.memory_space<vmem>> -> memref<8x128xi32, #tpu.memory_space<vmem>>
      %dma_start3A_162 = arith.constant 0 : i32
      %dma_start3A_163 = tpu.memref_slice %dma_start3A_161[%dma_start3A_145, %dma_start3A_162] : memref<8x128xi32, #tpu.memory_space<vmem>> -> memref<1x128xi32, #tpu.memory_space<vmem>>
      %dma_start3A_164 = tpu.memref_squeeze %dma_start3A_163 : memref<1x128xi32, #tpu.memory_space<vmem>> -> memref<128xi32, #tpu.memory_space<vmem>>
      %dma_start3A_165 = arith.constant 0 : i32
      %dma_start3A_166 = arith.constant 0 : i32
      %dma_start3A_167 = tpu.memref_slice %arg2[%dma_start3A_165, %dma_start3A_166] : memref<100000x16xf32, #tpu.memory_space<hbm>> -> memref<100000x16xf32, #tpu.memory_space<hbm>>
      %dma_start3A_168 = tpu.memref_slice %arg8[%dma_start3A_148] : memref<2x!tpu.dma_semaphore, #tpu.memory_space<semaphore_mem>> -> memref<1x!tpu.dma_semaphore, #tpu.memory_space<semaphore_mem>>
      %dma_start3A_169 = tpu.memref_squeeze %dma_start3A_168 : memref<1x!tpu.dma_semaphore, #tpu.memory_space<semaphore_mem>> -> memref<!tpu.dma_semaphore, #tpu.memory_space<semaphore_mem>>
      tpu.enqueue_indirect_dma source(%dma_start3A_167 : memref<100000x16xf32, #tpu.memory_space<hbm>>) target(%dma_start3A_157 : memref<128x16xf32, #tpu.memory_space<vmem>>) offsets(%dma_start3A_164 : memref<128xi32, #tpu.memory_space<vmem>>) semaphore(%dma_start3A_169 : memref<!tpu.dma_semaphore, #tpu.memory_space<semaphore_mem>>)
      %dma_start3A_170 = arith.constant 0 : i32
      %dma_start3A_171 = arith.constant 1 : i32
      %dma_start3A_172 = arith.constant 0 : i32
      %dma_start3A_173 = arith.constant 1 : i32
      %dma_start3A_174 = arith.constant 0 : i32
      %dma_start3A_175 = arith.constant 0 : i32
      %dma_start3A_176 = arith.constant 0 : i32
      %dma_start3A_177 = arith.constant 0 : i32
      %dma_start3A_178 = tpu.memref_slice %arg6[%dma_start3A_172, %dma_start3A_175, %dma_start3A_176, %dma_start3A_177] : memref<2x8x128x16xf32, #tpu.memory_space<vmem>> -> memref<1x8x128x16xf32, #tpu.memory_space<vmem>>
      %dma_start3A_179 = tpu.memref_squeeze %dma_start3A_178 : memref<1x8x128x16xf32, #tpu.memory_space<vmem>> -> memref<8x128x16xf32, #tpu.memory_space<vmem>>
      %dma_start3A_180 = arith.constant 0 : i32
      %dma_start3A_181 = arith.constant 0 : i32
      %dma_start3A_182 = tpu.memref_slice %dma_start3A_179[%dma_start3A_173, %dma_start3A_180, %dma_start3A_181] : memref<8x128x16xf32, #tpu.memory_space<vmem>> -> memref<1x128x16xf32, #tpu.memory_space<vmem>>
      %dma_start3A_183 = tpu.memref_squeeze %dma_start3A_182 : memref<1x128x16xf32, #tpu.memory_space<vmem>> -> memref<128x16xf32, #tpu.memory_space<vmem>>
      %dma_start3A_184 = arith.constant 0 : i32
      %dma_start3A_185 = arith.constant 0 : i32
      %dma_start3A_186 = tpu.memref_slice %arg5[%dma_start3A_170, %dma_start3A_184, %dma_start3A_185] : memref<2x8x128xi32, #tpu.memory_space<vmem>> -> memref<1x8x128xi32, #tpu.memory_space<vmem>>
      %dma_start3A_187 = tpu.memref_squeeze %dma_start3A_186 : memref<1x8x128xi32, #tpu.memory_space<vmem>> -> memref<8x128xi32, #tpu.memory_space<vmem>>
      %dma_start3A_188 = arith.constant 0 : i32
      %dma_start3A_189 = tpu.memref_slice %dma_start3A_187[%dma_start3A_171, %dma_start3A_188] : memref<8x128xi32, #tpu.memory_space<vmem>> -> memref<1x128xi32, #tpu.memory_space<vmem>>
      %dma_start3A_190 = tpu.memref_squeeze %dma_start3A_189 : memref<1x128xi32, #tpu.memory_space<vmem>> -> memref<128xi32, #tpu.memory_space<vmem>>
      %dma_start3A_191 = arith.constant 0 : i32
      %dma_start3A_192 = arith.constant 0 : i32
      %dma_start3A_193 = tpu.memref_slice %arg2[%dma_start3A_191, %dma_start3A_192] : memref<100000x16xf32, #tpu.memory_space<hbm>> -> memref<100000x16xf32, #tpu.memory_space<hbm>>
      %dma_start3A_194 = tpu.memref_slice %arg8[%dma_start3A_174] : memref<2x!tpu.dma_semaphore, #tpu.memory_space<semaphore_mem>> -> memref<1x!tpu.dma_semaphore, #tpu.memory_space<semaphore_mem>>
      %dma_start3A_195 = tpu.memref_squeeze %dma_start3A_194 : memref<1x!tpu.dma_semaphore, #tpu.memory_space<semaphore_mem>> -> memref<!tpu.dma_semaphore, #tpu.memory_space<semaphore_mem>>
      tpu.enqueue_indirect_dma source(%dma_start3A_193 : memref<100000x16xf32, #tpu.memory_space<hbm>>) target(%dma_start3A_183 : memref<128x16xf32, #tpu.memory_space<vmem>>) offsets(%dma_start3A_190 : memref<128xi32, #tpu.memory_space<vmem>>) semaphore(%dma_start3A_195 : memref<!tpu.dma_semaphore, #tpu.memory_space<semaphore_mem>>)
      %dma_start3A_196 = arith.constant 0 : i32
      %dma_start3A_197 = arith.constant 2 : i32
      %dma_start3A_198 = arith.constant 0 : i32
      %dma_start3A_199 = arith.constant 2 : i32
      %dma_start3A_200 = arith.constant 0 : i32
      %dma_start3A_201 = arith.constant 0 : i32
      %dma_start3A_202 = arith.constant 0 : i32
      %dma_start3A_203 = arith.constant 0 : i32
      %dma_start3A_204 = tpu.memref_slice %arg6[%dma_start3A_198, %dma_start3A_201, %dma_start3A_202, %dma_start3A_203] : memref<2x8x128x16xf32, #tpu.memory_space<vmem>> -> memref<1x8x128x16xf32, #tpu.memory_space<vmem>>
      %dma_start3A_205 = tpu.memref_squeeze %dma_start3A_204 : memref<1x8x128x16xf32, #tpu.memory_space<vmem>> -> memref<8x128x16xf32, #tpu.memory_space<vmem>>
      %dma_start3A_206 = arith.constant 0 : i32
      %dma_start3A_207 = arith.constant 0 : i32
      %dma_start3A_208 = tpu.memref_slice %dma_start3A_205[%dma_start3A_199, %dma_start3A_206, %dma_start3A_207] : memref<8x128x16xf32, #tpu.memory_space<vmem>> -> memref<1x128x16xf32, #tpu.memory_space<vmem>>
      %dma_start3A_209 = tpu.memref_squeeze %dma_start3A_208 : memref<1x128x16xf32, #tpu.memory_space<vmem>> -> memref<128x16xf32, #tpu.memory_space<vmem>>
      %dma_start3A_210 = arith.constant 0 : i32
      %dma_start3A_211 = arith.constant 0 : i32
      %dma_start3A_212 = tpu.memref_slice %arg5[%dma_start3A_196, %dma_start3A_210, %dma_start3A_211] : memref<2x8x128xi32, #tpu.memory_space<vmem>> -> memref<1x8x128xi32, #tpu.memory_space<vmem>>
      %dma_start3A_213 = tpu.memref_squeeze %dma_start3A_212 : memref<1x8x128xi32, #tpu.memory_space<vmem>> -> memref<8x128xi32, #tpu.memory_space<vmem>>
      %dma_start3A_214 = arith.constant 0 : i32
      %dma_start3A_215 = tpu.memref_slice %dma_start3A_213[%dma_start3A_197, %dma_start3A_214] : memref<8x128xi32, #tpu.memory_space<vmem>> -> memref<1x128xi32, #tpu.memory_space<vmem>>
      %dma_start3A_216 = tpu.memref_squeeze %dma_start3A_215 : memref<1x128xi32, #tpu.memory_space<vmem>> -> memref<128xi32, #tpu.memory_space<vmem>>
      %dma_start3A_217 = arith.constant 0 : i32
      %dma_start3A_218 = arith.constant 0 : i32
      %dma_start3A_219 = tpu.memref_slice %arg2[%dma_start3A_217, %dma_start3A_218] : memref<100000x16xf32, #tpu.memory_space<hbm>> -> memref<100000x16xf32, #tpu.memory_space<hbm>>
      %dma_start3A_220 = tpu.memref_slice %arg8[%dma_start3A_200] : memref<2x!tpu.dma_semaphore, #tpu.memory_space<semaphore_mem>> -> memref<1x!tpu.dma_semaphore, #tpu.memory_space<semaphore_mem>>
      %dma_start3A_221 = tpu.memref_squeeze %dma_start3A_220 : memref<1x!tpu.dma_semaphore, #tpu.memory_space<semaphore_mem>> -> memref<!tpu.dma_semaphore, #tpu.memory_space<semaphore_mem>>
      tpu.enqueue_indirect_dma source(%dma_start3A_219 : memref<100000x16xf32, #tpu.memory_space<hbm>>) target(%dma_start3A_209 : memref<128x16xf32, #tpu.memory_space<vmem>>) offsets(%dma_start3A_216 : memref<128xi32, #tpu.memory_space<vmem>>) semaphore(%dma_start3A_221 : memref<!tpu.dma_semaphore, #tpu.memory_space<semaphore_mem>>)
      %dma_start3A_222 = arith.constant 0 : i32
      %dma_start3A_223 = arith.constant 3 : i32
      %dma_start3A_224 = arith.constant 0 : i32
      %dma_start3A_225 = arith.constant 3 : i32
      %dma_start3A_226 = arith.constant 0 : i32
      %dma_start3A_227 = arith.constant 0 : i32
      %dma_start3A_228 = arith.constant 0 : i32
      %dma_start3A_229 = arith.constant 0 : i32
      %dma_start3A_230 = tpu.memref_slice %arg6[%dma_start3A_224, %dma_start3A_227, %dma_start3A_228, %dma_start3A_229] : memref<2x8x128x16xf32, #tpu.memory_space<vmem>> -> memref<1x8x128x16xf32, #tpu.memory_space<vmem>>
      %dma_start3A_231 = tpu.memref_squeeze %dma_start3A_230 : memref<1x8x128x16xf32, #tpu.memory_space<vmem>> -> memref<8x128x16xf32, #tpu.memory_space<vmem>>
      %dma_start3A_232 = arith.constant 0 : i32
      %dma_start3A_233 = arith.constant 0 : i32
      %dma_start3A_234 = tpu.memref_slice %dma_start3A_231[%dma_start3A_225, %dma_start3A_232, %dma_start3A_233] : memref<8x128x16xf32, #tpu.memory_space<vmem>> -> memref<1x128x16xf32, #tpu.memory_space<vmem>>
      %dma_start3A_235 = tpu.memref_squeeze %dma_start3A_234 : memref<1x128x16xf32, #tpu.memory_space<vmem>> -> memref<128x16xf32, #tpu.memory_space<vmem>>
      %dma_start3A_236 = arith.constant 0 : i32
      %dma_start3A_237 = arith.constant 0 : i32
      %dma_start3A_238 = tpu.memref_slice %arg5[%dma_start3A_222, %dma_start3A_236, %dma_start3A_237] : memref<2x8x128xi32, #tpu.memory_space<vmem>> -> memref<1x8x128xi32, #tpu.memory_space<vmem>>
      %dma_start3A_239 = tpu.memref_squeeze %dma_start3A_238 : memref<1x8x128xi32, #tpu.memory_space<vmem>> -> memref<8x128xi32, #tpu.memory_space<vmem>>
      %dma_start3A_240 = arith.constant 0 : i32
      %dma_start3A_241 = tpu.memref_slice %dma_start3A_239[%dma_start3A_223, %dma_start3A_240] : memref<8x128xi32, #tpu.memory_space<vmem>> -> memref<1x128xi32, #tpu.memory_space<vmem>>
      %dma_start3A_242 = tpu.memref_squeeze %dma_start3A_241 : memref<1x128xi32, #tpu.memory_space<vmem>> -> memref<128xi32, #tpu.memory_space<vmem>>
      %dma_start3A_243 = arith.constant 0 : i32
      %dma_start3A_244 = arith.constant 0 : i32
      %dma_start3A_245 = tpu.memref_slice %arg2[%dma_start3A_243, %dma_start3A_244] : memref<100000x16xf32, #tpu.memory_space<hbm>> -> memref<100000x16xf32, #tpu.memory_space<hbm>>
      %dma_start3A_246 = tpu.memref_slice %arg8[%dma_start3A_226] : memref<2x!tpu.dma_semaphore, #tpu.memory_space<semaphore_mem>> -> memref<1x!tpu.dma_semaphore, #tpu.memory_space<semaphore_mem>>
      %dma_start3A_247 = tpu.memref_squeeze %dma_start3A_246 : memref<1x!tpu.dma_semaphore, #tpu.memory_space<semaphore_mem>> -> memref<!tpu.dma_semaphore, #tpu.memory_space<semaphore_mem>>
      tpu.enqueue_indirect_dma source(%dma_start3A_245 : memref<100000x16xf32, #tpu.memory_space<hbm>>) target(%dma_start3A_235 : memref<128x16xf32, #tpu.memory_space<vmem>>) offsets(%dma_start3A_242 : memref<128xi32, #tpu.memory_space<vmem>>) semaphore(%dma_start3A_247 : memref<!tpu.dma_semaphore, #tpu.memory_space<semaphore_mem>>)
      %dma_start3A_248 = arith.constant 0 : i32
      %dma_start3A_249 = arith.constant 4 : i32
      %dma_start3A_250 = arith.constant 0 : i32
      %dma_start3A_251 = arith.constant 4 : i32
      %dma_start3A_252 = arith.constant 0 : i32
      %dma_start3A_253 = arith.constant 0 : i32
      %dma_start3A_254 = arith.constant 0 : i32
      %dma_start3A_255 = arith.constant 0 : i32
      %dma_start3A_256 = tpu.memref_slice %arg6[%dma_start3A_250, %dma_start3A_253, %dma_start3A_254, %dma_start3A_255] : memref<2x8x128x16xf32, #tpu.memory_space<vmem>> -> memref<1x8x128x16xf32, #tpu.memory_space<vmem>>
      %dma_start3A_257 = tpu.memref_squeeze %dma_start3A_256 : memref<1x8x128x16xf32, #tpu.memory_space<vmem>> -> memref<8x128x16xf32, #tpu.memory_space<vmem>>
      %dma_start3A_258 = arith.constant 0 : i32
      %dma_start3A_259 = arith.constant 0 : i32
      %dma_start3A_260 = tpu.memref_slice %dma_start3A_257[%dma_start3A_251, %dma_start3A_258, %dma_start3A_259] : memref<8x128x16xf32, #tpu.memory_space<vmem>> -> memref<1x128x16xf32, #tpu.memory_space<vmem>>
      %dma_start3A_261 = tpu.memref_squeeze %dma_start3A_260 : memref<1x128x16xf32, #tpu.memory_space<vmem>> -> memref<128x16xf32, #tpu.memory_space<vmem>>
      %dma_start3A_262 = arith.constant 0 : i32
      %dma_start3A_263 = arith.constant 0 : i32
      %dma_start3A_264 = tpu.memref_slice %arg5[%dma_start3A_248, %dma_start3A_262, %dma_start3A_263] : memref<2x8x128xi32, #tpu.memory_space<vmem>> -> memref<1x8x128xi32, #tpu.memory_space<vmem>>
      %dma_start3A_265 = tpu.memref_squeeze %dma_start3A_264 : memref<1x8x128xi32, #tpu.memory_space<vmem>> -> memref<8x128xi32, #tpu.memory_space<vmem>>
      %dma_start3A_266 = arith.constant 0 : i32
      %dma_start3A_267 = tpu.memref_slice %dma_start3A_265[%dma_start3A_249, %dma_start3A_266] : memref<8x128xi32, #tpu.memory_space<vmem>> -> memref<1x128xi32, #tpu.memory_space<vmem>>
      %dma_start3A_268 = tpu.memref_squeeze %dma_start3A_267 : memref<1x128xi32, #tpu.memory_space<vmem>> -> memref<128xi32, #tpu.memory_space<vmem>>
      %dma_start3A_269 = arith.constant 0 : i32
      %dma_start3A_270 = arith.constant 0 : i32
      %dma_start3A_271 = tpu.memref_slice %arg2[%dma_start3A_269, %dma_start3A_270] : memref<100000x16xf32, #tpu.memory_space<hbm>> -> memref<100000x16xf32, #tpu.memory_space<hbm>>
      %dma_start3A_272 = tpu.memref_slice %arg8[%dma_start3A_252] : memref<2x!tpu.dma_semaphore, #tpu.memory_space<semaphore_mem>> -> memref<1x!tpu.dma_semaphore, #tpu.memory_space<semaphore_mem>>
      %dma_start3A_273 = tpu.memref_squeeze %dma_start3A_272 : memref<1x!tpu.dma_semaphore, #tpu.memory_space<semaphore_mem>> -> memref<!tpu.dma_semaphore, #tpu.memory_space<semaphore_mem>>
      tpu.enqueue_indirect_dma source(%dma_start3A_271 : memref<100000x16xf32, #tpu.memory_space<hbm>>) target(%dma_start3A_261 : memref<128x16xf32, #tpu.memory_space<vmem>>) offsets(%dma_start3A_268 : memref<128xi32, #tpu.memory_space<vmem>>) semaphore(%dma_start3A_273 : memref<!tpu.dma_semaphore, #tpu.memory_space<semaphore_mem>>)
      %dma_start3A_274 = arith.constant 0 : i32
      %dma_start3A_275 = arith.constant 5 : i32
      %dma_start3A_276 = arith.constant 0 : i32
      %dma_start3A_277 = arith.constant 5 : i32
      %dma_start3A_278 = arith.constant 0 : i32
      %dma_start3A_279 = arith.constant 0 : i32
      %dma_start3A_280 = arith.constant 0 : i32
      %dma_start3A_281 = arith.constant 0 : i32
      %dma_start3A_282 = tpu.memref_slice %arg6[%dma_start3A_276, %dma_start3A_279, %dma_start3A_280, %dma_start3A_281] : memref<2x8x128x16xf32, #tpu.memory_space<vmem>> -> memref<1x8x128x16xf32, #tpu.memory_space<vmem>>
      %dma_start3A_283 = tpu.memref_squeeze %dma_start3A_282 : memref<1x8x128x16xf32, #tpu.memory_space<vmem>> -> memref<8x128x16xf32, #tpu.memory_space<vmem>>
      %dma_start3A_284 = arith.constant 0 : i32
      %dma_start3A_285 = arith.constant 0 : i32
      %dma_start3A_286 = tpu.memref_slice %dma_start3A_283[%dma_start3A_277, %dma_start3A_284, %dma_start3A_285] : memref<8x128x16xf32, #tpu.memory_space<vmem>> -> memref<1x128x16xf32, #tpu.memory_space<vmem>>
      %dma_start3A_287 = tpu.memref_squeeze %dma_start3A_286 : memref<1x128x16xf32, #tpu.memory_space<vmem>> -> memref<128x16xf32, #tpu.memory_space<vmem>>
      %dma_start3A_288 = arith.constant 0 : i32
      %dma_start3A_289 = arith.constant 0 : i32
      %dma_start3A_290 = tpu.memref_slice %arg5[%dma_start3A_274, %dma_start3A_288, %dma_start3A_289] : memref<2x8x128xi32, #tpu.memory_space<vmem>> -> memref<1x8x128xi32, #tpu.memory_space<vmem>>
      %dma_start3A_291 = tpu.memref_squeeze %dma_start3A_290 : memref<1x8x128xi32, #tpu.memory_space<vmem>> -> memref<8x128xi32, #tpu.memory_space<vmem>>
      %dma_start3A_292 = arith.constant 0 : i32
      %dma_start3A_293 = tpu.memref_slice %dma_start3A_291[%dma_start3A_275, %dma_start3A_292] : memref<8x128xi32, #tpu.memory_space<vmem>> -> memref<1x128xi32, #tpu.memory_space<vmem>>
      %dma_start3A_294 = tpu.memref_squeeze %dma_start3A_293 : memref<1x128xi32, #tpu.memory_space<vmem>> -> memref<128xi32, #tpu.memory_space<vmem>>
      %dma_start3A_295 = arith.constant 0 : i32
      %dma_start3A_296 = arith.constant 0 : i32
      %dma_start3A_297 = tpu.memref_slice %arg2[%dma_start3A_295, %dma_start3A_296] : memref<100000x16xf32, #tpu.memory_space<hbm>> -> memref<100000x16xf32, #tpu.memory_space<hbm>>
      %dma_start3A_298 = tpu.memref_slice %arg8[%dma_start3A_278] : memref<2x!tpu.dma_semaphore, #tpu.memory_space<semaphore_mem>> -> memref<1x!tpu.dma_semaphore, #tpu.memory_space<semaphore_mem>>
      %dma_start3A_299 = tpu.memref_squeeze %dma_start3A_298 : memref<1x!tpu.dma_semaphore, #tpu.memory_space<semaphore_mem>> -> memref<!tpu.dma_semaphore, #tpu.memory_space<semaphore_mem>>
      tpu.enqueue_indirect_dma source(%dma_start3A_297 : memref<100000x16xf32, #tpu.memory_space<hbm>>) target(%dma_start3A_287 : memref<128x16xf32, #tpu.memory_space<vmem>>) offsets(%dma_start3A_294 : memref<128xi32, #tpu.memory_space<vmem>>) semaphore(%dma_start3A_299 : memref<!tpu.dma_semaphore, #tpu.memory_space<semaphore_mem>>)
      %dma_start3A_300 = arith.constant 0 : i32
      %dma_start3A_301 = arith.constant 6 : i32
      %dma_start3A_302 = arith.constant 0 : i32
      %dma_start3A_303 = arith.constant 6 : i32
      %dma_start3A_304 = arith.constant 0 : i32
      %dma_start3A_305 = arith.constant 0 : i32
      %dma_start3A_306 = arith.constant 0 : i32
      %dma_start3A_307 = arith.constant 0 : i32
      %dma_start3A_308 = tpu.memref_slice %arg6[%dma_start3A_302, %dma_start3A_305, %dma_start3A_306, %dma_start3A_307] : memref<2x8x128x16xf32, #tpu.memory_space<vmem>> -> memref<1x8x128x16xf32, #tpu.memory_space<vmem>>
      %dma_start3A_309 = tpu.memref_squeeze %dma_start3A_308 : memref<1x8x128x16xf32, #tpu.memory_space<vmem>> -> memref<8x128x16xf32, #tpu.memory_space<vmem>>
      %dma_start3A_310 = arith.constant 0 : i32
      %dma_start3A_311 = arith.constant 0 : i32
      %dma_start3A_312 = tpu.memref_slice %dma_start3A_309[%dma_start3A_303, %dma_start3A_310, %dma_start3A_311] : memref<8x128x16xf32, #tpu.memory_space<vmem>> -> memref<1x128x16xf32, #tpu.memory_space<vmem>>
      %dma_start3A_313 = tpu.memref_squeeze %dma_start3A_312 : memref<1x128x16xf32, #tpu.memory_space<vmem>> -> memref<128x16xf32, #tpu.memory_space<vmem>>
      %dma_start3A_314 = arith.constant 0 : i32
      %dma_start3A_315 = arith.constant 0 : i32
      %dma_start3A_316 = tpu.memref_slice %arg5[%dma_start3A_300, %dma_start3A_314, %dma_start3A_315] : memref<2x8x128xi32, #tpu.memory_space<vmem>> -> memref<1x8x128xi32, #tpu.memory_space<vmem>>
      %dma_start3A_317 = tpu.memref_squeeze %dma_start3A_316 : memref<1x8x128xi32, #tpu.memory_space<vmem>> -> memref<8x128xi32, #tpu.memory_space<vmem>>
      %dma_start3A_318 = arith.constant 0 : i32
      %dma_start3A_319 = tpu.memref_slice %dma_start3A_317[%dma_start3A_301, %dma_start3A_318] : memref<8x128xi32, #tpu.memory_space<vmem>> -> memref<1x128xi32, #tpu.memory_space<vmem>>
      %dma_start3A_320 = tpu.memref_squeeze %dma_start3A_319 : memref<1x128xi32, #tpu.memory_space<vmem>> -> memref<128xi32, #tpu.memory_space<vmem>>
      %dma_start3A_321 = arith.constant 0 : i32
      %dma_start3A_322 = arith.constant 0 : i32
      %dma_start3A_323 = tpu.memref_slice %arg2[%dma_start3A_321, %dma_start3A_322] : memref<100000x16xf32, #tpu.memory_space<hbm>> -> memref<100000x16xf32, #tpu.memory_space<hbm>>
      %dma_start3A_324 = tpu.memref_slice %arg8[%dma_start3A_304] : memref<2x!tpu.dma_semaphore, #tpu.memory_space<semaphore_mem>> -> memref<1x!tpu.dma_semaphore, #tpu.memory_space<semaphore_mem>>
      %dma_start3A_325 = tpu.memref_squeeze %dma_start3A_324 : memref<1x!tpu.dma_semaphore, #tpu.memory_space<semaphore_mem>> -> memref<!tpu.dma_semaphore, #tpu.memory_space<semaphore_mem>>
      tpu.enqueue_indirect_dma source(%dma_start3A_323 : memref<100000x16xf32, #tpu.memory_space<hbm>>) target(%dma_start3A_313 : memref<128x16xf32, #tpu.memory_space<vmem>>) offsets(%dma_start3A_320 : memref<128xi32, #tpu.memory_space<vmem>>) semaphore(%dma_start3A_325 : memref<!tpu.dma_semaphore, #tpu.memory_space<semaphore_mem>>)
      %dma_start3A_326 = arith.constant 0 : i32
      %dma_start3A_327 = arith.constant 7 : i32
      %dma_start3A_328 = arith.constant 0 : i32
      %dma_start3A_329 = arith.constant 7 : i32
      %dma_start3A_330 = arith.constant 0 : i32
      %dma_start3A_331 = arith.constant 0 : i32
      %dma_start3A_332 = arith.constant 0 : i32
      %dma_start3A_333 = arith.constant 0 : i32
      %dma_start3A_334 = tpu.memref_slice %arg6[%dma_start3A_328, %dma_start3A_331, %dma_start3A_332, %dma_start3A_333] : memref<2x8x128x16xf32, #tpu.memory_space<vmem>> -> memref<1x8x128x16xf32, #tpu.memory_space<vmem>>
      %dma_start3A_335 = tpu.memref_squeeze %dma_start3A_334 : memref<1x8x128x16xf32, #tpu.memory_space<vmem>> -> memref<8x128x16xf32, #tpu.memory_space<vmem>>
      %dma_start3A_336 = arith.constant 0 : i32
      %dma_start3A_337 = arith.constant 0 : i32
      %dma_start3A_338 = tpu.memref_slice %dma_start3A_335[%dma_start3A_329, %dma_start3A_336, %dma_start3A_337] : memref<8x128x16xf32, #tpu.memory_space<vmem>> -> memref<1x128x16xf32, #tpu.memory_space<vmem>>
      %dma_start3A_339 = tpu.memref_squeeze %dma_start3A_338 : memref<1x128x16xf32, #tpu.memory_space<vmem>> -> memref<128x16xf32, #tpu.memory_space<vmem>>
      %dma_start3A_340 = arith.constant 0 : i32
      %dma_start3A_341 = arith.constant 0 : i32
      %dma_start3A_342 = tpu.memref_slice %arg5[%dma_start3A_326, %dma_start3A_340, %dma_start3A_341] : memref<2x8x128xi32, #tpu.memory_space<vmem>> -> memref<1x8x128xi32, #tpu.memory_space<vmem>>
      %dma_start3A_343 = tpu.memref_squeeze %dma_start3A_342 : memref<1x8x128xi32, #tpu.memory_space<vmem>> -> memref<8x128xi32, #tpu.memory_space<vmem>>
      %dma_start3A_344 = arith.constant 0 : i32
      %dma_start3A_345 = tpu.memref_slice %dma_start3A_343[%dma_start3A_327, %dma_start3A_344] : memref<8x128xi32, #tpu.memory_space<vmem>> -> memref<1x128xi32, #tpu.memory_space<vmem>>
      %dma_start3A_346 = tpu.memref_squeeze %dma_start3A_345 : memref<1x128xi32, #tpu.memory_space<vmem>> -> memref<128xi32, #tpu.memory_space<vmem>>
      %dma_start3A_347 = arith.constant 0 : i32
      %dma_start3A_348 = arith.constant 0 : i32
      %dma_start3A_349 = tpu.memref_slice %arg2[%dma_start3A_347, %dma_start3A_348] : memref<100000x16xf32, #tpu.memory_space<hbm>> -> memref<100000x16xf32, #tpu.memory_space<hbm>>
      %dma_start3A_350 = tpu.memref_slice %arg8[%dma_start3A_330] : memref<2x!tpu.dma_semaphore, #tpu.memory_space<semaphore_mem>> -> memref<1x!tpu.dma_semaphore, #tpu.memory_space<semaphore_mem>>
      %dma_start3A_351 = tpu.memref_squeeze %dma_start3A_350 : memref<1x!tpu.dma_semaphore, #tpu.memory_space<semaphore_mem>> -> memref<!tpu.dma_semaphore, #tpu.memory_space<semaphore_mem>>
      tpu.enqueue_indirect_dma source(%dma_start3A_349 : memref<100000x16xf32, #tpu.memory_space<hbm>>) target(%dma_start3A_339 : memref<128x16xf32, #tpu.memory_space<vmem>>) offsets(%dma_start3A_346 : memref<128xi32, #tpu.memory_space<vmem>>) semaphore(%dma_start3A_351 : memref<!tpu.dma_semaphore, #tpu.memory_space<semaphore_mem>>)
      %dma_wait3A_352 = arith.constant 0 : i32
      %dma_wait3A_353 = arith.constant 0 : i32
      %dma_wait3A_354 = arith.constant 0 : i32
      %dma_wait3A_355 = arith.constant 0 : i32
      %dma_wait3A_356 = arith.constant 0 : i32
      %dma_wait3A_357 = arith.constant 0 : i32
      %dma_wait3A_358 = arith.constant 0 : i32
      %dma_wait3A_359 = arith.constant 0 : i32
      %dma_wait3A_360 = tpu.memref_slice %arg6[%dma_wait3A_354, %dma_wait3A_357, %dma_wait3A_358, %dma_wait3A_359] : memref<2x8x128x16xf32, #tpu.memory_space<vmem>> -> memref<1x8x128x16xf32, #tpu.memory_space<vmem>>
      %dma_wait3A_361 = tpu.memref_squeeze %dma_wait3A_360 : memref<1x8x128x16xf32, #tpu.memory_space<vmem>> -> memref<8x128x16xf32, #tpu.memory_space<vmem>>
      %dma_wait3A_362 = arith.constant 0 : i32
      %dma_wait3A_363 = arith.constant 0 : i32
      %dma_wait3A_364 = tpu.memref_slice %dma_wait3A_361[%dma_wait3A_355, %dma_wait3A_362, %dma_wait3A_363] : memref<8x128x16xf32, #tpu.memory_space<vmem>> -> memref<1x128x16xf32, #tpu.memory_space<vmem>>
      %dma_wait3A_365 = tpu.memref_squeeze %dma_wait3A_364 : memref<1x128x16xf32, #tpu.memory_space<vmem>> -> memref<128x16xf32, #tpu.memory_space<vmem>>
      %dma_wait3A_366 = arith.constant 0 : i32
      %dma_wait3A_367 = arith.constant 0 : i32
      %dma_wait3A_368 = tpu.memref_slice %arg5[%dma_wait3A_352, %dma_wait3A_366, %dma_wait3A_367] : memref<2x8x128xi32, #tpu.memory_space<vmem>> -> memref<1x8x128xi32, #tpu.memory_space<vmem>>
      %dma_wait3A_369 = tpu.memref_squeeze %dma_wait3A_368 : memref<1x8x128xi32, #tpu.memory_space<vmem>> -> memref<8x128xi32, #tpu.memory_space<vmem>>
      %dma_wait3A_370 = arith.constant 0 : i32
      %dma_wait3A_371 = tpu.memref_slice %dma_wait3A_369[%dma_wait3A_353, %dma_wait3A_370] : memref<8x128xi32, #tpu.memory_space<vmem>> -> memref<1x128xi32, #tpu.memory_space<vmem>>
      %dma_wait3A_372 = tpu.memref_squeeze %dma_wait3A_371 : memref<1x128xi32, #tpu.memory_space<vmem>> -> memref<128xi32, #tpu.memory_space<vmem>>
      %dma_wait3A_373 = arith.constant 0 : i32
      %dma_wait3A_374 = arith.constant 0 : i32
      %dma_wait3A_375 = tpu.memref_slice %arg2[%dma_wait3A_373, %dma_wait3A_374] : memref<100000x16xf32, #tpu.memory_space<hbm>> -> memref<100000x16xf32, #tpu.memory_space<hbm>>
      %dma_wait3A_376 = tpu.memref_slice %arg8[%dma_wait3A_356] : memref<2x!tpu.dma_semaphore, #tpu.memory_space<semaphore_mem>> -> memref<1x!tpu.dma_semaphore, #tpu.memory_space<semaphore_mem>>
      %dma_wait3A_377 = tpu.memref_squeeze %dma_wait3A_376 : memref<1x!tpu.dma_semaphore, #tpu.memory_space<semaphore_mem>> -> memref<!tpu.dma_semaphore, #tpu.memory_space<semaphore_mem>>
      tpu.wait_indirect_dma semaphore(%dma_wait3A_377 : memref<!tpu.dma_semaphore, #tpu.memory_space<semaphore_mem>>) src(%dma_wait3A_375 : memref<100000x16xf32, #tpu.memory_space<hbm>>) dst(%dma_wait3A_365 : memref<128x16xf32, #tpu.memory_space<vmem>>)
      %dma_wait3A_378 = arith.constant 0 : i32
      %dma_wait3A_379 = arith.constant 1 : i32
      %dma_wait3A_380 = arith.constant 0 : i32
      %dma_wait3A_381 = arith.constant 1 : i32
      %dma_wait3A_382 = arith.constant 0 : i32
      %dma_wait3A_383 = arith.constant 0 : i32
      %dma_wait3A_384 = arith.constant 0 : i32
      %dma_wait3A_385 = arith.constant 0 : i32
      %dma_wait3A_386 = tpu.memref_slice %arg6[%dma_wait3A_380, %dma_wait3A_383, %dma_wait3A_384, %dma_wait3A_385] : memref<2x8x128x16xf32, #tpu.memory_space<vmem>> -> memref<1x8x128x16xf32, #tpu.memory_space<vmem>>
      %dma_wait3A_387 = tpu.memref_squeeze %dma_wait3A_386 : memref<1x8x128x16xf32, #tpu.memory_space<vmem>> -> memref<8x128x16xf32, #tpu.memory_space<vmem>>
      %dma_wait3A_388 = arith.constant 0 : i32
      %dma_wait3A_389 = arith.constant 0 : i32
      %dma_wait3A_390 = tpu.memref_slice %dma_wait3A_387[%dma_wait3A_381, %dma_wait3A_388, %dma_wait3A_389] : memref<8x128x16xf32, #tpu.memory_space<vmem>> -> memref<1x128x16xf32, #tpu.memory_space<vmem>>
      %dma_wait3A_391 = tpu.memref_squeeze %dma_wait3A_390 : memref<1x128x16xf32, #tpu.memory_space<vmem>> -> memref<128x16xf32, #tpu.memory_space<vmem>>
      %dma_wait3A_392 = arith.constant 0 : i32
      %dma_wait3A_393 = arith.constant 0 : i32
      %dma_wait3A_394 = tpu.memref_slice %arg5[%dma_wait3A_378, %dma_wait3A_392, %dma_wait3A_393] : memref<2x8x128xi32, #tpu.memory_space<vmem>> -> memref<1x8x128xi32, #tpu.memory_space<vmem>>
      %dma_wait3A_395 = tpu.memref_squeeze %dma_wait3A_394 : memref<1x8x128xi32, #tpu.memory_space<vmem>> -> memref<8x128xi32, #tpu.memory_space<vmem>>
      %dma_wait3A_396 = arith.constant 0 : i32
      %dma_wait3A_397 = tpu.memref_slice %dma_wait3A_395[%dma_wait3A_379, %dma_wait3A_396] : memref<8x128xi32, #tpu.memory_space<vmem>> -> memref<1x128xi32, #tpu.memory_space<vmem>>
      %dma_wait3A_398 = tpu.memref_squeeze %dma_wait3A_397 : memref<1x128xi32, #tpu.memory_space<vmem>> -> memref<128xi32, #tpu.memory_space<vmem>>
      %dma_wait3A_399 = arith.constant 0 : i32
      %dma_wait3A_400 = arith.constant 0 : i32
      %dma_wait3A_401 = tpu.memref_slice %arg2[%dma_wait3A_399, %dma_wait3A_400] : memref<100000x16xf32, #tpu.memory_space<hbm>> -> memref<100000x16xf32, #tpu.memory_space<hbm>>
      %dma_wait3A_402 = tpu.memref_slice %arg8[%dma_wait3A_382] : memref<2x!tpu.dma_semaphore, #tpu.memory_space<semaphore_mem>> -> memref<1x!tpu.dma_semaphore, #tpu.memory_space<semaphore_mem>>
      %dma_wait3A_403 = tpu.memref_squeeze %dma_wait3A_402 : memref<1x!tpu.dma_semaphore, #tpu.memory_space<semaphore_mem>> -> memref<!tpu.dma_semaphore, #tpu.memory_space<semaphore_mem>>
      tpu.wait_indirect_dma semaphore(%dma_wait3A_403 : memref<!tpu.dma_semaphore, #tpu.memory_space<semaphore_mem>>) src(%dma_wait3A_401 : memref<100000x16xf32, #tpu.memory_space<hbm>>) dst(%dma_wait3A_391 : memref<128x16xf32, #tpu.memory_space<vmem>>)
      %dma_wait3A_404 = arith.constant 0 : i32
      %dma_wait3A_405 = arith.constant 2 : i32
      %dma_wait3A_406 = arith.constant 0 : i32
      %dma_wait3A_407 = arith.constant 2 : i32
      %dma_wait3A_408 = arith.constant 0 : i32
      %dma_wait3A_409 = arith.constant 0 : i32
      %dma_wait3A_410 = arith.constant 0 : i32
      %dma_wait3A_411 = arith.constant 0 : i32
      %dma_wait3A_412 = tpu.memref_slice %arg6[%dma_wait3A_406, %dma_wait3A_409, %dma_wait3A_410, %dma_wait3A_411] : memref<2x8x128x16xf32, #tpu.memory_space<vmem>> -> memref<1x8x128x16xf32, #tpu.memory_space<vmem>>
      %dma_wait3A_413 = tpu.memref_squeeze %dma_wait3A_412 : memref<1x8x128x16xf32, #tpu.memory_space<vmem>> -> memref<8x128x16xf32, #tpu.memory_space<vmem>>
      %dma_wait3A_414 = arith.constant 0 : i32
      %dma_wait3A_415 = arith.constant 0 : i32
      %dma_wait3A_416 = tpu.memref_slice %dma_wait3A_413[%dma_wait3A_407, %dma_wait3A_414, %dma_wait3A_415] : memref<8x128x16xf32, #tpu.memory_space<vmem>> -> memref<1x128x16xf32, #tpu.memory_space<vmem>>
      %dma_wait3A_417 = tpu.memref_squeeze %dma_wait3A_416 : memref<1x128x16xf32, #tpu.memory_space<vmem>> -> memref<128x16xf32, #tpu.memory_space<vmem>>
      %dma_wait3A_418 = arith.constant 0 : i32
      %dma_wait3A_419 = arith.constant 0 : i32
      %dma_wait3A_420 = tpu.memref_slice %arg5[%dma_wait3A_404, %dma_wait3A_418, %dma_wait3A_419] : memref<2x8x128xi32, #tpu.memory_space<vmem>> -> memref<1x8x128xi32, #tpu.memory_space<vmem>>
      %dma_wait3A_421 = tpu.memref_squeeze %dma_wait3A_420 : memref<1x8x128xi32, #tpu.memory_space<vmem>> -> memref<8x128xi32, #tpu.memory_space<vmem>>
      %dma_wait3A_422 = arith.constant 0 : i32
      %dma_wait3A_423 = tpu.memref_slice %dma_wait3A_421[%dma_wait3A_405, %dma_wait3A_422] : memref<8x128xi32, #tpu.memory_space<vmem>> -> memref<1x128xi32, #tpu.memory_space<vmem>>
      %dma_wait3A_424 = tpu.memref_squeeze %dma_wait3A_423 : memref<1x128xi32, #tpu.memory_space<vmem>> -> memref<128xi32, #tpu.memory_space<vmem>>
      %dma_wait3A_425 = arith.constant 0 : i32
      %dma_wait3A_426 = arith.constant 0 : i32
      %dma_wait3A_427 = tpu.memref_slice %arg2[%dma_wait3A_425, %dma_wait3A_426] : memref<100000x16xf32, #tpu.memory_space<hbm>> -> memref<100000x16xf32, #tpu.memory_space<hbm>>
      %dma_wait3A_428 = tpu.memref_slice %arg8[%dma_wait3A_408] : memref<2x!tpu.dma_semaphore, #tpu.memory_space<semaphore_mem>> -> memref<1x!tpu.dma_semaphore, #tpu.memory_space<semaphore_mem>>
      %dma_wait3A_429 = tpu.memref_squeeze %dma_wait3A_428 : memref<1x!tpu.dma_semaphore, #tpu.memory_space<semaphore_mem>> -> memref<!tpu.dma_semaphore, #tpu.memory_space<semaphore_mem>>
      tpu.wait_indirect_dma semaphore(%dma_wait3A_429 : memref<!tpu.dma_semaphore, #tpu.memory_space<semaphore_mem>>) src(%dma_wait3A_427 : memref<100000x16xf32, #tpu.memory_space<hbm>>) dst(%dma_wait3A_417 : memref<128x16xf32, #tpu.memory_space<vmem>>)
      %dma_wait3A_430 = arith.constant 0 : i32
      %dma_wait3A_431 = arith.constant 3 : i32
      %dma_wait3A_432 = arith.constant 0 : i32
      %dma_wait3A_433 = arith.constant 3 : i32
      %dma_wait3A_434 = arith.constant 0 : i32
      %dma_wait3A_435 = arith.constant 0 : i32
      %dma_wait3A_436 = arith.constant 0 : i32
      %dma_wait3A_437 = arith.constant 0 : i32
      %dma_wait3A_438 = tpu.memref_slice %arg6[%dma_wait3A_432, %dma_wait3A_435, %dma_wait3A_436, %dma_wait3A_437] : memref<2x8x128x16xf32, #tpu.memory_space<vmem>> -> memref<1x8x128x16xf32, #tpu.memory_space<vmem>>
      %dma_wait3A_439 = tpu.memref_squeeze %dma_wait3A_438 : memref<1x8x128x16xf32, #tpu.memory_space<vmem>> -> memref<8x128x16xf32, #tpu.memory_space<vmem>>
      %dma_wait3A_440 = arith.constant 0 : i32
      %dma_wait3A_441 = arith.constant 0 : i32
      %dma_wait3A_442 = tpu.memref_slice %dma_wait3A_439[%dma_wait3A_433, %dma_wait3A_440, %dma_wait3A_441] : memref<8x128x16xf32, #tpu.memory_space<vmem>> -> memref<1x128x16xf32, #tpu.memory_space<vmem>>
      %dma_wait3A_443 = tpu.memref_squeeze %dma_wait3A_442 : memref<1x128x16xf32, #tpu.memory_space<vmem>> -> memref<128x16xf32, #tpu.memory_space<vmem>>
      %dma_wait3A_444 = arith.constant 0 : i32
      %dma_wait3A_445 = arith.constant 0 : i32
      %dma_wait3A_446 = tpu.memref_slice %arg5[%dma_wait3A_430, %dma_wait3A_444, %dma_wait3A_445] : memref<2x8x128xi32, #tpu.memory_space<vmem>> -> memref<1x8x128xi32, #tpu.memory_space<vmem>>
      %dma_wait3A_447 = tpu.memref_squeeze %dma_wait3A_446 : memref<1x8x128xi32, #tpu.memory_space<vmem>> -> memref<8x128xi32, #tpu.memory_space<vmem>>
      %dma_wait3A_448 = arith.constant 0 : i32
      %dma_wait3A_449 = tpu.memref_slice %dma_wait3A_447[%dma_wait3A_431, %dma_wait3A_448] : memref<8x128xi32, #tpu.memory_space<vmem>> -> memref<1x128xi32, #tpu.memory_space<vmem>>
      %dma_wait3A_450 = tpu.memref_squeeze %dma_wait3A_449 : memref<1x128xi32, #tpu.memory_space<vmem>> -> memref<128xi32, #tpu.memory_space<vmem>>
      %dma_wait3A_451 = arith.constant 0 : i32
      %dma_wait3A_452 = arith.constant 0 : i32
      %dma_wait3A_453 = tpu.memref_slice %arg2[%dma_wait3A_451, %dma_wait3A_452] : memref<100000x16xf32, #tpu.memory_space<hbm>> -> memref<100000x16xf32, #tpu.memory_space<hbm>>
      %dma_wait3A_454 = tpu.memref_slice %arg8[%dma_wait3A_434] : memref<2x!tpu.dma_semaphore, #tpu.memory_space<semaphore_mem>> -> memref<1x!tpu.dma_semaphore, #tpu.memory_space<semaphore_mem>>
      %dma_wait3A_455 = tpu.memref_squeeze %dma_wait3A_454 : memref<1x!tpu.dma_semaphore, #tpu.memory_space<semaphore_mem>> -> memref<!tpu.dma_semaphore, #tpu.memory_space<semaphore_mem>>
      tpu.wait_indirect_dma semaphore(%dma_wait3A_455 : memref<!tpu.dma_semaphore, #tpu.memory_space<semaphore_mem>>) src(%dma_wait3A_453 : memref<100000x16xf32, #tpu.memory_space<hbm>>) dst(%dma_wait3A_443 : memref<128x16xf32, #tpu.memory_space<vmem>>)
      %dma_wait3A_456 = arith.constant 0 : i32
      %dma_wait3A_457 = arith.constant 4 : i32
      %dma_wait3A_458 = arith.constant 0 : i32
      %dma_wait3A_459 = arith.constant 4 : i32
      %dma_wait3A_460 = arith.constant 0 : i32
      %dma_wait3A_461 = arith.constant 0 : i32
      %dma_wait3A_462 = arith.constant 0 : i32
      %dma_wait3A_463 = arith.constant 0 : i32
      %dma_wait3A_464 = tpu.memref_slice %arg6[%dma_wait3A_458, %dma_wait3A_461, %dma_wait3A_462, %dma_wait3A_463] : memref<2x8x128x16xf32, #tpu.memory_space<vmem>> -> memref<1x8x128x16xf32, #tpu.memory_space<vmem>>
      %dma_wait3A_465 = tpu.memref_squeeze %dma_wait3A_464 : memref<1x8x128x16xf32, #tpu.memory_space<vmem>> -> memref<8x128x16xf32, #tpu.memory_space<vmem>>
      %dma_wait3A_466 = arith.constant 0 : i32
      %dma_wait3A_467 = arith.constant 0 : i32
      %dma_wait3A_468 = tpu.memref_slice %dma_wait3A_465[%dma_wait3A_459, %dma_wait3A_466, %dma_wait3A_467] : memref<8x128x16xf32, #tpu.memory_space<vmem>> -> memref<1x128x16xf32, #tpu.memory_space<vmem>>
      %dma_wait3A_469 = tpu.memref_squeeze %dma_wait3A_468 : memref<1x128x16xf32, #tpu.memory_space<vmem>> -> memref<128x16xf32, #tpu.memory_space<vmem>>
      %dma_wait3A_470 = arith.constant 0 : i32
      %dma_wait3A_471 = arith.constant 0 : i32
      %dma_wait3A_472 = tpu.memref_slice %arg5[%dma_wait3A_456, %dma_wait3A_470, %dma_wait3A_471] : memref<2x8x128xi32, #tpu.memory_space<vmem>> -> memref<1x8x128xi32, #tpu.memory_space<vmem>>
      %dma_wait3A_473 = tpu.memref_squeeze %dma_wait3A_472 : memref<1x8x128xi32, #tpu.memory_space<vmem>> -> memref<8x128xi32, #tpu.memory_space<vmem>>
      %dma_wait3A_474 = arith.constant 0 : i32
      %dma_wait3A_475 = tpu.memref_slice %dma_wait3A_473[%dma_wait3A_457, %dma_wait3A_474] : memref<8x128xi32, #tpu.memory_space<vmem>> -> memref<1x128xi32, #tpu.memory_space<vmem>>
      %dma_wait3A_476 = tpu.memref_squeeze %dma_wait3A_475 : memref<1x128xi32, #tpu.memory_space<vmem>> -> memref<128xi32, #tpu.memory_space<vmem>>
      %dma_wait3A_477 = arith.constant 0 : i32
      %dma_wait3A_478 = arith.constant 0 : i32
      %dma_wait3A_479 = tpu.memref_slice %arg2[%dma_wait3A_477, %dma_wait3A_478] : memref<100000x16xf32, #tpu.memory_space<hbm>> -> memref<100000x16xf32, #tpu.memory_space<hbm>>
      %dma_wait3A_480 = tpu.memref_slice %arg8[%dma_wait3A_460] : memref<2x!tpu.dma_semaphore, #tpu.memory_space<semaphore_mem>> -> memref<1x!tpu.dma_semaphore, #tpu.memory_space<semaphore_mem>>
      %dma_wait3A_481 = tpu.memref_squeeze %dma_wait3A_480 : memref<1x!tpu.dma_semaphore, #tpu.memory_space<semaphore_mem>> -> memref<!tpu.dma_semaphore, #tpu.memory_space<semaphore_mem>>
      tpu.wait_indirect_dma semaphore(%dma_wait3A_481 : memref<!tpu.dma_semaphore, #tpu.memory_space<semaphore_mem>>) src(%dma_wait3A_479 : memref<100000x16xf32, #tpu.memory_space<hbm>>) dst(%dma_wait3A_469 : memref<128x16xf32, #tpu.memory_space<vmem>>)
      %dma_wait3A_482 = arith.constant 0 : i32
      %dma_wait3A_483 = arith.constant 5 : i32
      %dma_wait3A_484 = arith.constant 0 : i32
      %dma_wait3A_485 = arith.constant 5 : i32
      %dma_wait3A_486 = arith.constant 0 : i32
      %dma_wait3A_487 = arith.constant 0 : i32
      %dma_wait3A_488 = arith.constant 0 : i32
      %dma_wait3A_489 = arith.constant 0 : i32
      %dma_wait3A_490 = tpu.memref_slice %arg6[%dma_wait3A_484, %dma_wait3A_487, %dma_wait3A_488, %dma_wait3A_489] : memref<2x8x128x16xf32, #tpu.memory_space<vmem>> -> memref<1x8x128x16xf32, #tpu.memory_space<vmem>>
      %dma_wait3A_491 = tpu.memref_squeeze %dma_wait3A_490 : memref<1x8x128x16xf32, #tpu.memory_space<vmem>> -> memref<8x128x16xf32, #tpu.memory_space<vmem>>
      %dma_wait3A_492 = arith.constant 0 : i32
      %dma_wait3A_493 = arith.constant 0 : i32
      %dma_wait3A_494 = tpu.memref_slice %dma_wait3A_491[%dma_wait3A_485, %dma_wait3A_492, %dma_wait3A_493] : memref<8x128x16xf32, #tpu.memory_space<vmem>> -> memref<1x128x16xf32, #tpu.memory_space<vmem>>
      %dma_wait3A_495 = tpu.memref_squeeze %dma_wait3A_494 : memref<1x128x16xf32, #tpu.memory_space<vmem>> -> memref<128x16xf32, #tpu.memory_space<vmem>>
      %dma_wait3A_496 = arith.constant 0 : i32
      %dma_wait3A_497 = arith.constant 0 : i32
      %dma_wait3A_498 = tpu.memref_slice %arg5[%dma_wait3A_482, %dma_wait3A_496, %dma_wait3A_497] : memref<2x8x128xi32, #tpu.memory_space<vmem>> -> memref<1x8x128xi32, #tpu.memory_space<vmem>>
      %dma_wait3A_499 = tpu.memref_squeeze %dma_wait3A_498 : memref<1x8x128xi32, #tpu.memory_space<vmem>> -> memref<8x128xi32, #tpu.memory_space<vmem>>
      %dma_wait3A_500 = arith.constant 0 : i32
      %dma_wait3A_501 = tpu.memref_slice %dma_wait3A_499[%dma_wait3A_483, %dma_wait3A_500] : memref<8x128xi32, #tpu.memory_space<vmem>> -> memref<1x128xi32, #tpu.memory_space<vmem>>
      %dma_wait3A_502 = tpu.memref_squeeze %dma_wait3A_501 : memref<1x128xi32, #tpu.memory_space<vmem>> -> memref<128xi32, #tpu.memory_space<vmem>>
      %dma_wait3A_503 = arith.constant 0 : i32
      %dma_wait3A_504 = arith.constant 0 : i32
      %dma_wait3A_505 = tpu.memref_slice %arg2[%dma_wait3A_503, %dma_wait3A_504] : memref<100000x16xf32, #tpu.memory_space<hbm>> -> memref<100000x16xf32, #tpu.memory_space<hbm>>
      %dma_wait3A_506 = tpu.memref_slice %arg8[%dma_wait3A_486] : memref<2x!tpu.dma_semaphore, #tpu.memory_space<semaphore_mem>> -> memref<1x!tpu.dma_semaphore, #tpu.memory_space<semaphore_mem>>
      %dma_wait3A_507 = tpu.memref_squeeze %dma_wait3A_506 : memref<1x!tpu.dma_semaphore, #tpu.memory_space<semaphore_mem>> -> memref<!tpu.dma_semaphore, #tpu.memory_space<semaphore_mem>>
      tpu.wait_indirect_dma semaphore(%dma_wait3A_507 : memref<!tpu.dma_semaphore, #tpu.memory_space<semaphore_mem>>) src(%dma_wait3A_505 : memref<100000x16xf32, #tpu.memory_space<hbm>>) dst(%dma_wait3A_495 : memref<128x16xf32, #tpu.memory_space<vmem>>)
      %dma_wait3A_508 = arith.constant 0 : i32
      %dma_wait3A_509 = arith.constant 6 : i32
      %dma_wait3A_510 = arith.constant 0 : i32
      %dma_wait3A_511 = arith.constant 6 : i32
      %dma_wait3A_512 = arith.constant 0 : i32
      %dma_wait3A_513 = arith.constant 0 : i32
      %dma_wait3A_514 = arith.constant 0 : i32
      %dma_wait3A_515 = arith.constant 0 : i32
      %dma_wait3A_516 = tpu.memref_slice %arg6[%dma_wait3A_510, %dma_wait3A_513, %dma_wait3A_514, %dma_wait3A_515] : memref<2x8x128x16xf32, #tpu.memory_space<vmem>> -> memref<1x8x128x16xf32, #tpu.memory_space<vmem>>
      %dma_wait3A_517 = tpu.memref_squeeze %dma_wait3A_516 : memref<1x8x128x16xf32, #tpu.memory_space<vmem>> -> memref<8x128x16xf32, #tpu.memory_space<vmem>>
      %dma_wait3A_518 = arith.constant 0 : i32
      %dma_wait3A_519 = arith.constant 0 : i32
      %dma_wait3A_520 = tpu.memref_slice %dma_wait3A_517[%dma_wait3A_511, %dma_wait3A_518, %dma_wait3A_519] : memref<8x128x16xf32, #tpu.memory_space<vmem>> -> memref<1x128x16xf32, #tpu.memory_space<vmem>>
      %dma_wait3A_521 = tpu.memref_squeeze %dma_wait3A_520 : memref<1x128x16xf32, #tpu.memory_space<vmem>> -> memref<128x16xf32, #tpu.memory_space<vmem>>
      %dma_wait3A_522 = arith.constant 0 : i32
      %dma_wait3A_523 = arith.constant 0 : i32
      %dma_wait3A_524 = tpu.memref_slice %arg5[%dma_wait3A_508, %dma_wait3A_522, %dma_wait3A_523] : memref<2x8x128xi32, #tpu.memory_space<vmem>> -> memref<1x8x128xi32, #tpu.memory_space<vmem>>
      %dma_wait3A_525 = tpu.memref_squeeze %dma_wait3A_524 : memref<1x8x128xi32, #tpu.memory_space<vmem>> -> memref<8x128xi32, #tpu.memory_space<vmem>>
      %dma_wait3A_526 = arith.constant 0 : i32
      %dma_wait3A_527 = tpu.memref_slice %dma_wait3A_525[%dma_wait3A_509, %dma_wait3A_526] : memref<8x128xi32, #tpu.memory_space<vmem>> -> memref<1x128xi32, #tpu.memory_space<vmem>>
      %dma_wait3A_528 = tpu.memref_squeeze %dma_wait3A_527 : memref<1x128xi32, #tpu.memory_space<vmem>> -> memref<128xi32, #tpu.memory_space<vmem>>
      %dma_wait3A_529 = arith.constant 0 : i32
      %dma_wait3A_530 = arith.constant 0 : i32
      %dma_wait3A_531 = tpu.memref_slice %arg2[%dma_wait3A_529, %dma_wait3A_530] : memref<100000x16xf32, #tpu.memory_space<hbm>> -> memref<100000x16xf32, #tpu.memory_space<hbm>>
      %dma_wait3A_532 = tpu.memref_slice %arg8[%dma_wait3A_512] : memref<2x!tpu.dma_semaphore, #tpu.memory_space<semaphore_mem>> -> memref<1x!tpu.dma_semaphore, #tpu.memory_space<semaphore_mem>>
      %dma_wait3A_533 = tpu.memref_squeeze %dma_wait3A_532 : memref<1x!tpu.dma_semaphore, #tpu.memory_space<semaphore_mem>> -> memref<!tpu.dma_semaphore, #tpu.memory_space<semaphore_mem>>
      tpu.wait_indirect_dma semaphore(%dma_wait3A_533 : memref<!tpu.dma_semaphore, #tpu.memory_space<semaphore_mem>>) src(%dma_wait3A_531 : memref<100000x16xf32, #tpu.memory_space<hbm>>) dst(%dma_wait3A_521 : memref<128x16xf32, #tpu.memory_space<vmem>>)
      %dma_wait3A_534 = arith.constant 0 : i32
      %dma_wait3A_535 = arith.constant 7 : i32
      %dma_wait3A_536 = arith.constant 0 : i32
      %dma_wait3A_537 = arith.constant 7 : i32
      %dma_wait3A_538 = arith.constant 0 : i32
      %dma_wait3A_539 = arith.constant 0 : i32
      %dma_wait3A_540 = arith.constant 0 : i32
      %dma_wait3A_541 = arith.constant 0 : i32
      %dma_wait3A_542 = tpu.memref_slice %arg6[%dma_wait3A_536, %dma_wait3A_539, %dma_wait3A_540, %dma_wait3A_541] : memref<2x8x128x16xf32, #tpu.memory_space<vmem>> -> memref<1x8x128x16xf32, #tpu.memory_space<vmem>>
      %dma_wait3A_543 = tpu.memref_squeeze %dma_wait3A_542 : memref<1x8x128x16xf32, #tpu.memory_space<vmem>> -> memref<8x128x16xf32, #tpu.memory_space<vmem>>
      %dma_wait3A_544 = arith.constant 0 : i32
      %dma_wait3A_545 = arith.constant 0 : i32
      %dma_wait3A_546 = tpu.memref_slice %dma_wait3A_543[%dma_wait3A_537, %dma_wait3A_544, %dma_wait3A_545] : memref<8x128x16xf32, #tpu.memory_space<vmem>> -> memref<1x128x16xf32, #tpu.memory_space<vmem>>
      %dma_wait3A_547 = tpu.memref_squeeze %dma_wait3A_546 : memref<1x128x16xf32, #tpu.memory_space<vmem>> -> memref<128x16xf32, #tpu.memory_space<vmem>>
      %dma_wait3A_548 = arith.constant 0 : i32
      %dma_wait3A_549 = arith.constant 0 : i32
      %dma_wait3A_550 = tpu.memref_slice %arg5[%dma_wait3A_534, %dma_wait3A_548, %dma_wait3A_549] : memref<2x8x128xi32, #tpu.memory_space<vmem>> -> memref<1x8x128xi32, #tpu.memory_space<vmem>>
      %dma_wait3A_551 = tpu.memref_squeeze %dma_wait3A_550 : memref<1x8x128xi32, #tpu.memory_space<vmem>> -> memref<8x128xi32, #tpu.memory_space<vmem>>
      %dma_wait3A_552 = arith.constant 0 : i32
      %dma_wait3A_553 = tpu.memref_slice %dma_wait3A_551[%dma_wait3A_535, %dma_wait3A_552] : memref<8x128xi32, #tpu.memory_space<vmem>> -> memref<1x128xi32, #tpu.memory_space<vmem>>
      %dma_wait3A_554 = tpu.memref_squeeze %dma_wait3A_553 : memref<1x128xi32, #tpu.memory_space<vmem>> -> memref<128xi32, #tpu.memory_space<vmem>>
      %dma_wait3A_555 = arith.constant 0 : i32
      %dma_wait3A_556 = arith.constant 0 : i32
      %dma_wait3A_557 = tpu.memref_slice %arg2[%dma_wait3A_555, %dma_wait3A_556] : memref<100000x16xf32, #tpu.memory_space<hbm>> -> memref<100000x16xf32, #tpu.memory_space<hbm>>
      %dma_wait3A_558 = tpu.memref_slice %arg8[%dma_wait3A_538] : memref<2x!tpu.dma_semaphore, #tpu.memory_space<semaphore_mem>> -> memref<1x!tpu.dma_semaphore, #tpu.memory_space<semaphore_mem>>
      %dma_wait3A_559 = tpu.memref_squeeze %dma_wait3A_558 : memref<1x!tpu.dma_semaphore, #tpu.memory_space<semaphore_mem>> -> memref<!tpu.dma_semaphore, #tpu.memory_space<semaphore_mem>>
      tpu.wait_indirect_dma semaphore(%dma_wait3A_559 : memref<!tpu.dma_semaphore, #tpu.memory_space<semaphore_mem>>) src(%dma_wait3A_557 : memref<100000x16xf32, #tpu.memory_space<hbm>>) dst(%dma_wait3A_547 : memref<128x16xf32, #tpu.memory_space<vmem>>)
      %add3A_560 = arith.constant 16 : i32
      %add3A_561 = arith.addi %add3A_125, %add3A_560 : i32
      %min3A = arith.minsi %add3A_561, %add3A_6 : i32
      %dma_start3A_562 = arith.constant 0 : i32
      %dma_start3A_563 = arith.constant 0 : i32
      %dma_start3A_564 = arith.constant 0 : i32
      %dma_start3A_565 = arith.constant 0 : i32
      %dma_start3A_566 = tpu.memref_slice %arg5[%dma_start3A_562, %dma_start3A_564, %dma_start3A_565] : memref<2x8x128xi32, #tpu.memory_space<vmem>> -> memref<1x8x128xi32, #tpu.memory_space<vmem>>
      %dma_start3A_567 = tpu.memref_squeeze %dma_start3A_566 : memref<1x8x128xi32, #tpu.memory_space<vmem>> -> memref<8x128xi32, #tpu.memory_space<vmem>>
      %dma_start3A_568 = arith.constant 0 : i32
      %dma_start3A_569 = tpu.memref_slice %arg3[%min3A, %dma_start3A_568] : memref<12800x128xi32, #tpu.memory_space<hbm>> -> memref<8x128xi32, #tpu.memory_space<hbm>>
      %dma_start3A_570 = tpu.memref_slice %arg7[%dma_start3A_563] : memref<2x!tpu.dma_semaphore, #tpu.memory_space<semaphore_mem>> -> memref<1x!tpu.dma_semaphore, #tpu.memory_space<semaphore_mem>>
      %dma_start3A_571 = tpu.memref_squeeze %dma_start3A_570 : memref<1x!tpu.dma_semaphore, #tpu.memory_space<semaphore_mem>> -> memref<!tpu.dma_semaphore, #tpu.memory_space<semaphore_mem>>
      %dma_start3A_572 = arith.constant 0 : i32
      %dma_start3A_573 = arith.constant 0 : i32
      %dma_start3A_574 = tpu.memref_slice %arg5[%dma_start3A_562, %dma_start3A_572, %dma_start3A_573] : memref<2x8x128xi32, #tpu.memory_space<vmem>> -> memref<1x8x128xi32, #tpu.memory_space<vmem>>
      %dma_start3A_575 = tpu.memref_squeeze %dma_start3A_574 : memref<1x8x128xi32, #tpu.memory_space<vmem>> -> memref<8x128xi32, #tpu.memory_space<vmem>>
      %dma_start3A_576 = arith.constant 0 : i32
      %dma_start3A_577 = tpu.memref_slice %arg3[%min3A, %dma_start3A_576] : memref<12800x128xi32, #tpu.memory_space<hbm>> -> memref<8x128xi32, #tpu.memory_space<hbm>>
      tpu.enqueue_dma source(%dma_start3A_577 : memref<8x128xi32, #tpu.memory_space<hbm>>) target(%dma_start3A_575 : memref<8x128xi32, #tpu.memory_space<vmem>>) target_semaphore(%dma_start3A_571 : memref<!tpu.dma_semaphore, #tpu.memory_space<semaphore_mem>>)
      %dma_start3A_578 = arith.constant 0 : i32
      %dma_start3A_579 = arith.constant 0 : i32
      %dma_start3A_580 = arith.constant 0 : i32
      %dma_start3A_581 = arith.constant 0 : i32
      %dma_start3A_582 = arith.constant 0 : i32
      %dma_start3A_583 = tpu.memref_slice %arg6[%dma_start3A_578, %dma_start3A_580, %dma_start3A_581, %dma_start3A_582] : memref<2x8x128x16xf32, #tpu.memory_space<vmem>> -> memref<1x8x128x16xf32, #tpu.memory_space<vmem>>
      %dma_start3A_584 = tpu.memref_squeeze %dma_start3A_583 : memref<1x8x128x16xf32, #tpu.memory_space<vmem>> -> memref<8x128x16xf32, #tpu.memory_space<vmem>>
      %dma_start3A_585 = arith.constant 0 : i32
      %dma_start3A_586 = arith.constant 0 : i32
      %dma_start3A_587 = tpu.memref_slice %arg4[%add3A_125, %dma_start3A_585, %dma_start3A_586] : memref<12800x128x16xf32, #tpu.memory_space<hbm>> -> memref<8x128x16xf32, #tpu.memory_space<hbm>>
      %dma_start3A_588 = tpu.memref_slice %arg9[%dma_start3A_579] : memref<2x!tpu.dma_semaphore, #tpu.memory_space<semaphore_mem>> -> memref<1x!tpu.dma_semaphore, #tpu.memory_space<semaphore_mem>>
      %dma_start3A_589 = tpu.memref_squeeze %dma_start3A_588 : memref<1x!tpu.dma_semaphore, #tpu.memory_space<semaphore_mem>> -> memref<!tpu.dma_semaphore, #tpu.memory_space<semaphore_mem>>
      %dma_start3A_590 = arith.constant 0 : i32
      %dma_start3A_591 = arith.constant 0 : i32
      %dma_start3A_592 = tpu.memref_slice %arg4[%add3A_125, %dma_start3A_590, %dma_start3A_591] : memref<12800x128x16xf32, #tpu.memory_space<hbm>> -> memref<8x128x16xf32, #tpu.memory_space<hbm>>
      %dma_start3A_593 = arith.constant 0 : i32
      %dma_start3A_594 = arith.constant 0 : i32
      %dma_start3A_595 = arith.constant 0 : i32
      %dma_start3A_596 = tpu.memref_slice %arg6[%dma_start3A_578, %dma_start3A_593, %dma_start3A_594, %dma_start3A_595] : memref<2x8x128x16xf32, #tpu.memory_space<vmem>> -> memref<1x8x128x16xf32, #tpu.memory_space<vmem>>
      %dma_start3A_597 = tpu.memref_squeeze %dma_start3A_596 : memref<1x8x128x16xf32, #tpu.memory_space<vmem>> -> memref<8x128x16xf32, #tpu.memory_space<vmem>>
      tpu.enqueue_dma source(%dma_start3A_597 : memref<8x128x16xf32, #tpu.memory_space<vmem>>) target(%dma_start3A_592 : memref<8x128x16xf32, #tpu.memory_space<hbm>>) target_semaphore(%dma_start3A_589 : memref<!tpu.dma_semaphore, #tpu.memory_space<semaphore_mem>>)
      %mul3A_598 = arith.constant 2 : i32
      %mul3A_599 = arith.muli %mul3A_598, %scan3A_118 : i32
      %add3A_600 = arith.constant 1 : i32
      %add3A_601 = arith.addi %mul3A_599, %add3A_600 : i32
      %mul3A_602 = arith.constant 8 : i32
      %mul3A_603 = arith.muli %add3A_601, %mul3A_602 : i32
      %add3A_604 = arith.addi %mul3A_4, %mul3A_603 : i32
      %dma_wait3A_605 = arith.constant 1 : i32
      %dma_wait3A_606 = arith.constant 1 : i32
      %dma_wait3A_607 = arith.constant 0 : i32
      %dma_wait3A_608 = arith.constant 0 : i32
      %dma_wait3A_609 = tpu.memref_slice %arg5[%dma_wait3A_605, %dma_wait3A_607, %dma_wait3A_608] : memref<2x8x128xi32, #tpu.memory_space<vmem>> -> memref<1x8x128xi32, #tpu.memory_space<vmem>>
      %dma_wait3A_610 = tpu.memref_squeeze %dma_wait3A_609 : memref<1x8x128xi32, #tpu.memory_space<vmem>> -> memref<8x128xi32, #tpu.memory_space<vmem>>
      %dma_wait3A_611 = arith.constant 0 : i32
      %dma_wait3A_612 = tpu.memref_slice %arg3[%add3A_604, %dma_wait3A_611] : memref<12800x128xi32, #tpu.memory_space<hbm>> -> memref<8x128xi32, #tpu.memory_space<hbm>>
      %dma_wait3A_613 = tpu.memref_slice %arg7[%dma_wait3A_606] : memref<2x!tpu.dma_semaphore, #tpu.memory_space<semaphore_mem>> -> memref<1x!tpu.dma_semaphore, #tpu.memory_space<semaphore_mem>>
      %dma_wait3A_614 = tpu.memref_squeeze %dma_wait3A_613 : memref<1x!tpu.dma_semaphore, #tpu.memory_space<semaphore_mem>> -> memref<!tpu.dma_semaphore, #tpu.memory_space<semaphore_mem>>
      %dma_wait3A_615 = arith.constant 0 : i32
      %dma_wait3A_616 = arith.constant 0 : i32
      %dma_wait3A_617 = tpu.memref_slice %arg5[%dma_wait3A_605, %dma_wait3A_615, %dma_wait3A_616] : memref<2x8x128xi32, #tpu.memory_space<vmem>> -> memref<1x8x128xi32, #tpu.memory_space<vmem>>
      %dma_wait3A_618 = tpu.memref_squeeze %dma_wait3A_617 : memref<1x8x128xi32, #tpu.memory_space<vmem>> -> memref<8x128xi32, #tpu.memory_space<vmem>>
      %dma_wait3A_619 = arith.constant 0 : i32
      %dma_wait3A_620 = tpu.memref_slice %arg3[%add3A_604, %dma_wait3A_619] : memref<12800x128xi32, #tpu.memory_space<hbm>> -> memref<8x128xi32, #tpu.memory_space<hbm>>
      tpu.wait_dma2 semaphore(%dma_wait3A_614 : memref<!tpu.dma_semaphore, #tpu.memory_space<semaphore_mem>>) src(%dma_wait3A_620 : memref<8x128xi32, #tpu.memory_space<hbm>>) dst(%dma_wait3A_618 : memref<8x128xi32, #tpu.memory_space<vmem>>)
      %gt3A_621 = arith.constant 0 : i32
      %gt3A_622 = arith.cmpi sgt, %scan3A_118, %gt3A_621 : i32
      %convert_element_type3A_623 = arith.extui %gt3A_622 : i1 to i32
      %cond3A_624 = arith.constant 0 : i32
      %cond3A_625 = arith.cmpi ne, %convert_element_type3A_623, %cond3A_624 : i32
      scf.if %cond3A_625 {
        %dma_wait3A_1081 = arith.constant 1 : i32
        %dma_wait3A_1082 = arith.constant 1 : i32
        %dma_wait3A_1083 = arith.constant 0 : i32
        %dma_wait3A_1084 = arith.constant 0 : i32
        %dma_wait3A_1085 = arith.constant 0 : i32
        %dma_wait3A_1086 = tpu.memref_slice %arg6[%dma_wait3A_1081, %dma_wait3A_1083, %dma_wait3A_1084, %dma_wait3A_1085] : memref<2x8x128x16xf32, #tpu.memory_space<vmem>> -> memref<1x8x128x16xf32, #tpu.memory_space<vmem>>
        %dma_wait3A_1087 = tpu.memref_squeeze %dma_wait3A_1086 : memref<1x8x128x16xf32, #tpu.memory_space<vmem>> -> memref<8x128x16xf32, #tpu.memory_space<vmem>>
        %dma_wait3A_1088 = arith.constant 0 : i32
        %dma_wait3A_1089 = arith.constant 0 : i32
        %dma_wait3A_1090 = tpu.memref_slice %arg4[%add3A_604, %dma_wait3A_1088, %dma_wait3A_1089] : memref<12800x128x16xf32, #tpu.memory_space<hbm>> -> memref<8x128x16xf32, #tpu.memory_space<hbm>>
        %dma_wait3A_1091 = tpu.memref_slice %arg9[%dma_wait3A_1082] : memref<2x!tpu.dma_semaphore, #tpu.memory_space<semaphore_mem>> -> memref<1x!tpu.dma_semaphore, #tpu.memory_space<semaphore_mem>>
        %dma_wait3A_1092 = tpu.memref_squeeze %dma_wait3A_1091 : memref<1x!tpu.dma_semaphore, #tpu.memory_space<semaphore_mem>> -> memref<!tpu.dma_semaphore, #tpu.memory_space<semaphore_mem>>
        %dma_wait3A_1093 = arith.constant 0 : i32
        %dma_wait3A_1094 = arith.constant 0 : i32
        %dma_wait3A_1095 = tpu.memref_slice %arg4[%add3A_604, %dma_wait3A_1093, %dma_wait3A_1094] : memref<12800x128x16xf32, #tpu.memory_space<hbm>> -> memref<8x128x16xf32, #tpu.memory_space<hbm>>
        %dma_wait3A_1096 = arith.constant 0 : i32
        %dma_wait3A_1097 = arith.constant 0 : i32
        %dma_wait3A_1098 = arith.constant 0 : i32
        %dma_wait3A_1099 = tpu.memref_slice %arg6[%dma_wait3A_1081, %dma_wait3A_1096, %dma_wait3A_1097, %dma_wait3A_1098] : memref<2x8x128x16xf32, #tpu.memory_space<vmem>> -> memref<1x8x128x16xf32, #tpu.memory_space<vmem>>
        %dma_wait3A_1100 = tpu.memref_squeeze %dma_wait3A_1099 : memref<1x8x128x16xf32, #tpu.memory_space<vmem>> -> memref<8x128x16xf32, #tpu.memory_space<vmem>>
        tpu.wait_dma2 semaphore(%dma_wait3A_1092 : memref<!tpu.dma_semaphore, #tpu.memory_space<semaphore_mem>>) src(%dma_wait3A_1100 : memref<8x128x16xf32, #tpu.memory_space<vmem>>) dst(%dma_wait3A_1095 : memref<8x128x16xf32, #tpu.memory_space<hbm>>)
      } else {
      }
      %dma_start3A_626 = arith.constant 1 : i32
      %dma_start3A_627 = arith.constant 0 : i32
      %dma_start3A_628 = arith.constant 1 : i32
      %dma_start3A_629 = arith.constant 0 : i32
      %dma_start3A_630 = arith.constant 1 : i32
      %dma_start3A_631 = arith.constant 0 : i32
      %dma_start3A_632 = arith.constant 0 : i32
      %dma_start3A_633 = arith.constant 0 : i32
      %dma_start3A_634 = tpu.memref_slice %arg6[%dma_start3A_628, %dma_start3A_631, %dma_start3A_632, %dma_start3A_633] : memref<2x8x128x16xf32, #tpu.memory_space<vmem>> -> memref<1x8x128x16xf32, #tpu.memory_space<vmem>>
      %dma_start3A_635 = tpu.memref_squeeze %dma_start3A_634 : memref<1x8x128x16xf32, #tpu.memory_space<vmem>> -> memref<8x128x16xf32, #tpu.memory_space<vmem>>
      %dma_start3A_636 = arith.constant 0 : i32
      %dma_start3A_637 = arith.constant 0 : i32
      %dma_start3A_638 = tpu.memref_slice %dma_start3A_635[%dma_start3A_629, %dma_start3A_636, %dma_start3A_637] : memref<8x128x16xf32, #tpu.memory_space<vmem>> -> memref<1x128x16xf32, #tpu.memory_space<vmem>>
      %dma_start3A_639 = tpu.memref_squeeze %dma_start3A_638 : memref<1x128x16xf32, #tpu.memory_space<vmem>> -> memref<128x16xf32, #tpu.memory_space<vmem>>
      %dma_start3A_640 = arith.constant 0 : i32
      %dma_start3A_641 = arith.constant 0 : i32
      %dma_start3A_642 = tpu.memref_slice %arg5[%dma_start3A_626, %dma_start3A_640, %dma_start3A_641] : memref<2x8x128xi32, #tpu.memory_space<vmem>> -> memref<1x8x128xi32, #tpu.memory_space<vmem>>
      %dma_start3A_643 = tpu.memref_squeeze %dma_start3A_642 : memref<1x8x128xi32, #tpu.memory_space<vmem>> -> memref<8x128xi32, #tpu.memory_space<vmem>>
      %dma_start3A_644 = arith.constant 0 : i32
      %dma_start3A_645 = tpu.memref_slice %dma_start3A_643[%dma_start3A_627, %dma_start3A_644] : memref<8x128xi32, #tpu.memory_space<vmem>> -> memref<1x128xi32, #tpu.memory_space<vmem>>
      %dma_start3A_646 = tpu.memref_squeeze %dma_start3A_645 : memref<1x128xi32, #tpu.memory_space<vmem>> -> memref<128xi32, #tpu.memory_space<vmem>>
      %dma_start3A_647 = arith.constant 0 : i32
      %dma_start3A_648 = arith.constant 0 : i32
      %dma_start3A_649 = tpu.memref_slice %arg2[%dma_start3A_647, %dma_start3A_648] : memref<100000x16xf32, #tpu.memory_space<hbm>> -> memref<100000x16xf32, #tpu.memory_space<hbm>>
      %dma_start3A_650 = tpu.memref_slice %arg8[%dma_start3A_630] : memref<2x!tpu.dma_semaphore, #tpu.memory_space<semaphore_mem>> -> memref<1x!tpu.dma_semaphore, #tpu.memory_space<semaphore_mem>>
      %dma_start3A_651 = tpu.memref_squeeze %dma_start3A_650 : memref<1x!tpu.dma_semaphore, #tpu.memory_space<semaphore_mem>> -> memref<!tpu.dma_semaphore, #tpu.memory_space<semaphore_mem>>
      tpu.enqueue_indirect_dma source(%dma_start3A_649 : memref<100000x16xf32, #tpu.memory_space<hbm>>) target(%dma_start3A_639 : memref<128x16xf32, #tpu.memory_space<vmem>>) offsets(%dma_start3A_646 : memref<128xi32, #tpu.memory_space<vmem>>) semaphore(%dma_start3A_651 : memref<!tpu.dma_semaphore, #tpu.memory_space<semaphore_mem>>)
      %dma_start3A_652 = arith.constant 1 : i32
      %dma_start3A_653 = arith.constant 1 : i32
      %dma_start3A_654 = arith.constant 1 : i32
      %dma_start3A_655 = arith.constant 1 : i32
      %dma_start3A_656 = arith.constant 1 : i32
      %dma_start3A_657 = arith.constant 0 : i32
      %dma_start3A_658 = arith.constant 0 : i32
      %dma_start3A_659 = arith.constant 0 : i32
      %dma_start3A_660 = tpu.memref_slice %arg6[%dma_start3A_654, %dma_start3A_657, %dma_start3A_658, %dma_start3A_659] : memref<2x8x128x16xf32, #tpu.memory_space<vmem>> -> memref<1x8x128x16xf32, #tpu.memory_space<vmem>>
      %dma_start3A_661 = tpu.memref_squeeze %dma_start3A_660 : memref<1x8x128x16xf32, #tpu.memory_space<vmem>> -> memref<8x128x16xf32, #tpu.memory_space<vmem>>
      %dma_start3A_662 = arith.constant 0 : i32
      %dma_start3A_663 = arith.constant 0 : i32
      %dma_start3A_664 = tpu.memref_slice %dma_start3A_661[%dma_start3A_655, %dma_start3A_662, %dma_start3A_663] : memref<8x128x16xf32, #tpu.memory_space<vmem>> -> memref<1x128x16xf32, #tpu.memory_space<vmem>>
      %dma_start3A_665 = tpu.memref_squeeze %dma_start3A_664 : memref<1x128x16xf32, #tpu.memory_space<vmem>> -> memref<128x16xf32, #tpu.memory_space<vmem>>
      %dma_start3A_666 = arith.constant 0 : i32
      %dma_start3A_667 = arith.constant 0 : i32
      %dma_start3A_668 = tpu.memref_slice %arg5[%dma_start3A_652, %dma_start3A_666, %dma_start3A_667] : memref<2x8x128xi32, #tpu.memory_space<vmem>> -> memref<1x8x128xi32, #tpu.memory_space<vmem>>
      %dma_start3A_669 = tpu.memref_squeeze %dma_start3A_668 : memref<1x8x128xi32, #tpu.memory_space<vmem>> -> memref<8x128xi32, #tpu.memory_space<vmem>>
      %dma_start3A_670 = arith.constant 0 : i32
      %dma_start3A_671 = tpu.memref_slice %dma_start3A_669[%dma_start3A_653, %dma_start3A_670] : memref<8x128xi32, #tpu.memory_space<vmem>> -> memref<1x128xi32, #tpu.memory_space<vmem>>
      %dma_start3A_672 = tpu.memref_squeeze %dma_start3A_671 : memref<1x128xi32, #tpu.memory_space<vmem>> -> memref<128xi32, #tpu.memory_space<vmem>>
      %dma_start3A_673 = arith.constant 0 : i32
      %dma_start3A_674 = arith.constant 0 : i32
      %dma_start3A_675 = tpu.memref_slice %arg2[%dma_start3A_673, %dma_start3A_674] : memref<100000x16xf32, #tpu.memory_space<hbm>> -> memref<100000x16xf32, #tpu.memory_space<hbm>>
      %dma_start3A_676 = tpu.memref_slice %arg8[%dma_start3A_656] : memref<2x!tpu.dma_semaphore, #tpu.memory_space<semaphore_mem>> -> memref<1x!tpu.dma_semaphore, #tpu.memory_space<semaphore_mem>>
      %dma_start3A_677 = tpu.memref_squeeze %dma_start3A_676 : memref<1x!tpu.dma_semaphore, #tpu.memory_space<semaphore_mem>> -> memref<!tpu.dma_semaphore, #tpu.memory_space<semaphore_mem>>
      tpu.enqueue_indirect_dma source(%dma_start3A_675 : memref<100000x16xf32, #tpu.memory_space<hbm>>) target(%dma_start3A_665 : memref<128x16xf32, #tpu.memory_space<vmem>>) offsets(%dma_start3A_672 : memref<128xi32, #tpu.memory_space<vmem>>) semaphore(%dma_start3A_677 : memref<!tpu.dma_semaphore, #tpu.memory_space<semaphore_mem>>)
      %dma_start3A_678 = arith.constant 1 : i32
      %dma_start3A_679 = arith.constant 2 : i32
      %dma_start3A_680 = arith.constant 1 : i32
      %dma_start3A_681 = arith.constant 2 : i32
      %dma_start3A_682 = arith.constant 1 : i32
      %dma_start3A_683 = arith.constant 0 : i32
      %dma_start3A_684 = arith.constant 0 : i32
      %dma_start3A_685 = arith.constant 0 : i32
      %dma_start3A_686 = tpu.memref_slice %arg6[%dma_start3A_680, %dma_start3A_683, %dma_start3A_684, %dma_start3A_685] : memref<2x8x128x16xf32, #tpu.memory_space<vmem>> -> memref<1x8x128x16xf32, #tpu.memory_space<vmem>>
      %dma_start3A_687 = tpu.memref_squeeze %dma_start3A_686 : memref<1x8x128x16xf32, #tpu.memory_space<vmem>> -> memref<8x128x16xf32, #tpu.memory_space<vmem>>
      %dma_start3A_688 = arith.constant 0 : i32
      %dma_start3A_689 = arith.constant 0 : i32
      %dma_start3A_690 = tpu.memref_slice %dma_start3A_687[%dma_start3A_681, %dma_start3A_688, %dma_start3A_689] : memref<8x128x16xf32, #tpu.memory_space<vmem>> -> memref<1x128x16xf32, #tpu.memory_space<vmem>>
      %dma_start3A_691 = tpu.memref_squeeze %dma_start3A_690 : memref<1x128x16xf32, #tpu.memory_space<vmem>> -> memref<128x16xf32, #tpu.memory_space<vmem>>
      %dma_start3A_692 = arith.constant 0 : i32
      %dma_start3A_693 = arith.constant 0 : i32
      %dma_start3A_694 = tpu.memref_slice %arg5[%dma_start3A_678, %dma_start3A_692, %dma_start3A_693] : memref<2x8x128xi32, #tpu.memory_space<vmem>> -> memref<1x8x128xi32, #tpu.memory_space<vmem>>
      %dma_start3A_695 = tpu.memref_squeeze %dma_start3A_694 : memref<1x8x128xi32, #tpu.memory_space<vmem>> -> memref<8x128xi32, #tpu.memory_space<vmem>>
      %dma_start3A_696 = arith.constant 0 : i32
      %dma_start3A_697 = tpu.memref_slice %dma_start3A_695[%dma_start3A_679, %dma_start3A_696] : memref<8x128xi32, #tpu.memory_space<vmem>> -> memref<1x128xi32, #tpu.memory_space<vmem>>
      %dma_start3A_698 = tpu.memref_squeeze %dma_start3A_697 : memref<1x128xi32, #tpu.memory_space<vmem>> -> memref<128xi32, #tpu.memory_space<vmem>>
      %dma_start3A_699 = arith.constant 0 : i32
      %dma_start3A_700 = arith.constant 0 : i32
      %dma_start3A_701 = tpu.memref_slice %arg2[%dma_start3A_699, %dma_start3A_700] : memref<100000x16xf32, #tpu.memory_space<hbm>> -> memref<100000x16xf32, #tpu.memory_space<hbm>>
      %dma_start3A_702 = tpu.memref_slice %arg8[%dma_start3A_682] : memref<2x!tpu.dma_semaphore, #tpu.memory_space<semaphore_mem>> -> memref<1x!tpu.dma_semaphore, #tpu.memory_space<semaphore_mem>>
      %dma_start3A_703 = tpu.memref_squeeze %dma_start3A_702 : memref<1x!tpu.dma_semaphore, #tpu.memory_space<semaphore_mem>> -> memref<!tpu.dma_semaphore, #tpu.memory_space<semaphore_mem>>
      tpu.enqueue_indirect_dma source(%dma_start3A_701 : memref<100000x16xf32, #tpu.memory_space<hbm>>) target(%dma_start3A_691 : memref<128x16xf32, #tpu.memory_space<vmem>>) offsets(%dma_start3A_698 : memref<128xi32, #tpu.memory_space<vmem>>) semaphore(%dma_start3A_703 : memref<!tpu.dma_semaphore, #tpu.memory_space<semaphore_mem>>)
      %dma_start3A_704 = arith.constant 1 : i32
      %dma_start3A_705 = arith.constant 3 : i32
      %dma_start3A_706 = arith.constant 1 : i32
      %dma_start3A_707 = arith.constant 3 : i32
      %dma_start3A_708 = arith.constant 1 : i32
      %dma_start3A_709 = arith.constant 0 : i32
      %dma_start3A_710 = arith.constant 0 : i32
      %dma_start3A_711 = arith.constant 0 : i32
      %dma_start3A_712 = tpu.memref_slice %arg6[%dma_start3A_706, %dma_start3A_709, %dma_start3A_710, %dma_start3A_711] : memref<2x8x128x16xf32, #tpu.memory_space<vmem>> -> memref<1x8x128x16xf32, #tpu.memory_space<vmem>>
      %dma_start3A_713 = tpu.memref_squeeze %dma_start3A_712 : memref<1x8x128x16xf32, #tpu.memory_space<vmem>> -> memref<8x128x16xf32, #tpu.memory_space<vmem>>
      %dma_start3A_714 = arith.constant 0 : i32
      %dma_start3A_715 = arith.constant 0 : i32
      %dma_start3A_716 = tpu.memref_slice %dma_start3A_713[%dma_start3A_707, %dma_start3A_714, %dma_start3A_715] : memref<8x128x16xf32, #tpu.memory_space<vmem>> -> memref<1x128x16xf32, #tpu.memory_space<vmem>>
      %dma_start3A_717 = tpu.memref_squeeze %dma_start3A_716 : memref<1x128x16xf32, #tpu.memory_space<vmem>> -> memref<128x16xf32, #tpu.memory_space<vmem>>
      %dma_start3A_718 = arith.constant 0 : i32
      %dma_start3A_719 = arith.constant 0 : i32
      %dma_start3A_720 = tpu.memref_slice %arg5[%dma_start3A_704, %dma_start3A_718, %dma_start3A_719] : memref<2x8x128xi32, #tpu.memory_space<vmem>> -> memref<1x8x128xi32, #tpu.memory_space<vmem>>
      %dma_start3A_721 = tpu.memref_squeeze %dma_start3A_720 : memref<1x8x128xi32, #tpu.memory_space<vmem>> -> memref<8x128xi32, #tpu.memory_space<vmem>>
      %dma_start3A_722 = arith.constant 0 : i32
      %dma_start3A_723 = tpu.memref_slice %dma_start3A_721[%dma_start3A_705, %dma_start3A_722] : memref<8x128xi32, #tpu.memory_space<vmem>> -> memref<1x128xi32, #tpu.memory_space<vmem>>
      %dma_start3A_724 = tpu.memref_squeeze %dma_start3A_723 : memref<1x128xi32, #tpu.memory_space<vmem>> -> memref<128xi32, #tpu.memory_space<vmem>>
      %dma_start3A_725 = arith.constant 0 : i32
      %dma_start3A_726 = arith.constant 0 : i32
      %dma_start3A_727 = tpu.memref_slice %arg2[%dma_start3A_725, %dma_start3A_726] : memref<100000x16xf32, #tpu.memory_space<hbm>> -> memref<100000x16xf32, #tpu.memory_space<hbm>>
      %dma_start3A_728 = tpu.memref_slice %arg8[%dma_start3A_708] : memref<2x!tpu.dma_semaphore, #tpu.memory_space<semaphore_mem>> -> memref<1x!tpu.dma_semaphore, #tpu.memory_space<semaphore_mem>>
      %dma_start3A_729 = tpu.memref_squeeze %dma_start3A_728 : memref<1x!tpu.dma_semaphore, #tpu.memory_space<semaphore_mem>> -> memref<!tpu.dma_semaphore, #tpu.memory_space<semaphore_mem>>
      tpu.enqueue_indirect_dma source(%dma_start3A_727 : memref<100000x16xf32, #tpu.memory_space<hbm>>) target(%dma_start3A_717 : memref<128x16xf32, #tpu.memory_space<vmem>>) offsets(%dma_start3A_724 : memref<128xi32, #tpu.memory_space<vmem>>) semaphore(%dma_start3A_729 : memref<!tpu.dma_semaphore, #tpu.memory_space<semaphore_mem>>)
      %dma_start3A_730 = arith.constant 1 : i32
      %dma_start3A_731 = arith.constant 4 : i32
      %dma_start3A_732 = arith.constant 1 : i32
      %dma_start3A_733 = arith.constant 4 : i32
      %dma_start3A_734 = arith.constant 1 : i32
      %dma_start3A_735 = arith.constant 0 : i32
      %dma_start3A_736 = arith.constant 0 : i32
      %dma_start3A_737 = arith.constant 0 : i32
      %dma_start3A_738 = tpu.memref_slice %arg6[%dma_start3A_732, %dma_start3A_735, %dma_start3A_736, %dma_start3A_737] : memref<2x8x128x16xf32, #tpu.memory_space<vmem>> -> memref<1x8x128x16xf32, #tpu.memory_space<vmem>>
      %dma_start3A_739 = tpu.memref_squeeze %dma_start3A_738 : memref<1x8x128x16xf32, #tpu.memory_space<vmem>> -> memref<8x128x16xf32, #tpu.memory_space<vmem>>
      %dma_start3A_740 = arith.constant 0 : i32
      %dma_start3A_741 = arith.constant 0 : i32
      %dma_start3A_742 = tpu.memref_slice %dma_start3A_739[%dma_start3A_733, %dma_start3A_740, %dma_start3A_741] : memref<8x128x16xf32, #tpu.memory_space<vmem>> -> memref<1x128x16xf32, #tpu.memory_space<vmem>>
      %dma_start3A_743 = tpu.memref_squeeze %dma_start3A_742 : memref<1x128x16xf32, #tpu.memory_space<vmem>> -> memref<128x16xf32, #tpu.memory_space<vmem>>
      %dma_start3A_744 = arith.constant 0 : i32
      %dma_start3A_745 = arith.constant 0 : i32
      %dma_start3A_746 = tpu.memref_slice %arg5[%dma_start3A_730, %dma_start3A_744, %dma_start3A_745] : memref<2x8x128xi32, #tpu.memory_space<vmem>> -> memref<1x8x128xi32, #tpu.memory_space<vmem>>
      %dma_start3A_747 = tpu.memref_squeeze %dma_start3A_746 : memref<1x8x128xi32, #tpu.memory_space<vmem>> -> memref<8x128xi32, #tpu.memory_space<vmem>>
      %dma_start3A_748 = arith.constant 0 : i32
      %dma_start3A_749 = tpu.memref_slice %dma_start3A_747[%dma_start3A_731, %dma_start3A_748] : memref<8x128xi32, #tpu.memory_space<vmem>> -> memref<1x128xi32, #tpu.memory_space<vmem>>
      %dma_start3A_750 = tpu.memref_squeeze %dma_start3A_749 : memref<1x128xi32, #tpu.memory_space<vmem>> -> memref<128xi32, #tpu.memory_space<vmem>>
      %dma_start3A_751 = arith.constant 0 : i32
      %dma_start3A_752 = arith.constant 0 : i32
      %dma_start3A_753 = tpu.memref_slice %arg2[%dma_start3A_751, %dma_start3A_752] : memref<100000x16xf32, #tpu.memory_space<hbm>> -> memref<100000x16xf32, #tpu.memory_space<hbm>>
      %dma_start3A_754 = tpu.memref_slice %arg8[%dma_start3A_734] : memref<2x!tpu.dma_semaphore, #tpu.memory_space<semaphore_mem>> -> memref<1x!tpu.dma_semaphore, #tpu.memory_space<semaphore_mem>>
      %dma_start3A_755 = tpu.memref_squeeze %dma_start3A_754 : memref<1x!tpu.dma_semaphore, #tpu.memory_space<semaphore_mem>> -> memref<!tpu.dma_semaphore, #tpu.memory_space<semaphore_mem>>
      tpu.enqueue_indirect_dma source(%dma_start3A_753 : memref<100000x16xf32, #tpu.memory_space<hbm>>) target(%dma_start3A_743 : memref<128x16xf32, #tpu.memory_space<vmem>>) offsets(%dma_start3A_750 : memref<128xi32, #tpu.memory_space<vmem>>) semaphore(%dma_start3A_755 : memref<!tpu.dma_semaphore, #tpu.memory_space<semaphore_mem>>)
      %dma_start3A_756 = arith.constant 1 : i32
      %dma_start3A_757 = arith.constant 5 : i32
      %dma_start3A_758 = arith.constant 1 : i32
      %dma_start3A_759 = arith.constant 5 : i32
      %dma_start3A_760 = arith.constant 1 : i32
      %dma_start3A_761 = arith.constant 0 : i32
      %dma_start3A_762 = arith.constant 0 : i32
      %dma_start3A_763 = arith.constant 0 : i32
      %dma_start3A_764 = tpu.memref_slice %arg6[%dma_start3A_758, %dma_start3A_761, %dma_start3A_762, %dma_start3A_763] : memref<2x8x128x16xf32, #tpu.memory_space<vmem>> -> memref<1x8x128x16xf32, #tpu.memory_space<vmem>>
      %dma_start3A_765 = tpu.memref_squeeze %dma_start3A_764 : memref<1x8x128x16xf32, #tpu.memory_space<vmem>> -> memref<8x128x16xf32, #tpu.memory_space<vmem>>
      %dma_start3A_766 = arith.constant 0 : i32
      %dma_start3A_767 = arith.constant 0 : i32
      %dma_start3A_768 = tpu.memref_slice %dma_start3A_765[%dma_start3A_759, %dma_start3A_766, %dma_start3A_767] : memref<8x128x16xf32, #tpu.memory_space<vmem>> -> memref<1x128x16xf32, #tpu.memory_space<vmem>>
      %dma_start3A_769 = tpu.memref_squeeze %dma_start3A_768 : memref<1x128x16xf32, #tpu.memory_space<vmem>> -> memref<128x16xf32, #tpu.memory_space<vmem>>
      %dma_start3A_770 = arith.constant 0 : i32
      %dma_start3A_771 = arith.constant 0 : i32
      %dma_start3A_772 = tpu.memref_slice %arg5[%dma_start3A_756, %dma_start3A_770, %dma_start3A_771] : memref<2x8x128xi32, #tpu.memory_space<vmem>> -> memref<1x8x128xi32, #tpu.memory_space<vmem>>
      %dma_start3A_773 = tpu.memref_squeeze %dma_start3A_772 : memref<1x8x128xi32, #tpu.memory_space<vmem>> -> memref<8x128xi32, #tpu.memory_space<vmem>>
      %dma_start3A_774 = arith.constant 0 : i32
      %dma_start3A_775 = tpu.memref_slice %dma_start3A_773[%dma_start3A_757, %dma_start3A_774] : memref<8x128xi32, #tpu.memory_space<vmem>> -> memref<1x128xi32, #tpu.memory_space<vmem>>
      %dma_start3A_776 = tpu.memref_squeeze %dma_start3A_775 : memref<1x128xi32, #tpu.memory_space<vmem>> -> memref<128xi32, #tpu.memory_space<vmem>>
      %dma_start3A_777 = arith.constant 0 : i32
      %dma_start3A_778 = arith.constant 0 : i32
      %dma_start3A_779 = tpu.memref_slice %arg2[%dma_start3A_777, %dma_start3A_778] : memref<100000x16xf32, #tpu.memory_space<hbm>> -> memref<100000x16xf32, #tpu.memory_space<hbm>>
      %dma_start3A_780 = tpu.memref_slice %arg8[%dma_start3A_760] : memref<2x!tpu.dma_semaphore, #tpu.memory_space<semaphore_mem>> -> memref<1x!tpu.dma_semaphore, #tpu.memory_space<semaphore_mem>>
      %dma_start3A_781 = tpu.memref_squeeze %dma_start3A_780 : memref<1x!tpu.dma_semaphore, #tpu.memory_space<semaphore_mem>> -> memref<!tpu.dma_semaphore, #tpu.memory_space<semaphore_mem>>
      tpu.enqueue_indirect_dma source(%dma_start3A_779 : memref<100000x16xf32, #tpu.memory_space<hbm>>) target(%dma_start3A_769 : memref<128x16xf32, #tpu.memory_space<vmem>>) offsets(%dma_start3A_776 : memref<128xi32, #tpu.memory_space<vmem>>) semaphore(%dma_start3A_781 : memref<!tpu.dma_semaphore, #tpu.memory_space<semaphore_mem>>)
      %dma_start3A_782 = arith.constant 1 : i32
      %dma_start3A_783 = arith.constant 6 : i32
      %dma_start3A_784 = arith.constant 1 : i32
      %dma_start3A_785 = arith.constant 6 : i32
      %dma_start3A_786 = arith.constant 1 : i32
      %dma_start3A_787 = arith.constant 0 : i32
      %dma_start3A_788 = arith.constant 0 : i32
      %dma_start3A_789 = arith.constant 0 : i32
      %dma_start3A_790 = tpu.memref_slice %arg6[%dma_start3A_784, %dma_start3A_787, %dma_start3A_788, %dma_start3A_789] : memref<2x8x128x16xf32, #tpu.memory_space<vmem>> -> memref<1x8x128x16xf32, #tpu.memory_space<vmem>>
      %dma_start3A_791 = tpu.memref_squeeze %dma_start3A_790 : memref<1x8x128x16xf32, #tpu.memory_space<vmem>> -> memref<8x128x16xf32, #tpu.memory_space<vmem>>
      %dma_start3A_792 = arith.constant 0 : i32
      %dma_start3A_793 = arith.constant 0 : i32
      %dma_start3A_794 = tpu.memref_slice %dma_start3A_791[%dma_start3A_785, %dma_start3A_792, %dma_start3A_793] : memref<8x128x16xf32, #tpu.memory_space<vmem>> -> memref<1x128x16xf32, #tpu.memory_space<vmem>>
      %dma_start3A_795 = tpu.memref_squeeze %dma_start3A_794 : memref<1x128x16xf32, #tpu.memory_space<vmem>> -> memref<128x16xf32, #tpu.memory_space<vmem>>
      %dma_start3A_796 = arith.constant 0 : i32
      %dma_start3A_797 = arith.constant 0 : i32
      %dma_start3A_798 = tpu.memref_slice %arg5[%dma_start3A_782, %dma_start3A_796, %dma_start3A_797] : memref<2x8x128xi32, #tpu.memory_space<vmem>> -> memref<1x8x128xi32, #tpu.memory_space<vmem>>
      %dma_start3A_799 = tpu.memref_squeeze %dma_start3A_798 : memref<1x8x128xi32, #tpu.memory_space<vmem>> -> memref<8x128xi32, #tpu.memory_space<vmem>>
      %dma_start3A_800 = arith.constant 0 : i32
      %dma_start3A_801 = tpu.memref_slice %dma_start3A_799[%dma_start3A_783, %dma_start3A_800] : memref<8x128xi32, #tpu.memory_space<vmem>> -> memref<1x128xi32, #tpu.memory_space<vmem>>
      %dma_start3A_802 = tpu.memref_squeeze %dma_start3A_801 : memref<1x128xi32, #tpu.memory_space<vmem>> -> memref<128xi32, #tpu.memory_space<vmem>>
      %dma_start3A_803 = arith.constant 0 : i32
      %dma_start3A_804 = arith.constant 0 : i32
      %dma_start3A_805 = tpu.memref_slice %arg2[%dma_start3A_803, %dma_start3A_804] : memref<100000x16xf32, #tpu.memory_space<hbm>> -> memref<100000x16xf32, #tpu.memory_space<hbm>>
      %dma_start3A_806 = tpu.memref_slice %arg8[%dma_start3A_786] : memref<2x!tpu.dma_semaphore, #tpu.memory_space<semaphore_mem>> -> memref<1x!tpu.dma_semaphore, #tpu.memory_space<semaphore_mem>>
      %dma_start3A_807 = tpu.memref_squeeze %dma_start3A_806 : memref<1x!tpu.dma_semaphore, #tpu.memory_space<semaphore_mem>> -> memref<!tpu.dma_semaphore, #tpu.memory_space<semaphore_mem>>
      tpu.enqueue_indirect_dma source(%dma_start3A_805 : memref<100000x16xf32, #tpu.memory_space<hbm>>) target(%dma_start3A_795 : memref<128x16xf32, #tpu.memory_space<vmem>>) offsets(%dma_start3A_802 : memref<128xi32, #tpu.memory_space<vmem>>) semaphore(%dma_start3A_807 : memref<!tpu.dma_semaphore, #tpu.memory_space<semaphore_mem>>)
      %dma_start3A_808 = arith.constant 1 : i32
      %dma_start3A_809 = arith.constant 7 : i32
      %dma_start3A_810 = arith.constant 1 : i32
      %dma_start3A_811 = arith.constant 7 : i32
      %dma_start3A_812 = arith.constant 1 : i32
      %dma_start3A_813 = arith.constant 0 : i32
      %dma_start3A_814 = arith.constant 0 : i32
      %dma_start3A_815 = arith.constant 0 : i32
      %dma_start3A_816 = tpu.memref_slice %arg6[%dma_start3A_810, %dma_start3A_813, %dma_start3A_814, %dma_start3A_815] : memref<2x8x128x16xf32, #tpu.memory_space<vmem>> -> memref<1x8x128x16xf32, #tpu.memory_space<vmem>>
      %dma_start3A_817 = tpu.memref_squeeze %dma_start3A_816 : memref<1x8x128x16xf32, #tpu.memory_space<vmem>> -> memref<8x128x16xf32, #tpu.memory_space<vmem>>
      %dma_start3A_818 = arith.constant 0 : i32
      %dma_start3A_819 = arith.constant 0 : i32
      %dma_start3A_820 = tpu.memref_slice %dma_start3A_817[%dma_start3A_811, %dma_start3A_818, %dma_start3A_819] : memref<8x128x16xf32, #tpu.memory_space<vmem>> -> memref<1x128x16xf32, #tpu.memory_space<vmem>>
      %dma_start3A_821 = tpu.memref_squeeze %dma_start3A_820 : memref<1x128x16xf32, #tpu.memory_space<vmem>> -> memref<128x16xf32, #tpu.memory_space<vmem>>
      %dma_start3A_822 = arith.constant 0 : i32
      %dma_start3A_823 = arith.constant 0 : i32
      %dma_start3A_824 = tpu.memref_slice %arg5[%dma_start3A_808, %dma_start3A_822, %dma_start3A_823] : memref<2x8x128xi32, #tpu.memory_space<vmem>> -> memref<1x8x128xi32, #tpu.memory_space<vmem>>
      %dma_start3A_825 = tpu.memref_squeeze %dma_start3A_824 : memref<1x8x128xi32, #tpu.memory_space<vmem>> -> memref<8x128xi32, #tpu.memory_space<vmem>>
      %dma_start3A_826 = arith.constant 0 : i32
      %dma_start3A_827 = tpu.memref_slice %dma_start3A_825[%dma_start3A_809, %dma_start3A_826] : memref<8x128xi32, #tpu.memory_space<vmem>> -> memref<1x128xi32, #tpu.memory_space<vmem>>
      %dma_start3A_828 = tpu.memref_squeeze %dma_start3A_827 : memref<1x128xi32, #tpu.memory_space<vmem>> -> memref<128xi32, #tpu.memory_space<vmem>>
      %dma_start3A_829 = arith.constant 0 : i32
      %dma_start3A_830 = arith.constant 0 : i32
      %dma_start3A_831 = tpu.memref_slice %arg2[%dma_start3A_829, %dma_start3A_830] : memref<100000x16xf32, #tpu.memory_space<hbm>> -> memref<100000x16xf32, #tpu.memory_space<hbm>>
      %dma_start3A_832 = tpu.memref_slice %arg8[%dma_start3A_812] : memref<2x!tpu.dma_semaphore, #tpu.memory_space<semaphore_mem>> -> memref<1x!tpu.dma_semaphore, #tpu.memory_space<semaphore_mem>>
      %dma_start3A_833 = tpu.memref_squeeze %dma_start3A_832 : memref<1x!tpu.dma_semaphore, #tpu.memory_space<semaphore_mem>> -> memref<!tpu.dma_semaphore, #tpu.memory_space<semaphore_mem>>
      tpu.enqueue_indirect_dma source(%dma_start3A_831 : memref<100000x16xf32, #tpu.memory_space<hbm>>) target(%dma_start3A_821 : memref<128x16xf32, #tpu.memory_space<vmem>>) offsets(%dma_start3A_828 : memref<128xi32, #tpu.memory_space<vmem>>) semaphore(%dma_start3A_833 : memref<!tpu.dma_semaphore, #tpu.memory_space<semaphore_mem>>)
      %dma_wait3A_834 = arith.constant 1 : i32
      %dma_wait3A_835 = arith.constant 0 : i32
      %dma_wait3A_836 = arith.constant 1 : i32
      %dma_wait3A_837 = arith.constant 0 : i32
      %dma_wait3A_838 = arith.constant 1 : i32
      %dma_wait3A_839 = arith.constant 0 : i32
      %dma_wait3A_840 = arith.constant 0 : i32
      %dma_wait3A_841 = arith.constant 0 : i32
      %dma_wait3A_842 = tpu.memref_slice %arg6[%dma_wait3A_836, %dma_wait3A_839, %dma_wait3A_840, %dma_wait3A_841] : memref<2x8x128x16xf32, #tpu.memory_space<vmem>> -> memref<1x8x128x16xf32, #tpu.memory_space<vmem>>
      %dma_wait3A_843 = tpu.memref_squeeze %dma_wait3A_842 : memref<1x8x128x16xf32, #tpu.memory_space<vmem>> -> memref<8x128x16xf32, #tpu.memory_space<vmem>>
      %dma_wait3A_844 = arith.constant 0 : i32
      %dma_wait3A_845 = arith.constant 0 : i32
      %dma_wait3A_846 = tpu.memref_slice %dma_wait3A_843[%dma_wait3A_837, %dma_wait3A_844, %dma_wait3A_845] : memref<8x128x16xf32, #tpu.memory_space<vmem>> -> memref<1x128x16xf32, #tpu.memory_space<vmem>>
      %dma_wait3A_847 = tpu.memref_squeeze %dma_wait3A_846 : memref<1x128x16xf32, #tpu.memory_space<vmem>> -> memref<128x16xf32, #tpu.memory_space<vmem>>
      %dma_wait3A_848 = arith.constant 0 : i32
      %dma_wait3A_849 = arith.constant 0 : i32
      %dma_wait3A_850 = tpu.memref_slice %arg5[%dma_wait3A_834, %dma_wait3A_848, %dma_wait3A_849] : memref<2x8x128xi32, #tpu.memory_space<vmem>> -> memref<1x8x128xi32, #tpu.memory_space<vmem>>
      %dma_wait3A_851 = tpu.memref_squeeze %dma_wait3A_850 : memref<1x8x128xi32, #tpu.memory_space<vmem>> -> memref<8x128xi32, #tpu.memory_space<vmem>>
      %dma_wait3A_852 = arith.constant 0 : i32
      %dma_wait3A_853 = tpu.memref_slice %dma_wait3A_851[%dma_wait3A_835, %dma_wait3A_852] : memref<8x128xi32, #tpu.memory_space<vmem>> -> memref<1x128xi32, #tpu.memory_space<vmem>>
      %dma_wait3A_854 = tpu.memref_squeeze %dma_wait3A_853 : memref<1x128xi32, #tpu.memory_space<vmem>> -> memref<128xi32, #tpu.memory_space<vmem>>
      %dma_wait3A_855 = arith.constant 0 : i32
      %dma_wait3A_856 = arith.constant 0 : i32
      %dma_wait3A_857 = tpu.memref_slice %arg2[%dma_wait3A_855, %dma_wait3A_856] : memref<100000x16xf32, #tpu.memory_space<hbm>> -> memref<100000x16xf32, #tpu.memory_space<hbm>>
      %dma_wait3A_858 = tpu.memref_slice %arg8[%dma_wait3A_838] : memref<2x!tpu.dma_semaphore, #tpu.memory_space<semaphore_mem>> -> memref<1x!tpu.dma_semaphore, #tpu.memory_space<semaphore_mem>>
      %dma_wait3A_859 = tpu.memref_squeeze %dma_wait3A_858 : memref<1x!tpu.dma_semaphore, #tpu.memory_space<semaphore_mem>> -> memref<!tpu.dma_semaphore, #tpu.memory_space<semaphore_mem>>
      tpu.wait_indirect_dma semaphore(%dma_wait3A_859 : memref<!tpu.dma_semaphore, #tpu.memory_space<semaphore_mem>>) src(%dma_wait3A_857 : memref<100000x16xf32, #tpu.memory_space<hbm>>) dst(%dma_wait3A_847 : memref<128x16xf32, #tpu.memory_space<vmem>>)
      %dma_wait3A_860 = arith.constant 1 : i32
      %dma_wait3A_861 = arith.constant 1 : i32
      %dma_wait3A_862 = arith.constant 1 : i32
      %dma_wait3A_863 = arith.constant 1 : i32
      %dma_wait3A_864 = arith.constant 1 : i32
      %dma_wait3A_865 = arith.constant 0 : i32
      %dma_wait3A_866 = arith.constant 0 : i32
      %dma_wait3A_867 = arith.constant 0 : i32
      %dma_wait3A_868 = tpu.memref_slice %arg6[%dma_wait3A_862, %dma_wait3A_865, %dma_wait3A_866, %dma_wait3A_867] : memref<2x8x128x16xf32, #tpu.memory_space<vmem>> -> memref<1x8x128x16xf32, #tpu.memory_space<vmem>>
      %dma_wait3A_869 = tpu.memref_squeeze %dma_wait3A_868 : memref<1x8x128x16xf32, #tpu.memory_space<vmem>> -> memref<8x128x16xf32, #tpu.memory_space<vmem>>
      %dma_wait3A_870 = arith.constant 0 : i32
      %dma_wait3A_871 = arith.constant 0 : i32
      %dma_wait3A_872 = tpu.memref_slice %dma_wait3A_869[%dma_wait3A_863, %dma_wait3A_870, %dma_wait3A_871] : memref<8x128x16xf32, #tpu.memory_space<vmem>> -> memref<1x128x16xf32, #tpu.memory_space<vmem>>
      %dma_wait3A_873 = tpu.memref_squeeze %dma_wait3A_872 : memref<1x128x16xf32, #tpu.memory_space<vmem>> -> memref<128x16xf32, #tpu.memory_space<vmem>>
      %dma_wait3A_874 = arith.constant 0 : i32
      %dma_wait3A_875 = arith.constant 0 : i32
      %dma_wait3A_876 = tpu.memref_slice %arg5[%dma_wait3A_860, %dma_wait3A_874, %dma_wait3A_875] : memref<2x8x128xi32, #tpu.memory_space<vmem>> -> memref<1x8x128xi32, #tpu.memory_space<vmem>>
      %dma_wait3A_877 = tpu.memref_squeeze %dma_wait3A_876 : memref<1x8x128xi32, #tpu.memory_space<vmem>> -> memref<8x128xi32, #tpu.memory_space<vmem>>
      %dma_wait3A_878 = arith.constant 0 : i32
      %dma_wait3A_879 = tpu.memref_slice %dma_wait3A_877[%dma_wait3A_861, %dma_wait3A_878] : memref<8x128xi32, #tpu.memory_space<vmem>> -> memref<1x128xi32, #tpu.memory_space<vmem>>
      %dma_wait3A_880 = tpu.memref_squeeze %dma_wait3A_879 : memref<1x128xi32, #tpu.memory_space<vmem>> -> memref<128xi32, #tpu.memory_space<vmem>>
      %dma_wait3A_881 = arith.constant 0 : i32
      %dma_wait3A_882 = arith.constant 0 : i32
      %dma_wait3A_883 = tpu.memref_slice %arg2[%dma_wait3A_881, %dma_wait3A_882] : memref<100000x16xf32, #tpu.memory_space<hbm>> -> memref<100000x16xf32, #tpu.memory_space<hbm>>
      %dma_wait3A_884 = tpu.memref_slice %arg8[%dma_wait3A_864] : memref<2x!tpu.dma_semaphore, #tpu.memory_space<semaphore_mem>> -> memref<1x!tpu.dma_semaphore, #tpu.memory_space<semaphore_mem>>
      %dma_wait3A_885 = tpu.memref_squeeze %dma_wait3A_884 : memref<1x!tpu.dma_semaphore, #tpu.memory_space<semaphore_mem>> -> memref<!tpu.dma_semaphore, #tpu.memory_space<semaphore_mem>>
      tpu.wait_indirect_dma semaphore(%dma_wait3A_885 : memref<!tpu.dma_semaphore, #tpu.memory_space<semaphore_mem>>) src(%dma_wait3A_883 : memref<100000x16xf32, #tpu.memory_space<hbm>>) dst(%dma_wait3A_873 : memref<128x16xf32, #tpu.memory_space<vmem>>)
      %dma_wait3A_886 = arith.constant 1 : i32
      %dma_wait3A_887 = arith.constant 2 : i32
      %dma_wait3A_888 = arith.constant 1 : i32
      %dma_wait3A_889 = arith.constant 2 : i32
      %dma_wait3A_890 = arith.constant 1 : i32
      %dma_wait3A_891 = arith.constant 0 : i32
      %dma_wait3A_892 = arith.constant 0 : i32
      %dma_wait3A_893 = arith.constant 0 : i32
      %dma_wait3A_894 = tpu.memref_slice %arg6[%dma_wait3A_888, %dma_wait3A_891, %dma_wait3A_892, %dma_wait3A_893] : memref<2x8x128x16xf32, #tpu.memory_space<vmem>> -> memref<1x8x128x16xf32, #tpu.memory_space<vmem>>
      %dma_wait3A_895 = tpu.memref_squeeze %dma_wait3A_894 : memref<1x8x128x16xf32, #tpu.memory_space<vmem>> -> memref<8x128x16xf32, #tpu.memory_space<vmem>>
      %dma_wait3A_896 = arith.constant 0 : i32
      %dma_wait3A_897 = arith.constant 0 : i32
      %dma_wait3A_898 = tpu.memref_slice %dma_wait3A_895[%dma_wait3A_889, %dma_wait3A_896, %dma_wait3A_897] : memref<8x128x16xf32, #tpu.memory_space<vmem>> -> memref<1x128x16xf32, #tpu.memory_space<vmem>>
      %dma_wait3A_899 = tpu.memref_squeeze %dma_wait3A_898 : memref<1x128x16xf32, #tpu.memory_space<vmem>> -> memref<128x16xf32, #tpu.memory_space<vmem>>
      %dma_wait3A_900 = arith.constant 0 : i32
      %dma_wait3A_901 = arith.constant 0 : i32
      %dma_wait3A_902 = tpu.memref_slice %arg5[%dma_wait3A_886, %dma_wait3A_900, %dma_wait3A_901] : memref<2x8x128xi32, #tpu.memory_space<vmem>> -> memref<1x8x128xi32, #tpu.memory_space<vmem>>
      %dma_wait3A_903 = tpu.memref_squeeze %dma_wait3A_902 : memref<1x8x128xi32, #tpu.memory_space<vmem>> -> memref<8x128xi32, #tpu.memory_space<vmem>>
      %dma_wait3A_904 = arith.constant 0 : i32
      %dma_wait3A_905 = tpu.memref_slice %dma_wait3A_903[%dma_wait3A_887, %dma_wait3A_904] : memref<8x128xi32, #tpu.memory_space<vmem>> -> memref<1x128xi32, #tpu.memory_space<vmem>>
      %dma_wait3A_906 = tpu.memref_squeeze %dma_wait3A_905 : memref<1x128xi32, #tpu.memory_space<vmem>> -> memref<128xi32, #tpu.memory_space<vmem>>
      %dma_wait3A_907 = arith.constant 0 : i32
      %dma_wait3A_908 = arith.constant 0 : i32
      %dma_wait3A_909 = tpu.memref_slice %arg2[%dma_wait3A_907, %dma_wait3A_908] : memref<100000x16xf32, #tpu.memory_space<hbm>> -> memref<100000x16xf32, #tpu.memory_space<hbm>>
      %dma_wait3A_910 = tpu.memref_slice %arg8[%dma_wait3A_890] : memref<2x!tpu.dma_semaphore, #tpu.memory_space<semaphore_mem>> -> memref<1x!tpu.dma_semaphore, #tpu.memory_space<semaphore_mem>>
      %dma_wait3A_911 = tpu.memref_squeeze %dma_wait3A_910 : memref<1x!tpu.dma_semaphore, #tpu.memory_space<semaphore_mem>> -> memref<!tpu.dma_semaphore, #tpu.memory_space<semaphore_mem>>
      tpu.wait_indirect_dma semaphore(%dma_wait3A_911 : memref<!tpu.dma_semaphore, #tpu.memory_space<semaphore_mem>>) src(%dma_wait3A_909 : memref<100000x16xf32, #tpu.memory_space<hbm>>) dst(%dma_wait3A_899 : memref<128x16xf32, #tpu.memory_space<vmem>>)
      %dma_wait3A_912 = arith.constant 1 : i32
      %dma_wait3A_913 = arith.constant 3 : i32
      %dma_wait3A_914 = arith.constant 1 : i32
      %dma_wait3A_915 = arith.constant 3 : i32
      %dma_wait3A_916 = arith.constant 1 : i32
      %dma_wait3A_917 = arith.constant 0 : i32
      %dma_wait3A_918 = arith.constant 0 : i32
      %dma_wait3A_919 = arith.constant 0 : i32
      %dma_wait3A_920 = tpu.memref_slice %arg6[%dma_wait3A_914, %dma_wait3A_917, %dma_wait3A_918, %dma_wait3A_919] : memref<2x8x128x16xf32, #tpu.memory_space<vmem>> -> memref<1x8x128x16xf32, #tpu.memory_space<vmem>>
      %dma_wait3A_921 = tpu.memref_squeeze %dma_wait3A_920 : memref<1x8x128x16xf32, #tpu.memory_space<vmem>> -> memref<8x128x16xf32, #tpu.memory_space<vmem>>
      %dma_wait3A_922 = arith.constant 0 : i32
      %dma_wait3A_923 = arith.constant 0 : i32
      %dma_wait3A_924 = tpu.memref_slice %dma_wait3A_921[%dma_wait3A_915, %dma_wait3A_922, %dma_wait3A_923] : memref<8x128x16xf32, #tpu.memory_space<vmem>> -> memref<1x128x16xf32, #tpu.memory_space<vmem>>
      %dma_wait3A_925 = tpu.memref_squeeze %dma_wait3A_924 : memref<1x128x16xf32, #tpu.memory_space<vmem>> -> memref<128x16xf32, #tpu.memory_space<vmem>>
      %dma_wait3A_926 = arith.constant 0 : i32
      %dma_wait3A_927 = arith.constant 0 : i32
      %dma_wait3A_928 = tpu.memref_slice %arg5[%dma_wait3A_912, %dma_wait3A_926, %dma_wait3A_927] : memref<2x8x128xi32, #tpu.memory_space<vmem>> -> memref<1x8x128xi32, #tpu.memory_space<vmem>>
      %dma_wait3A_929 = tpu.memref_squeeze %dma_wait3A_928 : memref<1x8x128xi32, #tpu.memory_space<vmem>> -> memref<8x128xi32, #tpu.memory_space<vmem>>
      %dma_wait3A_930 = arith.constant 0 : i32
      %dma_wait3A_931 = tpu.memref_slice %dma_wait3A_929[%dma_wait3A_913, %dma_wait3A_930] : memref<8x128xi32, #tpu.memory_space<vmem>> -> memref<1x128xi32, #tpu.memory_space<vmem>>
      %dma_wait3A_932 = tpu.memref_squeeze %dma_wait3A_931 : memref<1x128xi32, #tpu.memory_space<vmem>> -> memref<128xi32, #tpu.memory_space<vmem>>
      %dma_wait3A_933 = arith.constant 0 : i32
      %dma_wait3A_934 = arith.constant 0 : i32
      %dma_wait3A_935 = tpu.memref_slice %arg2[%dma_wait3A_933, %dma_wait3A_934] : memref<100000x16xf32, #tpu.memory_space<hbm>> -> memref<100000x16xf32, #tpu.memory_space<hbm>>
      %dma_wait3A_936 = tpu.memref_slice %arg8[%dma_wait3A_916] : memref<2x!tpu.dma_semaphore, #tpu.memory_space<semaphore_mem>> -> memref<1x!tpu.dma_semaphore, #tpu.memory_space<semaphore_mem>>
      %dma_wait3A_937 = tpu.memref_squeeze %dma_wait3A_936 : memref<1x!tpu.dma_semaphore, #tpu.memory_space<semaphore_mem>> -> memref<!tpu.dma_semaphore, #tpu.memory_space<semaphore_mem>>
      tpu.wait_indirect_dma semaphore(%dma_wait3A_937 : memref<!tpu.dma_semaphore, #tpu.memory_space<semaphore_mem>>) src(%dma_wait3A_935 : memref<100000x16xf32, #tpu.memory_space<hbm>>) dst(%dma_wait3A_925 : memref<128x16xf32, #tpu.memory_space<vmem>>)
      %dma_wait3A_938 = arith.constant 1 : i32
      %dma_wait3A_939 = arith.constant 4 : i32
      %dma_wait3A_940 = arith.constant 1 : i32
      %dma_wait3A_941 = arith.constant 4 : i32
      %dma_wait3A_942 = arith.constant 1 : i32
      %dma_wait3A_943 = arith.constant 0 : i32
      %dma_wait3A_944 = arith.constant 0 : i32
      %dma_wait3A_945 = arith.constant 0 : i32
      %dma_wait3A_946 = tpu.memref_slice %arg6[%dma_wait3A_940, %dma_wait3A_943, %dma_wait3A_944, %dma_wait3A_945] : memref<2x8x128x16xf32, #tpu.memory_space<vmem>> -> memref<1x8x128x16xf32, #tpu.memory_space<vmem>>
      %dma_wait3A_947 = tpu.memref_squeeze %dma_wait3A_946 : memref<1x8x128x16xf32, #tpu.memory_space<vmem>> -> memref<8x128x16xf32, #tpu.memory_space<vmem>>
      %dma_wait3A_948 = arith.constant 0 : i32
      %dma_wait3A_949 = arith.constant 0 : i32
      %dma_wait3A_950 = tpu.memref_slice %dma_wait3A_947[%dma_wait3A_941, %dma_wait3A_948, %dma_wait3A_949] : memref<8x128x16xf32, #tpu.memory_space<vmem>> -> memref<1x128x16xf32, #tpu.memory_space<vmem>>
      %dma_wait3A_951 = tpu.memref_squeeze %dma_wait3A_950 : memref<1x128x16xf32, #tpu.memory_space<vmem>> -> memref<128x16xf32, #tpu.memory_space<vmem>>
      %dma_wait3A_952 = arith.constant 0 : i32
      %dma_wait3A_953 = arith.constant 0 : i32
      %dma_wait3A_954 = tpu.memref_slice %arg5[%dma_wait3A_938, %dma_wait3A_952, %dma_wait3A_953] : memref<2x8x128xi32, #tpu.memory_space<vmem>> -> memref<1x8x128xi32, #tpu.memory_space<vmem>>
      %dma_wait3A_955 = tpu.memref_squeeze %dma_wait3A_954 : memref<1x8x128xi32, #tpu.memory_space<vmem>> -> memref<8x128xi32, #tpu.memory_space<vmem>>
      %dma_wait3A_956 = arith.constant 0 : i32
      %dma_wait3A_957 = tpu.memref_slice %dma_wait3A_955[%dma_wait3A_939, %dma_wait3A_956] : memref<8x128xi32, #tpu.memory_space<vmem>> -> memref<1x128xi32, #tpu.memory_space<vmem>>
      %dma_wait3A_958 = tpu.memref_squeeze %dma_wait3A_957 : memref<1x128xi32, #tpu.memory_space<vmem>> -> memref<128xi32, #tpu.memory_space<vmem>>
      %dma_wait3A_959 = arith.constant 0 : i32
      %dma_wait3A_960 = arith.constant 0 : i32
      %dma_wait3A_961 = tpu.memref_slice %arg2[%dma_wait3A_959, %dma_wait3A_960] : memref<100000x16xf32, #tpu.memory_space<hbm>> -> memref<100000x16xf32, #tpu.memory_space<hbm>>
      %dma_wait3A_962 = tpu.memref_slice %arg8[%dma_wait3A_942] : memref<2x!tpu.dma_semaphore, #tpu.memory_space<semaphore_mem>> -> memref<1x!tpu.dma_semaphore, #tpu.memory_space<semaphore_mem>>
      %dma_wait3A_963 = tpu.memref_squeeze %dma_wait3A_962 : memref<1x!tpu.dma_semaphore, #tpu.memory_space<semaphore_mem>> -> memref<!tpu.dma_semaphore, #tpu.memory_space<semaphore_mem>>
      tpu.wait_indirect_dma semaphore(%dma_wait3A_963 : memref<!tpu.dma_semaphore, #tpu.memory_space<semaphore_mem>>) src(%dma_wait3A_961 : memref<100000x16xf32, #tpu.memory_space<hbm>>) dst(%dma_wait3A_951 : memref<128x16xf32, #tpu.memory_space<vmem>>)
      %dma_wait3A_964 = arith.constant 1 : i32
      %dma_wait3A_965 = arith.constant 5 : i32
      %dma_wait3A_966 = arith.constant 1 : i32
      %dma_wait3A_967 = arith.constant 5 : i32
      %dma_wait3A_968 = arith.constant 1 : i32
      %dma_wait3A_969 = arith.constant 0 : i32
      %dma_wait3A_970 = arith.constant 0 : i32
      %dma_wait3A_971 = arith.constant 0 : i32
      %dma_wait3A_972 = tpu.memref_slice %arg6[%dma_wait3A_966, %dma_wait3A_969, %dma_wait3A_970, %dma_wait3A_971] : memref<2x8x128x16xf32, #tpu.memory_space<vmem>> -> memref<1x8x128x16xf32, #tpu.memory_space<vmem>>
      %dma_wait3A_973 = tpu.memref_squeeze %dma_wait3A_972 : memref<1x8x128x16xf32, #tpu.memory_space<vmem>> -> memref<8x128x16xf32, #tpu.memory_space<vmem>>
      %dma_wait3A_974 = arith.constant 0 : i32
      %dma_wait3A_975 = arith.constant 0 : i32
      %dma_wait3A_976 = tpu.memref_slice %dma_wait3A_973[%dma_wait3A_967, %dma_wait3A_974, %dma_wait3A_975] : memref<8x128x16xf32, #tpu.memory_space<vmem>> -> memref<1x128x16xf32, #tpu.memory_space<vmem>>
      %dma_wait3A_977 = tpu.memref_squeeze %dma_wait3A_976 : memref<1x128x16xf32, #tpu.memory_space<vmem>> -> memref<128x16xf32, #tpu.memory_space<vmem>>
      %dma_wait3A_978 = arith.constant 0 : i32
      %dma_wait3A_979 = arith.constant 0 : i32
      %dma_wait3A_980 = tpu.memref_slice %arg5[%dma_wait3A_964, %dma_wait3A_978, %dma_wait3A_979] : memref<2x8x128xi32, #tpu.memory_space<vmem>> -> memref<1x8x128xi32, #tpu.memory_space<vmem>>
      %dma_wait3A_981 = tpu.memref_squeeze %dma_wait3A_980 : memref<1x8x128xi32, #tpu.memory_space<vmem>> -> memref<8x128xi32, #tpu.memory_space<vmem>>
      %dma_wait3A_982 = arith.constant 0 : i32
      %dma_wait3A_983 = tpu.memref_slice %dma_wait3A_981[%dma_wait3A_965, %dma_wait3A_982] : memref<8x128xi32, #tpu.memory_space<vmem>> -> memref<1x128xi32, #tpu.memory_space<vmem>>
      %dma_wait3A_984 = tpu.memref_squeeze %dma_wait3A_983 : memref<1x128xi32, #tpu.memory_space<vmem>> -> memref<128xi32, #tpu.memory_space<vmem>>
      %dma_wait3A_985 = arith.constant 0 : i32
      %dma_wait3A_986 = arith.constant 0 : i32
      %dma_wait3A_987 = tpu.memref_slice %arg2[%dma_wait3A_985, %dma_wait3A_986] : memref<100000x16xf32, #tpu.memory_space<hbm>> -> memref<100000x16xf32, #tpu.memory_space<hbm>>
      %dma_wait3A_988 = tpu.memref_slice %arg8[%dma_wait3A_968] : memref<2x!tpu.dma_semaphore, #tpu.memory_space<semaphore_mem>> -> memref<1x!tpu.dma_semaphore, #tpu.memory_space<semaphore_mem>>
      %dma_wait3A_989 = tpu.memref_squeeze %dma_wait3A_988 : memref<1x!tpu.dma_semaphore, #tpu.memory_space<semaphore_mem>> -> memref<!tpu.dma_semaphore, #tpu.memory_space<semaphore_mem>>
      tpu.wait_indirect_dma semaphore(%dma_wait3A_989 : memref<!tpu.dma_semaphore, #tpu.memory_space<semaphore_mem>>) src(%dma_wait3A_987 : memref<100000x16xf32, #tpu.memory_space<hbm>>) dst(%dma_wait3A_977 : memref<128x16xf32, #tpu.memory_space<vmem>>)
      %dma_wait3A_990 = arith.constant 1 : i32
      %dma_wait3A_991 = arith.constant 6 : i32
      %dma_wait3A_992 = arith.constant 1 : i32
      %dma_wait3A_993 = arith.constant 6 : i32
      %dma_wait3A_994 = arith.constant 1 : i32
      %dma_wait3A_995 = arith.constant 0 : i32
      %dma_wait3A_996 = arith.constant 0 : i32
      %dma_wait3A_997 = arith.constant 0 : i32
      %dma_wait3A_998 = tpu.memref_slice %arg6[%dma_wait3A_992, %dma_wait3A_995, %dma_wait3A_996, %dma_wait3A_997] : memref<2x8x128x16xf32, #tpu.memory_space<vmem>> -> memref<1x8x128x16xf32, #tpu.memory_space<vmem>>
      %dma_wait3A_999 = tpu.memref_squeeze %dma_wait3A_998 : memref<1x8x128x16xf32, #tpu.memory_space<vmem>> -> memref<8x128x16xf32, #tpu.memory_space<vmem>>
      %dma_wait3A_1000 = arith.constant 0 : i32
      %dma_wait3A_1001 = arith.constant 0 : i32
      %dma_wait3A_1002 = tpu.memref_slice %dma_wait3A_999[%dma_wait3A_993, %dma_wait3A_1000, %dma_wait3A_1001] : memref<8x128x16xf32, #tpu.memory_space<vmem>> -> memref<1x128x16xf32, #tpu.memory_space<vmem>>
      %dma_wait3A_1003 = tpu.memref_squeeze %dma_wait3A_1002 : memref<1x128x16xf32, #tpu.memory_space<vmem>> -> memref<128x16xf32, #tpu.memory_space<vmem>>
      %dma_wait3A_1004 = arith.constant 0 : i32
      %dma_wait3A_1005 = arith.constant 0 : i32
      %dma_wait3A_1006 = tpu.memref_slice %arg5[%dma_wait3A_990, %dma_wait3A_1004, %dma_wait3A_1005] : memref<2x8x128xi32, #tpu.memory_space<vmem>> -> memref<1x8x128xi32, #tpu.memory_space<vmem>>
      %dma_wait3A_1007 = tpu.memref_squeeze %dma_wait3A_1006 : memref<1x8x128xi32, #tpu.memory_space<vmem>> -> memref<8x128xi32, #tpu.memory_space<vmem>>
      %dma_wait3A_1008 = arith.constant 0 : i32
      %dma_wait3A_1009 = tpu.memref_slice %dma_wait3A_1007[%dma_wait3A_991, %dma_wait3A_1008] : memref<8x128xi32, #tpu.memory_space<vmem>> -> memref<1x128xi32, #tpu.memory_space<vmem>>
      %dma_wait3A_1010 = tpu.memref_squeeze %dma_wait3A_1009 : memref<1x128xi32, #tpu.memory_space<vmem>> -> memref<128xi32, #tpu.memory_space<vmem>>
      %dma_wait3A_1011 = arith.constant 0 : i32
      %dma_wait3A_1012 = arith.constant 0 : i32
      %dma_wait3A_1013 = tpu.memref_slice %arg2[%dma_wait3A_1011, %dma_wait3A_1012] : memref<100000x16xf32, #tpu.memory_space<hbm>> -> memref<100000x16xf32, #tpu.memory_space<hbm>>
      %dma_wait3A_1014 = tpu.memref_slice %arg8[%dma_wait3A_994] : memref<2x!tpu.dma_semaphore, #tpu.memory_space<semaphore_mem>> -> memref<1x!tpu.dma_semaphore, #tpu.memory_space<semaphore_mem>>
      %dma_wait3A_1015 = tpu.memref_squeeze %dma_wait3A_1014 : memref<1x!tpu.dma_semaphore, #tpu.memory_space<semaphore_mem>> -> memref<!tpu.dma_semaphore, #tpu.memory_space<semaphore_mem>>
      tpu.wait_indirect_dma semaphore(%dma_wait3A_1015 : memref<!tpu.dma_semaphore, #tpu.memory_space<semaphore_mem>>) src(%dma_wait3A_1013 : memref<100000x16xf32, #tpu.memory_space<hbm>>) dst(%dma_wait3A_1003 : memref<128x16xf32, #tpu.memory_space<vmem>>)
      %dma_wait3A_1016 = arith.constant 1 : i32
      %dma_wait3A_1017 = arith.constant 7 : i32
      %dma_wait3A_1018 = arith.constant 1 : i32
      %dma_wait3A_1019 = arith.constant 7 : i32
      %dma_wait3A_1020 = arith.constant 1 : i32
      %dma_wait3A_1021 = arith.constant 0 : i32
      %dma_wait3A_1022 = arith.constant 0 : i32
      %dma_wait3A_1023 = arith.constant 0 : i32
      %dma_wait3A_1024 = tpu.memref_slice %arg6[%dma_wait3A_1018, %dma_wait3A_1021, %dma_wait3A_1022, %dma_wait3A_1023] : memref<2x8x128x16xf32, #tpu.memory_space<vmem>> -> memref<1x8x128x16xf32, #tpu.memory_space<vmem>>
      %dma_wait3A_1025 = tpu.memref_squeeze %dma_wait3A_1024 : memref<1x8x128x16xf32, #tpu.memory_space<vmem>> -> memref<8x128x16xf32, #tpu.memory_space<vmem>>
      %dma_wait3A_1026 = arith.constant 0 : i32
      %dma_wait3A_1027 = arith.constant 0 : i32
      %dma_wait3A_1028 = tpu.memref_slice %dma_wait3A_1025[%dma_wait3A_1019, %dma_wait3A_1026, %dma_wait3A_1027] : memref<8x128x16xf32, #tpu.memory_space<vmem>> -> memref<1x128x16xf32, #tpu.memory_space<vmem>>
      %dma_wait3A_1029 = tpu.memref_squeeze %dma_wait3A_1028 : memref<1x128x16xf32, #tpu.memory_space<vmem>> -> memref<128x16xf32, #tpu.memory_space<vmem>>
      %dma_wait3A_1030 = arith.constant 0 : i32
      %dma_wait3A_1031 = arith.constant 0 : i32
      %dma_wait3A_1032 = tpu.memref_slice %arg5[%dma_wait3A_1016, %dma_wait3A_1030, %dma_wait3A_1031] : memref<2x8x128xi32, #tpu.memory_space<vmem>> -> memref<1x8x128xi32, #tpu.memory_space<vmem>>
      %dma_wait3A_1033 = tpu.memref_squeeze %dma_wait3A_1032 : memref<1x8x128xi32, #tpu.memory_space<vmem>> -> memref<8x128xi32, #tpu.memory_space<vmem>>
      %dma_wait3A_1034 = arith.constant 0 : i32
      %dma_wait3A_1035 = tpu.memref_slice %dma_wait3A_1033[%dma_wait3A_1017, %dma_wait3A_1034] : memref<8x128xi32, #tpu.memory_space<vmem>> -> memref<1x128xi32, #tpu.memory_space<vmem>>
      %dma_wait3A_1036 = tpu.memref_squeeze %dma_wait3A_1035 : memref<1x128xi32, #tpu.memory_space<vmem>> -> memref<128xi32, #tpu.memory_space<vmem>>
      %dma_wait3A_1037 = arith.constant 0 : i32
      %dma_wait3A_1038 = arith.constant 0 : i32
      %dma_wait3A_1039 = tpu.memref_slice %arg2[%dma_wait3A_1037, %dma_wait3A_1038] : memref<100000x16xf32, #tpu.memory_space<hbm>> -> memref<100000x16xf32, #tpu.memory_space<hbm>>
      %dma_wait3A_1040 = tpu.memref_slice %arg8[%dma_wait3A_1020] : memref<2x!tpu.dma_semaphore, #tpu.memory_space<semaphore_mem>> -> memref<1x!tpu.dma_semaphore, #tpu.memory_space<semaphore_mem>>
      %dma_wait3A_1041 = tpu.memref_squeeze %dma_wait3A_1040 : memref<1x!tpu.dma_semaphore, #tpu.memory_space<semaphore_mem>> -> memref<!tpu.dma_semaphore, #tpu.memory_space<semaphore_mem>>
      tpu.wait_indirect_dma semaphore(%dma_wait3A_1041 : memref<!tpu.dma_semaphore, #tpu.memory_space<semaphore_mem>>) src(%dma_wait3A_1039 : memref<100000x16xf32, #tpu.memory_space<hbm>>) dst(%dma_wait3A_1029 : memref<128x16xf32, #tpu.memory_space<vmem>>)
      %add3A_1042 = arith.constant 16 : i32
      %add3A_1043 = arith.addi %add3A_604, %add3A_1042 : i32
      %min3A_1044 = arith.minsi %add3A_1043, %add3A_6 : i32
      %dma_start3A_1045 = arith.constant 1 : i32
      %dma_start3A_1046 = arith.constant 1 : i32
      %dma_start3A_1047 = arith.constant 0 : i32
      %dma_start3A_1048 = arith.constant 0 : i32
      %dma_start3A_1049 = tpu.memref_slice %arg5[%dma_start3A_1045, %dma_start3A_1047, %dma_start3A_1048] : memref<2x8x128xi32, #tpu.memory_space<vmem>> -> memref<1x8x128xi32, #tpu.memory_space<vmem>>
      %dma_start3A_1050 = tpu.memref_squeeze %dma_start3A_1049 : memref<1x8x128xi32, #tpu.memory_space<vmem>> -> memref<8x128xi32, #tpu.memory_space<vmem>>
      %dma_start3A_1051 = arith.constant 0 : i32
      %dma_start3A_1052 = tpu.memref_slice %arg3[%min3A_1044, %dma_start3A_1051] : memref<12800x128xi32, #tpu.memory_space<hbm>> -> memref<8x128xi32, #tpu.memory_space<hbm>>
      %dma_start3A_1053 = tpu.memref_slice %arg7[%dma_start3A_1046] : memref<2x!tpu.dma_semaphore, #tpu.memory_space<semaphore_mem>> -> memref<1x!tpu.dma_semaphore, #tpu.memory_space<semaphore_mem>>
      %dma_start3A_1054 = tpu.memref_squeeze %dma_start3A_1053 : memref<1x!tpu.dma_semaphore, #tpu.memory_space<semaphore_mem>> -> memref<!tpu.dma_semaphore, #tpu.memory_space<semaphore_mem>>
      %dma_start3A_1055 = arith.constant 0 : i32
      %dma_start3A_1056 = arith.constant 0 : i32
      %dma_start3A_1057 = tpu.memref_slice %arg5[%dma_start3A_1045, %dma_start3A_1055, %dma_start3A_1056] : memref<2x8x128xi32, #tpu.memory_space<vmem>> -> memref<1x8x128xi32, #tpu.memory_space<vmem>>
      %dma_start3A_1058 = tpu.memref_squeeze %dma_start3A_1057 : memref<1x8x128xi32, #tpu.memory_space<vmem>> -> memref<8x128xi32, #tpu.memory_space<vmem>>
      %dma_start3A_1059 = arith.constant 0 : i32
      %dma_start3A_1060 = tpu.memref_slice %arg3[%min3A_1044, %dma_start3A_1059] : memref<12800x128xi32, #tpu.memory_space<hbm>> -> memref<8x128xi32, #tpu.memory_space<hbm>>
      tpu.enqueue_dma source(%dma_start3A_1060 : memref<8x128xi32, #tpu.memory_space<hbm>>) target(%dma_start3A_1058 : memref<8x128xi32, #tpu.memory_space<vmem>>) target_semaphore(%dma_start3A_1054 : memref<!tpu.dma_semaphore, #tpu.memory_space<semaphore_mem>>)
      %dma_start3A_1061 = arith.constant 1 : i32
      %dma_start3A_1062 = arith.constant 1 : i32
      %dma_start3A_1063 = arith.constant 0 : i32
      %dma_start3A_1064 = arith.constant 0 : i32
      %dma_start3A_1065 = arith.constant 0 : i32
      %dma_start3A_1066 = tpu.memref_slice %arg6[%dma_start3A_1061, %dma_start3A_1063, %dma_start3A_1064, %dma_start3A_1065] : memref<2x8x128x16xf32, #tpu.memory_space<vmem>> -> memref<1x8x128x16xf32, #tpu.memory_space<vmem>>
      %dma_start3A_1067 = tpu.memref_squeeze %dma_start3A_1066 : memref<1x8x128x16xf32, #tpu.memory_space<vmem>> -> memref<8x128x16xf32, #tpu.memory_space<vmem>>
      %dma_start3A_1068 = arith.constant 0 : i32
      %dma_start3A_1069 = arith.constant 0 : i32
      %dma_start3A_1070 = tpu.memref_slice %arg4[%add3A_604, %dma_start3A_1068, %dma_start3A_1069] : memref<12800x128x16xf32, #tpu.memory_space<hbm>> -> memref<8x128x16xf32, #tpu.memory_space<hbm>>
      %dma_start3A_1071 = tpu.memref_slice %arg9[%dma_start3A_1062] : memref<2x!tpu.dma_semaphore, #tpu.memory_space<semaphore_mem>> -> memref<1x!tpu.dma_semaphore, #tpu.memory_space<semaphore_mem>>
      %dma_start3A_1072 = tpu.memref_squeeze %dma_start3A_1071 : memref<1x!tpu.dma_semaphore, #tpu.memory_space<semaphore_mem>> -> memref<!tpu.dma_semaphore, #tpu.memory_space<semaphore_mem>>
      %dma_start3A_1073 = arith.constant 0 : i32
      %dma_start3A_1074 = arith.constant 0 : i32
      %dma_start3A_1075 = tpu.memref_slice %arg4[%add3A_604, %dma_start3A_1073, %dma_start3A_1074] : memref<12800x128x16xf32, #tpu.memory_space<hbm>> -> memref<8x128x16xf32, #tpu.memory_space<hbm>>
      %dma_start3A_1076 = arith.constant 0 : i32
      %dma_start3A_1077 = arith.constant 0 : i32
      %dma_start3A_1078 = arith.constant 0 : i32
      %dma_start3A_1079 = tpu.memref_slice %arg6[%dma_start3A_1061, %dma_start3A_1076, %dma_start3A_1077, %dma_start3A_1078] : memref<2x8x128x16xf32, #tpu.memory_space<vmem>> -> memref<1x8x128x16xf32, #tpu.memory_space<vmem>>
      %dma_start3A_1080 = tpu.memref_squeeze %dma_start3A_1079 : memref<1x8x128x16xf32, #tpu.memory_space<vmem>> -> memref<8x128x16xf32, #tpu.memory_space<vmem>>
      tpu.enqueue_dma source(%dma_start3A_1080 : memref<8x128x16xf32, #tpu.memory_space<vmem>>) target(%dma_start3A_1075 : memref<8x128x16xf32, #tpu.memory_space<hbm>>) target_semaphore(%dma_start3A_1072 : memref<!tpu.dma_semaphore, #tpu.memory_space<semaphore_mem>>)
    }
    %scan3A_46 = arith.constant 25 : i32
    %dma_wait3A = arith.constant 0 : i32
    %dma_wait3A_47 = arith.constant 0 : i32
    %dma_wait3A_48 = arith.constant 0 : i32
    %dma_wait3A_49 = arith.constant 0 : i32
    %dma_wait3A_50 = tpu.memref_slice %arg5[%dma_wait3A, %dma_wait3A_48, %dma_wait3A_49] : memref<2x8x128xi32, #tpu.memory_space<vmem>> -> memref<1x8x128xi32, #tpu.memory_space<vmem>>
    %dma_wait3A_51 = tpu.memref_squeeze %dma_wait3A_50 : memref<1x8x128xi32, #tpu.memory_space<vmem>> -> memref<8x128xi32, #tpu.memory_space<vmem>>
    %dma_wait3A_52 = arith.constant 0 : i32
    %dma_wait3A_53 = tpu.memref_slice %arg3[%mul3A_4, %dma_wait3A_52] : memref<12800x128xi32, #tpu.memory_space<hbm>> -> memref<8x128xi32, #tpu.memory_space<hbm>>
    %dma_wait3A_54 = tpu.memref_slice %arg7[%dma_wait3A_47] : memref<2x!tpu.dma_semaphore, #tpu.memory_space<semaphore_mem>> -> memref<1x!tpu.dma_semaphore, #tpu.memory_space<semaphore_mem>>
    %dma_wait3A_55 = tpu.memref_squeeze %dma_wait3A_54 : memref<1x!tpu.dma_semaphore, #tpu.memory_space<semaphore_mem>> -> memref<!tpu.dma_semaphore, #tpu.memory_space<semaphore_mem>>
    %dma_wait3A_56 = arith.constant 0 : i32
    %dma_wait3A_57 = arith.constant 0 : i32
    %dma_wait3A_58 = tpu.memref_slice %arg5[%dma_wait3A, %dma_wait3A_56, %dma_wait3A_57] : memref<2x8x128xi32, #tpu.memory_space<vmem>> -> memref<1x8x128xi32, #tpu.memory_space<vmem>>
    %dma_wait3A_59 = tpu.memref_squeeze %dma_wait3A_58 : memref<1x8x128xi32, #tpu.memory_space<vmem>> -> memref<8x128xi32, #tpu.memory_space<vmem>>
    %dma_wait3A_60 = arith.constant 0 : i32
    %dma_wait3A_61 = tpu.memref_slice %arg3[%mul3A_4, %dma_wait3A_60] : memref<12800x128xi32, #tpu.memory_space<hbm>> -> memref<8x128xi32, #tpu.memory_space<hbm>>
    tpu.wait_dma2 semaphore(%dma_wait3A_55 : memref<!tpu.dma_semaphore, #tpu.memory_space<semaphore_mem>>) src(%dma_wait3A_61 : memref<8x128xi32, #tpu.memory_space<hbm>>) dst(%dma_wait3A_59 : memref<8x128xi32, #tpu.memory_space<vmem>>)
    %dma_wait3A_62 = arith.constant 0 : i32
    %dma_wait3A_63 = arith.constant 0 : i32
    %dma_wait3A_64 = arith.constant 0 : i32
    %dma_wait3A_65 = arith.constant 0 : i32
    %dma_wait3A_66 = arith.constant 0 : i32
    %dma_wait3A_67 = tpu.memref_slice %arg6[%dma_wait3A_62, %dma_wait3A_64, %dma_wait3A_65, %dma_wait3A_66] : memref<2x8x128x16xf32, #tpu.memory_space<vmem>> -> memref<1x8x128x16xf32, #tpu.memory_space<vmem>>
    %dma_wait3A_68 = tpu.memref_squeeze %dma_wait3A_67 : memref<1x8x128x16xf32, #tpu.memory_space<vmem>> -> memref<8x128x16xf32, #tpu.memory_space<vmem>>
    %dma_wait3A_69 = arith.constant 0 : i32
    %dma_wait3A_70 = arith.constant 0 : i32
    %dma_wait3A_71 = tpu.memref_slice %arg4[%mul3A_4, %dma_wait3A_69, %dma_wait3A_70] : memref<12800x128x16xf32, #tpu.memory_space<hbm>> -> memref<8x128x16xf32, #tpu.memory_space<hbm>>
    %dma_wait3A_72 = tpu.memref_slice %arg9[%dma_wait3A_63] : memref<2x!tpu.dma_semaphore, #tpu.memory_space<semaphore_mem>> -> memref<1x!tpu.dma_semaphore, #tpu.memory_space<semaphore_mem>>
    %dma_wait3A_73 = tpu.memref_squeeze %dma_wait3A_72 : memref<1x!tpu.dma_semaphore, #tpu.memory_space<semaphore_mem>> -> memref<!tpu.dma_semaphore, #tpu.memory_space<semaphore_mem>>
    %dma_wait3A_74 = arith.constant 0 : i32
    %dma_wait3A_75 = arith.constant 0 : i32
    %dma_wait3A_76 = tpu.memref_slice %arg4[%mul3A_4, %dma_wait3A_74, %dma_wait3A_75] : memref<12800x128x16xf32, #tpu.memory_space<hbm>> -> memref<8x128x16xf32, #tpu.memory_space<hbm>>
    %dma_wait3A_77 = arith.constant 0 : i32
    %dma_wait3A_78 = arith.constant 0 : i32
    %dma_wait3A_79 = arith.constant 0 : i32
    %dma_wait3A_80 = tpu.memref_slice %arg6[%dma_wait3A_62, %dma_wait3A_77, %dma_wait3A_78, %dma_wait3A_79] : memref<2x8x128x16xf32, #tpu.memory_space<vmem>> -> memref<1x8x128x16xf32, #tpu.memory_space<vmem>>
    %dma_wait3A_81 = tpu.memref_squeeze %dma_wait3A_80 : memref<1x8x128x16xf32, #tpu.memory_space<vmem>> -> memref<8x128x16xf32, #tpu.memory_space<vmem>>
    tpu.wait_dma2 semaphore(%dma_wait3A_73 : memref<!tpu.dma_semaphore, #tpu.memory_space<semaphore_mem>>) src(%dma_wait3A_81 : memref<8x128x16xf32, #tpu.memory_space<vmem>>) dst(%dma_wait3A_76 : memref<8x128x16xf32, #tpu.memory_space<hbm>>)
    %dma_wait3A_82 = arith.constant 1 : i32
    %dma_wait3A_83 = arith.constant 1 : i32
    %dma_wait3A_84 = arith.constant 0 : i32
    %dma_wait3A_85 = arith.constant 0 : i32
    %dma_wait3A_86 = tpu.memref_slice %arg5[%dma_wait3A_82, %dma_wait3A_84, %dma_wait3A_85] : memref<2x8x128xi32, #tpu.memory_space<vmem>> -> memref<1x8x128xi32, #tpu.memory_space<vmem>>
    %dma_wait3A_87 = tpu.memref_squeeze %dma_wait3A_86 : memref<1x8x128xi32, #tpu.memory_space<vmem>> -> memref<8x128xi32, #tpu.memory_space<vmem>>
    %dma_wait3A_88 = arith.constant 0 : i32
    %dma_wait3A_89 = tpu.memref_slice %arg3[%mul3A_4, %dma_wait3A_88] : memref<12800x128xi32, #tpu.memory_space<hbm>> -> memref<8x128xi32, #tpu.memory_space<hbm>>
    %dma_wait3A_90 = tpu.memref_slice %arg7[%dma_wait3A_83] : memref<2x!tpu.dma_semaphore, #tpu.memory_space<semaphore_mem>> -> memref<1x!tpu.dma_semaphore, #tpu.memory_space<semaphore_mem>>
    %dma_wait3A_91 = tpu.memref_squeeze %dma_wait3A_90 : memref<1x!tpu.dma_semaphore, #tpu.memory_space<semaphore_mem>> -> memref<!tpu.dma_semaphore, #tpu.memory_space<semaphore_mem>>
    %dma_wait3A_92 = arith.constant 0 : i32
    %dma_wait3A_93 = arith.constant 0 : i32
    %dma_wait3A_94 = tpu.memref_slice %arg5[%dma_wait3A_82, %dma_wait3A_92, %dma_wait3A_93] : memref<2x8x128xi32, #tpu.memory_space<vmem>> -> memref<1x8x128xi32, #tpu.memory_space<vmem>>
    %dma_wait3A_95 = tpu.memref_squeeze %dma_wait3A_94 : memref<1x8x128xi32, #tpu.memory_space<vmem>> -> memref<8x128xi32, #tpu.memory_space<vmem>>
    %dma_wait3A_96 = arith.constant 0 : i32
    %dma_wait3A_97 = tpu.memref_slice %arg3[%mul3A_4, %dma_wait3A_96] : memref<12800x128xi32, #tpu.memory_space<hbm>> -> memref<8x128xi32, #tpu.memory_space<hbm>>
    tpu.wait_dma2 semaphore(%dma_wait3A_91 : memref<!tpu.dma_semaphore, #tpu.memory_space<semaphore_mem>>) src(%dma_wait3A_97 : memref<8x128xi32, #tpu.memory_space<hbm>>) dst(%dma_wait3A_95 : memref<8x128xi32, #tpu.memory_space<vmem>>)
    %dma_wait3A_98 = arith.constant 1 : i32
    %dma_wait3A_99 = arith.constant 1 : i32
    %dma_wait3A_100 = arith.constant 0 : i32
    %dma_wait3A_101 = arith.constant 0 : i32
    %dma_wait3A_102 = arith.constant 0 : i32
    %dma_wait3A_103 = tpu.memref_slice %arg6[%dma_wait3A_98, %dma_wait3A_100, %dma_wait3A_101, %dma_wait3A_102] : memref<2x8x128x16xf32, #tpu.memory_space<vmem>> -> memref<1x8x128x16xf32, #tpu.memory_space<vmem>>
    %dma_wait3A_104 = tpu.memref_squeeze %dma_wait3A_103 : memref<1x8x128x16xf32, #tpu.memory_space<vmem>> -> memref<8x128x16xf32, #tpu.memory_space<vmem>>
    %dma_wait3A_105 = arith.constant 0 : i32
    %dma_wait3A_106 = arith.constant 0 : i32
    %dma_wait3A_107 = tpu.memref_slice %arg4[%mul3A_4, %dma_wait3A_105, %dma_wait3A_106] : memref<12800x128x16xf32, #tpu.memory_space<hbm>> -> memref<8x128x16xf32, #tpu.memory_space<hbm>>
    %dma_wait3A_108 = tpu.memref_slice %arg9[%dma_wait3A_99] : memref<2x!tpu.dma_semaphore, #tpu.memory_space<semaphore_mem>> -> memref<1x!tpu.dma_semaphore, #tpu.memory_space<semaphore_mem>>
    %dma_wait3A_109 = tpu.memref_squeeze %dma_wait3A_108 : memref<1x!tpu.dma_semaphore, #tpu.memory_space<semaphore_mem>> -> memref<!tpu.dma_semaphore, #tpu.memory_space<semaphore_mem>>
    %dma_wait3A_110 = arith.constant 0 : i32
    %dma_wait3A_111 = arith.constant 0 : i32
    %dma_wait3A_112 = tpu.memref_slice %arg4[%mul3A_4, %dma_wait3A_110, %dma_wait3A_111] : memref<12800x128x16xf32, #tpu.memory_space<hbm>> -> memref<8x128x16xf32, #tpu.memory_space<hbm>>
    %dma_wait3A_113 = arith.constant 0 : i32
    %dma_wait3A_114 = arith.constant 0 : i32
    %dma_wait3A_115 = arith.constant 0 : i32
    %dma_wait3A_116 = tpu.memref_slice %arg6[%dma_wait3A_98, %dma_wait3A_113, %dma_wait3A_114, %dma_wait3A_115] : memref<2x8x128x16xf32, #tpu.memory_space<vmem>> -> memref<1x8x128x16xf32, #tpu.memory_space<vmem>>
    %dma_wait3A_117 = tpu.memref_squeeze %dma_wait3A_116 : memref<1x8x128x16xf32, #tpu.memory_space<vmem>> -> memref<8x128x16xf32, #tpu.memory_space<vmem>>
    tpu.wait_dma2 semaphore(%dma_wait3A_109 : memref<!tpu.dma_semaphore, #tpu.memory_space<semaphore_mem>>) src(%dma_wait3A_117 : memref<8x128x16xf32, #tpu.memory_space<vmem>>) dst(%dma_wait3A_112 : memref<8x128x16xf32, #tpu.memory_space<hbm>>)
    return
  }
}

module attributes {stable_mosaic.version = 14 : i64} {
  func.func @_enc_body(%arg0: i32, %arg1: memref<2000x128xf32, #tpu.memory_space<vmem>>, %arg2: memref<128x64xf32, #tpu.memory_space<vmem>>, %arg3: memref<1x64xf32, #tpu.memory_space<vmem>>, %arg4: memref<64x64xf32, #tpu.memory_space<vmem>>, %arg5: memref<1x64xf32, #tpu.memory_space<vmem>>, %arg6: memref<64x16xf32, #tpu.memory_space<vmem>>, %arg7: memref<2000x16xf32, #tpu.memory_space<vmem>>) attributes {dimension_semantics = [#tpu.dimension_semantics<arbitrary>], iteration_bounds = array<i64: 50>, scalar_prefetch = 0 : i64, scratch_operands = 0 : i64, tpu.core_type = #tpu.core_type<tc>, window_params = [{transform_indices = @transform_0, window_bounds = array<i64: 2000, 128>}, {pipeline_mode = #tpu.pipeline_mode<synchronous>, transform_indices = @transform_1, window_bounds = array<i64: 128, 64>}, {pipeline_mode = #tpu.pipeline_mode<synchronous>, transform_indices = @transform_2, window_bounds = array<i64: 1, 64>}, {pipeline_mode = #tpu.pipeline_mode<synchronous>, transform_indices = @transform_3, window_bounds = array<i64: 64, 64>}, {pipeline_mode = #tpu.pipeline_mode<synchronous>, transform_indices = @transform_4, window_bounds = array<i64: 1, 64>}, {pipeline_mode = #tpu.pipeline_mode<synchronous>, transform_indices = @transform_5, window_bounds = array<i64: 64, 16>}, {transform_indices = @transform_6, window_bounds = array<i64: 2000, 16>}]} {
    %get3A = arith.constant 0 : index
    %get3A_0 = arith.constant 0 : index
    %get3A_1 = vector.load %arg1[%get3A, %get3A_0] : memref<2000x128xf32, #tpu.memory_space<vmem>>, vector<2000x128xf32>
    %get3A_2 = arith.constant 0 : index
    %get3A_3 = arith.constant 0 : index
    %get3A_4 = vector.load %arg2[%get3A_2, %get3A_3] : memref<128x64xf32, #tpu.memory_space<vmem>>, vector<128x64xf32>
    %dot_general3A = arith.constant dense<0.000000e+00> : vector<2000x64xf32>
    %dot_general3A_5 = tpu.matmul %get3A_1, %get3A_4, %dot_general3A {dimension_numbers = #tpu.dot_dimension_numbers<[1], [0], [0], [1], [0, 0, 1, 1], [], []>, transpose_lhs_hint = false} : vector<2000x128xf32>, vector<128x64xf32>, vector<2000x64xf32> -> vector<2000x64xf32>
    %get3A_6 = arith.constant 0 : index
    %get3A_7 = arith.constant 0 : index
    %get3A_8 = vector.load %arg3[%get3A_6, %get3A_7] : memref<1x64xf32, #tpu.memory_space<vmem>>, vector<1x64xf32>
    %add3A = vector.broadcast %get3A_8 : vector<1x64xf32> to vector<2000x64xf32>
    %add3A_9 = arith.addf %dot_general3A_5, %add3A : vector<2000x64xf32>
    %max3A = arith.constant 0.000000e+00 : f32
    %max3A_10 = vector.broadcast %max3A : f32 to vector<2000x64xf32>
    %max3A_11 = arith.maximumf %add3A_9, %max3A_10 : vector<2000x64xf32>
    %get3A_12 = arith.constant 0 : index
    %get3A_13 = arith.constant 0 : index
    %get3A_14 = vector.load %arg4[%get3A_12, %get3A_13] : memref<64x64xf32, #tpu.memory_space<vmem>>, vector<64x64xf32>
    %dot_general3A_15 = arith.constant dense<0.000000e+00> : vector<2000x64xf32>
    %dot_general3A_16 = tpu.matmul %max3A_11, %get3A_14, %dot_general3A_15 {dimension_numbers = #tpu.dot_dimension_numbers<[1], [0], [0], [1], [0, 0, 1, 1], [], []>, transpose_lhs_hint = false} : vector<2000x64xf32>, vector<64x64xf32>, vector<2000x64xf32> -> vector<2000x64xf32>
    %get3A_17 = arith.constant 0 : index
    %get3A_18 = arith.constant 0 : index
    %get3A_19 = vector.load %arg5[%get3A_17, %get3A_18] : memref<1x64xf32, #tpu.memory_space<vmem>>, vector<1x64xf32>
    %add3A_20 = vector.broadcast %get3A_19 : vector<1x64xf32> to vector<2000x64xf32>
    %add3A_21 = arith.addf %dot_general3A_16, %add3A_20 : vector<2000x64xf32>
    %max3A_22 = arith.constant 0.000000e+00 : f32
    %max3A_23 = vector.broadcast %max3A_22 : f32 to vector<2000x64xf32>
    %max3A_24 = arith.maximumf %add3A_21, %max3A_23 : vector<2000x64xf32>
    %get3A_25 = arith.constant 0 : index
    %get3A_26 = arith.constant 0 : index
    %get3A_27 = vector.load %arg6[%get3A_25, %get3A_26] : memref<64x16xf32, #tpu.memory_space<vmem>>, vector<64x16xf32>
    %dot_general3A_28 = arith.constant dense<0.000000e+00> : vector<2000x16xf32>
    %dot_general3A_29 = tpu.matmul %max3A_24, %get3A_27, %dot_general3A_28 {dimension_numbers = #tpu.dot_dimension_numbers<[1], [0], [0], [1], [0, 0, 1, 1], [], []>, transpose_lhs_hint = false} : vector<2000x64xf32>, vector<64x16xf32>, vector<2000x16xf32> -> vector<2000x16xf32>
    %swap3A = arith.constant 0 : index
    %swap3A_30 = arith.constant 0 : index
    %swap3A_31 = vector.load %arg7[%swap3A, %swap3A_30] : memref<2000x16xf32, #tpu.memory_space<vmem>>, vector<2000x16xf32>
    tpu.vector_store %arg7[%swap3A, %swap3A_30], %dot_general3A_29 {strides = array<i32>} : memref<2000x16xf32, #tpu.memory_space<vmem>>, vector<2000x16xf32>,
    return
  }
  func.func @transform_0(%arg0: i32) -> (i32, i32) {
    %c0_i32 = arith.constant 0 : i32
    %c0_i32_0 = arith.constant 0 : i32
    return %arg0, %c0_i32 : i32, i32
  }
  func.func @transform_1(%arg0: i32) -> (i32, i32) {
    %c0_i32 = arith.constant 0 : i32
    %c0_i32_0 = arith.constant 0 : i32
    %c0_i32_1 = arith.constant 0 : i32
    return %c0_i32, %c0_i32_0 : i32, i32
  }
  func.func @transform_2(%arg0: i32) -> (i32, i32) {
    %c0_i32 = arith.constant 0 : i32
    %c0_i32_0 = arith.constant 0 : i32
    %c0_i32_1 = arith.constant 0 : i32
    return %c0_i32, %c0_i32_0 : i32, i32
  }
  func.func @transform_3(%arg0: i32) -> (i32, i32) {
    %c0_i32 = arith.constant 0 : i32
    %c0_i32_0 = arith.constant 0 : i32
    %c0_i32_1 = arith.constant 0 : i32
    return %c0_i32, %c0_i32_0 : i32, i32
  }
  func.func @transform_4(%arg0: i32) -> (i32, i32) {
    %c0_i32 = arith.constant 0 : i32
    %c0_i32_0 = arith.constant 0 : i32
    %c0_i32_1 = arith.constant 0 : i32
    return %c0_i32, %c0_i32_0 : i32, i32
  }
  func.func @transform_5(%arg0: i32) -> (i32, i32) {
    %c0_i32 = arith.constant 0 : i32
    %c0_i32_0 = arith.constant 0 : i32
    %c0_i32_1 = arith.constant 0 : i32
    return %c0_i32, %c0_i32_0 : i32, i32
  }
  func.func @transform_6(%arg0: i32) -> (i32, i32) {
    %c0_i32 = arith.constant 0 : i32
    %c0_i32_0 = arith.constant 0 : i32
    return %arg0, %c0_i32 : i32, i32
  }
}

module attributes {stable_mosaic.version = 14 : i64} {
  func.func @_proj_body(%arg0: memref<8x16x32xf32, #tpu.memory_space<vmem>>, %arg1: memref<8x16x32xf32, #tpu.memory_space<vmem>>, %arg2: memref<16x128xf32, #tpu.memory_space<vmem>>) attributes {dimension_semantics = [], scalar_prefetch = 0 : i64, scratch_operands = 0 : i64, tpu.core_type = #tpu.core_type<tc>} {
    %get3A = arith.constant 0 : index
    %get3A_0 = arith.constant 0 : index
    %get3A_1 = arith.constant 0 : index
    %get3A_2 = vector.load %arg0[%get3A, %get3A_0, %get3A_1] : memref<8x16x32xf32, #tpu.memory_space<vmem>>, vector<1x16x32xf32>
    %get3A_3 = vector.shape_cast %get3A_2 : vector<1x16x32xf32> to vector<16x32xf32>
    %get3A_4 = arith.constant 0 : index
    %get3A_5 = arith.constant 0 : index
    %get3A_6 = arith.constant 0 : index
    %get3A_7 = vector.load %arg1[%get3A_4, %get3A_5, %get3A_6] : memref<8x16x32xf32, #tpu.memory_space<vmem>>, vector<1x16x32xf32>
    %get3A_8 = vector.shape_cast %get3A_7 : vector<1x16x32xf32> to vector<16x32xf32>
    %dot_general3A = arith.constant dense<0.000000e+00> : vector<16x16xf32>
    %dot_general3A_9 = tpu.matmul %get3A_3, %get3A_8, %dot_general3A {dimension_numbers = #tpu.dot_dimension_numbers<[1], [1], [0], [0], [0, 0, 1, 0], [], []>, transpose_lhs_hint = false} : vector<16x32xf32>, vector<16x32xf32>, vector<16x16xf32> -> vector<16x16xf32>
    %mul3A = arith.constant 0.176776692 : f32
    %mul3A_10 = vector.broadcast %mul3A : f32 to vector<16x16xf32>
    %mul3A_11 = arith.mulf %dot_general3A_9, %mul3A_10 : vector<16x16xf32>
    %swap3A = arith.constant 0 : index
    %swap3A_12 = arith.constant 0 : index
    %swap3A_13 = vector.load %arg2[%swap3A, %swap3A_12] : memref<16x128xf32, #tpu.memory_space<vmem>>, vector<16x16xf32>
    tpu.vector_store %arg2[%swap3A, %swap3A_12], %mul3A_11 {strides = array<i32>} : memref<16x128xf32, #tpu.memory_space<vmem>>, vector<16x16xf32>,
    %get3A_14 = arith.constant 1 : index
    %get3A_15 = arith.constant 0 : index
    %get3A_16 = arith.constant 0 : index
    %get3A_17 = vector.load %arg0[%get3A_14, %get3A_15, %get3A_16] : memref<8x16x32xf32, #tpu.memory_space<vmem>>, vector<1x16x32xf32>
    %get3A_18 = vector.shape_cast %get3A_17 : vector<1x16x32xf32> to vector<16x32xf32>
    %get3A_19 = arith.constant 1 : index
    %get3A_20 = arith.constant 0 : index
    %get3A_21 = arith.constant 0 : index
    %get3A_22 = vector.load %arg1[%get3A_19, %get3A_20, %get3A_21] : memref<8x16x32xf32, #tpu.memory_space<vmem>>, vector<1x16x32xf32>
    %get3A_23 = vector.shape_cast %get3A_22 : vector<1x16x32xf32> to vector<16x32xf32>
    %dot_general3A_24 = arith.constant dense<0.000000e+00> : vector<16x16xf32>
    %dot_general3A_25 = tpu.matmul %get3A_18, %get3A_23, %dot_general3A_24 {dimension_numbers = #tpu.dot_dimension_numbers<[1], [1], [0], [0], [0, 0, 1, 0], [], []>, transpose_lhs_hint = false} : vector<16x32xf32>, vector<16x32xf32>, vector<16x16xf32> -> vector<16x16xf32>
    %mul3A_26 = arith.constant 0.176776692 : f32
    %mul3A_27 = vector.broadcast %mul3A_26 : f32 to vector<16x16xf32>
    %mul3A_28 = arith.mulf %dot_general3A_25, %mul3A_27 : vector<16x16xf32>
    %swap3A_29 = arith.constant 0 : index
    %swap3A_30 = arith.constant 16 : index
    %swap3A_31 = vector.load %arg2[%swap3A_29, %swap3A_30] : memref<16x128xf32, #tpu.memory_space<vmem>>, vector<16x16xf32>
    tpu.vector_store %arg2[%swap3A_29, %swap3A_30], %mul3A_28 {strides = array<i32>} : memref<16x128xf32, #tpu.memory_space<vmem>>, vector<16x16xf32>,
    %get3A_32 = arith.constant 2 : index
    %get3A_33 = arith.constant 0 : index
    %get3A_34 = arith.constant 0 : index
    %get3A_35 = vector.load %arg0[%get3A_32, %get3A_33, %get3A_34] : memref<8x16x32xf32, #tpu.memory_space<vmem>>, vector<1x16x32xf32>
    %get3A_36 = vector.shape_cast %get3A_35 : vector<1x16x32xf32> to vector<16x32xf32>
    %get3A_37 = arith.constant 2 : index
    %get3A_38 = arith.constant 0 : index
    %get3A_39 = arith.constant 0 : index
    %get3A_40 = vector.load %arg1[%get3A_37, %get3A_38, %get3A_39] : memref<8x16x32xf32, #tpu.memory_space<vmem>>, vector<1x16x32xf32>
    %get3A_41 = vector.shape_cast %get3A_40 : vector<1x16x32xf32> to vector<16x32xf32>
    %dot_general3A_42 = arith.constant dense<0.000000e+00> : vector<16x16xf32>
    %dot_general3A_43 = tpu.matmul %get3A_36, %get3A_41, %dot_general3A_42 {dimension_numbers = #tpu.dot_dimension_numbers<[1], [1], [0], [0], [0, 0, 1, 0], [], []>, transpose_lhs_hint = false} : vector<16x32xf32>, vector<16x32xf32>, vector<16x16xf32> -> vector<16x16xf32>
    %mul3A_44 = arith.constant 0.176776692 : f32
    %mul3A_45 = vector.broadcast %mul3A_44 : f32 to vector<16x16xf32>
    %mul3A_46 = arith.mulf %dot_general3A_43, %mul3A_45 : vector<16x16xf32>
    %swap3A_47 = arith.constant 0 : index
    %swap3A_48 = arith.constant 32 : index
    %swap3A_49 = vector.load %arg2[%swap3A_47, %swap3A_48] : memref<16x128xf32, #tpu.memory_space<vmem>>, vector<16x16xf32>
    tpu.vector_store %arg2[%swap3A_47, %swap3A_48], %mul3A_46 {strides = array<i32>} : memref<16x128xf32, #tpu.memory_space<vmem>>, vector<16x16xf32>,
    %get3A_50 = arith.constant 3 : index
    %get3A_51 = arith.constant 0 : index
    %get3A_52 = arith.constant 0 : index
    %get3A_53 = vector.load %arg0[%get3A_50, %get3A_51, %get3A_52] : memref<8x16x32xf32, #tpu.memory_space<vmem>>, vector<1x16x32xf32>
    %get3A_54 = vector.shape_cast %get3A_53 : vector<1x16x32xf32> to vector<16x32xf32>
    %get3A_55 = arith.constant 3 : index
    %get3A_56 = arith.constant 0 : index
    %get3A_57 = arith.constant 0 : index
    %get3A_58 = vector.load %arg1[%get3A_55, %get3A_56, %get3A_57] : memref<8x16x32xf32, #tpu.memory_space<vmem>>, vector<1x16x32xf32>
    %get3A_59 = vector.shape_cast %get3A_58 : vector<1x16x32xf32> to vector<16x32xf32>
    %dot_general3A_60 = arith.constant dense<0.000000e+00> : vector<16x16xf32>
    %dot_general3A_61 = tpu.matmul %get3A_54, %get3A_59, %dot_general3A_60 {dimension_numbers = #tpu.dot_dimension_numbers<[1], [1], [0], [0], [0, 0, 1, 0], [], []>, transpose_lhs_hint = false} : vector<16x32xf32>, vector<16x32xf32>, vector<16x16xf32> -> vector<16x16xf32>
    %mul3A_62 = arith.constant 0.176776692 : f32
    %mul3A_63 = vector.broadcast %mul3A_62 : f32 to vector<16x16xf32>
    %mul3A_64 = arith.mulf %dot_general3A_61, %mul3A_63 : vector<16x16xf32>
    %swap3A_65 = arith.constant 0 : index
    %swap3A_66 = arith.constant 48 : index
    %swap3A_67 = vector.load %arg2[%swap3A_65, %swap3A_66] : memref<16x128xf32, #tpu.memory_space<vmem>>, vector<16x16xf32>
    tpu.vector_store %arg2[%swap3A_65, %swap3A_66], %mul3A_64 {strides = array<i32>} : memref<16x128xf32, #tpu.memory_space<vmem>>, vector<16x16xf32>,
    %get3A_68 = arith.constant 4 : index
    %get3A_69 = arith.constant 0 : index
    %get3A_70 = arith.constant 0 : index
    %get3A_71 = vector.load %arg0[%get3A_68, %get3A_69, %get3A_70] : memref<8x16x32xf32, #tpu.memory_space<vmem>>, vector<1x16x32xf32>
    %get3A_72 = vector.shape_cast %get3A_71 : vector<1x16x32xf32> to vector<16x32xf32>
    %get3A_73 = arith.constant 4 : index
    %get3A_74 = arith.constant 0 : index
    %get3A_75 = arith.constant 0 : index
    %get3A_76 = vector.load %arg1[%get3A_73, %get3A_74, %get3A_75] : memref<8x16x32xf32, #tpu.memory_space<vmem>>, vector<1x16x32xf32>
    %get3A_77 = vector.shape_cast %get3A_76 : vector<1x16x32xf32> to vector<16x32xf32>
    %dot_general3A_78 = arith.constant dense<0.000000e+00> : vector<16x16xf32>
    %dot_general3A_79 = tpu.matmul %get3A_72, %get3A_77, %dot_general3A_78 {dimension_numbers = #tpu.dot_dimension_numbers<[1], [1], [0], [0], [0, 0, 1, 0], [], []>, transpose_lhs_hint = false} : vector<16x32xf32>, vector<16x32xf32>, vector<16x16xf32> -> vector<16x16xf32>
    %mul3A_80 = arith.constant 0.176776692 : f32
    %mul3A_81 = vector.broadcast %mul3A_80 : f32 to vector<16x16xf32>
    %mul3A_82 = arith.mulf %dot_general3A_79, %mul3A_81 : vector<16x16xf32>
    %swap3A_83 = arith.constant 0 : index
    %swap3A_84 = arith.constant 64 : index
    %swap3A_85 = vector.load %arg2[%swap3A_83, %swap3A_84] : memref<16x128xf32, #tpu.memory_space<vmem>>, vector<16x16xf32>
    tpu.vector_store %arg2[%swap3A_83, %swap3A_84], %mul3A_82 {strides = array<i32>} : memref<16x128xf32, #tpu.memory_space<vmem>>, vector<16x16xf32>,
    %get3A_86 = arith.constant 5 : index
    %get3A_87 = arith.constant 0 : index
    %get3A_88 = arith.constant 0 : index
    %get3A_89 = vector.load %arg0[%get3A_86, %get3A_87, %get3A_88] : memref<8x16x32xf32, #tpu.memory_space<vmem>>, vector<1x16x32xf32>
    %get3A_90 = vector.shape_cast %get3A_89 : vector<1x16x32xf32> to vector<16x32xf32>
    %get3A_91 = arith.constant 5 : index
    %get3A_92 = arith.constant 0 : index
    %get3A_93 = arith.constant 0 : index
    %get3A_94 = vector.load %arg1[%get3A_91, %get3A_92, %get3A_93] : memref<8x16x32xf32, #tpu.memory_space<vmem>>, vector<1x16x32xf32>
    %get3A_95 = vector.shape_cast %get3A_94 : vector<1x16x32xf32> to vector<16x32xf32>
    %dot_general3A_96 = arith.constant dense<0.000000e+00> : vector<16x16xf32>
    %dot_general3A_97 = tpu.matmul %get3A_90, %get3A_95, %dot_general3A_96 {dimension_numbers = #tpu.dot_dimension_numbers<[1], [1], [0], [0], [0, 0, 1, 0], [], []>, transpose_lhs_hint = false} : vector<16x32xf32>, vector<16x32xf32>, vector<16x16xf32> -> vector<16x16xf32>
    %mul3A_98 = arith.constant 0.176776692 : f32
    %mul3A_99 = vector.broadcast %mul3A_98 : f32 to vector<16x16xf32>
    %mul3A_100 = arith.mulf %dot_general3A_97, %mul3A_99 : vector<16x16xf32>
    %swap3A_101 = arith.constant 0 : index
    %swap3A_102 = arith.constant 80 : index
    %swap3A_103 = vector.load %arg2[%swap3A_101, %swap3A_102] : memref<16x128xf32, #tpu.memory_space<vmem>>, vector<16x16xf32>
    tpu.vector_store %arg2[%swap3A_101, %swap3A_102], %mul3A_100 {strides = array<i32>} : memref<16x128xf32, #tpu.memory_space<vmem>>, vector<16x16xf32>,
    %get3A_104 = arith.constant 6 : index
    %get3A_105 = arith.constant 0 : index
    %get3A_106 = arith.constant 0 : index
    %get3A_107 = vector.load %arg0[%get3A_104, %get3A_105, %get3A_106] : memref<8x16x32xf32, #tpu.memory_space<vmem>>, vector<1x16x32xf32>
    %get3A_108 = vector.shape_cast %get3A_107 : vector<1x16x32xf32> to vector<16x32xf32>
    %get3A_109 = arith.constant 6 : index
    %get3A_110 = arith.constant 0 : index
    %get3A_111 = arith.constant 0 : index
    %get3A_112 = vector.load %arg1[%get3A_109, %get3A_110, %get3A_111] : memref<8x16x32xf32, #tpu.memory_space<vmem>>, vector<1x16x32xf32>
    %get3A_113 = vector.shape_cast %get3A_112 : vector<1x16x32xf32> to vector<16x32xf32>
    %dot_general3A_114 = arith.constant dense<0.000000e+00> : vector<16x16xf32>
    %dot_general3A_115 = tpu.matmul %get3A_108, %get3A_113, %dot_general3A_114 {dimension_numbers = #tpu.dot_dimension_numbers<[1], [1], [0], [0], [0, 0, 1, 0], [], []>, transpose_lhs_hint = false} : vector<16x32xf32>, vector<16x32xf32>, vector<16x16xf32> -> vector<16x16xf32>
    %mul3A_116 = arith.constant 0.176776692 : f32
    %mul3A_117 = vector.broadcast %mul3A_116 : f32 to vector<16x16xf32>
    %mul3A_118 = arith.mulf %dot_general3A_115, %mul3A_117 : vector<16x16xf32>
    %swap3A_119 = arith.constant 0 : index
    %swap3A_120 = arith.constant 96 : index
    %swap3A_121 = vector.load %arg2[%swap3A_119, %swap3A_120] : memref<16x128xf32, #tpu.memory_space<vmem>>, vector<16x16xf32>
    tpu.vector_store %arg2[%swap3A_119, %swap3A_120], %mul3A_118 {strides = array<i32>} : memref<16x128xf32, #tpu.memory_space<vmem>>, vector<16x16xf32>,
    %get3A_122 = arith.constant 7 : index
    %get3A_123 = arith.constant 0 : index
    %get3A_124 = arith.constant 0 : index
    %get3A_125 = vector.load %arg0[%get3A_122, %get3A_123, %get3A_124] : memref<8x16x32xf32, #tpu.memory_space<vmem>>, vector<1x16x32xf32>
    %get3A_126 = vector.shape_cast %get3A_125 : vector<1x16x32xf32> to vector<16x32xf32>
    %get3A_127 = arith.constant 7 : index
    %get3A_128 = arith.constant 0 : index
    %get3A_129 = arith.constant 0 : index
    %get3A_130 = vector.load %arg1[%get3A_127, %get3A_128, %get3A_129] : memref<8x16x32xf32, #tpu.memory_space<vmem>>, vector<1x16x32xf32>
    %get3A_131 = vector.shape_cast %get3A_130 : vector<1x16x32xf32> to vector<16x32xf32>
    %dot_general3A_132 = arith.constant dense<0.000000e+00> : vector<16x16xf32>
    %dot_general3A_133 = tpu.matmul %get3A_126, %get3A_131, %dot_general3A_132 {dimension_numbers = #tpu.dot_dimension_numbers<[1], [1], [0], [0], [0, 0, 1, 0], [], []>, transpose_lhs_hint = false} : vector<16x32xf32>, vector<16x32xf32>, vector<16x16xf32> -> vector<16x16xf32>
    %mul3A_134 = arith.constant 0.176776692 : f32
    %mul3A_135 = vector.broadcast %mul3A_134 : f32 to vector<16x16xf32>
    %mul3A_136 = arith.mulf %dot_general3A_133, %mul3A_135 : vector<16x16xf32>
    %swap3A_137 = arith.constant 0 : index
    %swap3A_138 = arith.constant 112 : index
    %swap3A_139 = vector.load %arg2[%swap3A_137, %swap3A_138] : memref<16x128xf32, #tpu.memory_space<vmem>>, vector<16x16xf32>
    tpu.vector_store %arg2[%swap3A_137, %swap3A_138], %mul3A_136 {strides = array<i32>} : memref<16x128xf32, #tpu.memory_space<vmem>>, vector<16x16xf32>,
    return
  }
}

module attributes {stable_mosaic.version = 14 : i64} {
  func.func @_att_body(%arg0: i32, %arg1: memref<1000x256xf32, #tpu.memory_space<vmem>>, %arg2: memref<1000x16xf32, #tpu.memory_space<vmem>>, %arg3: memref<16x128xf32, #tpu.memory_space<vmem>>, %arg4: memref<1000x16xf32, #tpu.memory_space<vmem>>, %arg5: memref<1x256xf32, #tpu.memory_space<vmem>>, %arg6: memref<256x16xf32, #tpu.memory_space<vmem>>, %arg7: memref<16x256xf32, #tpu.memory_space<vmem>>, %arg8: memref<1x1xf32, #tpu.memory_space<vmem>>, %arg9: memref<1000x2xf32, #tpu.memory_space<vmem>>) attributes {dimension_semantics = [#tpu.dimension_semantics<arbitrary>], iteration_bounds = array<i64: 100>, scalar_prefetch = 0 : i64, scratch_operands = 0 : i64, tpu.core_type = #tpu.core_type<tc>, window_params = [{transform_indices = @transform_0, window_bounds = array<i64: 1000, 256>}, {transform_indices = @transform_1, window_bounds = array<i64: 1000, 16>}, {pipeline_mode = #tpu.pipeline_mode<synchronous>, transform_indices = @transform_2, window_bounds = array<i64: 16, 128>}, {transform_indices = @transform_3, window_bounds = array<i64: 1000, 16>}, {pipeline_mode = #tpu.pipeline_mode<synchronous>, transform_indices = @transform_4, window_bounds = array<i64: 1, 256>}, {pipeline_mode = #tpu.pipeline_mode<synchronous>, transform_indices = @transform_5, window_bounds = array<i64: 256, 16>}, {pipeline_mode = #tpu.pipeline_mode<synchronous>, transform_indices = @transform_6, window_bounds = array<i64: 16, 256>}, {pipeline_mode = #tpu.pipeline_mode<synchronous>, transform_indices = @transform_7, window_bounds = array<i64: 1, 1>}, {transform_indices = @transform_8, window_bounds = array<i64: 1000, 2>}]} {
    %get3A = arith.constant 0 : index
    %get3A_0 = arith.constant 0 : index
    %get3A_1 = vector.load %arg1[%get3A, %get3A_0] : memref<1000x256xf32, #tpu.memory_space<vmem>>, vector<1000x256xf32>
    %get3A_2 = arith.constant 0 : index
    %get3A_3 = arith.constant 0 : index
    %get3A_4 = vector.load %arg2[%get3A_2, %get3A_3] : memref<1000x16xf32, #tpu.memory_space<vmem>>, vector<1000x16xf32>
    %get3A_5 = arith.constant 0 : index
    %get3A_6 = arith.constant 0 : index
    %get3A_7 = vector.load %arg3[%get3A_5, %get3A_6] : memref<16x128xf32, #tpu.memory_space<vmem>>, vector<16x128xf32>
    %dot_general3A = arith.constant dense<0.000000e+00> : vector<1000x128xf32>
    %dot_general3A_8 = tpu.matmul %get3A_4, %get3A_7, %dot_general3A {dimension_numbers = #tpu.dot_dimension_numbers<[1], [0], [0], [1], [0, 0, 1, 1], [], []>, transpose_lhs_hint = false} : vector<1000x16xf32>, vector<16x128xf32>, vector<1000x128xf32> -> vector<1000x128xf32>
    %get3A_9 = arith.constant 0 : index
    %get3A_10 = arith.constant 0 : index
    %get3A_11 = vector.load %arg5[%get3A_9, %get3A_10] : memref<1x256xf32, #tpu.memory_space<vmem>>, vector<1x16xf32>
    %sub3A = vector.broadcast %get3A_11 : vector<1x16xf32> to vector<1000x16xf32>
    %sub3A_12 = arith.subf %get3A_4, %sub3A : vector<1000x16xf32>
    %mul3A = arith.mulf %sub3A_12, %sub3A_12 : vector<1000x16xf32>
    %reduce_sum3A = arith.constant dense<0.000000e+00> : vector<1000xf32>
    %reduce_sum3A_13 = vector.multi_reduction <add>, %mul3A, %reduce_sum3A [1] : vector<1000x16xf32> to vector<1000xf32>
    %broadcast_in_dim3A = vector.shape_cast %reduce_sum3A_13 : vector<1000xf32> to vector<1000x1xf32>
    %get3A_14 = arith.constant 0 : index
    %get3A_15 = arith.constant 0 : index
    %get3A_16 = vector.load %arg6[%get3A_14, %get3A_15] : memref<256x16xf32, #tpu.memory_space<vmem>>, vector<256x16xf32>
    %get3A_17 = arith.constant 0 : index
    %get3A_18 = arith.constant 0 : index
    %get3A_19 = vector.load %arg7[%get3A_17, %get3A_18] : memref<16x256xf32, #tpu.memory_space<vmem>>, vector<16x256xf32>
    %get3A_20 = arith.constant 0 : index
    %get3A_21 = arith.constant 0 : index
    %get3A_22 = vector.load %arg8[%get3A_20, %get3A_21] : memref<1x1xf32, #tpu.memory_space<vmem>>, vector<1x1xf32>
    %get3A_23 = vector.extract %get3A_22[0, 0] : f32 from vector<1x1xf32>
    %max3A = arith.constant 0.000000e+00 : f32
    %max3A_24 = arith.maximumf %get3A_23, %max3A : f32
    %abs3A = math.absf %get3A_23 : f32
    %neg3A = arith.constant 0.000000e+00 : f32
    %neg3A_25 = arith.subf %neg3A, %abs3A : f32
    %exp3A = math.exp %neg3A_25 : f32
    %log1p3A = math.log1p %exp3A : f32
    %add3A = arith.addf %max3A_24, %log1p3A : f32
    %get3A_26 = arith.constant 0 : index
    %get3A_27 = arith.constant 0 : index
    %get3A_28 = vector.load %arg5[%get3A_26, %get3A_27] : memref<1x256xf32, #tpu.memory_space<vmem>>, vector<1x256xf32>
    %sub3A_29 = vector.broadcast %get3A_28 : vector<1x256xf32> to vector<1000x256xf32>
    %sub3A_30 = arith.subf %get3A_1, %sub3A_29 : vector<1000x256xf32>
    %mul3A_31 = arith.mulf %sub3A_30, %sub3A_30 : vector<1000x256xf32>
    %dot_general3A_32 = arith.constant dense<0.000000e+00> : vector<1000x16xf32>
    %dot_general3A_33 = tpu.matmul %mul3A_31, %get3A_16, %dot_general3A_32 {dimension_numbers = #tpu.dot_dimension_numbers<[1], [0], [0], [1], [0, 0, 1, 1], [], []>, transpose_lhs_hint = false} : vector<1000x256xf32>, vector<256x16xf32>, vector<1000x16xf32> -> vector<1000x16xf32>
    %sub3A_34 = vector.broadcast %add3A : f32 to vector<1000x1xf32>
    %sub3A_35 = arith.subf %broadcast_in_dim3A, %sub3A_34 : vector<1000x1xf32>
    %max3A_36 = arith.constant 0.000000e+00 : f32
    %max3A_37 = vector.broadcast %max3A_36 : f32 to vector<1000x1xf32>
    %max3A_38 = arith.maximumf %sub3A_35, %max3A_37 : vector<1000x1xf32>
    %sub3A_39 = vector.broadcast %add3A : f32 to vector<1000x16xf32>
    %sub3A_40 = arith.subf %dot_general3A_33, %sub3A_39 : vector<1000x16xf32>
    %max3A_41 = arith.constant 0.000000e+00 : f32
    %max3A_42 = vector.broadcast %max3A_41 : f32 to vector<1000x16xf32>
    %max3A_43 = arith.maximumf %sub3A_40, %max3A_42 : vector<1000x16xf32>
    %add3A_44 = vector.broadcast %max3A_38 : vector<1000x1xf32> to vector<1000x16xf32>
    %add3A_45 = arith.addf %add3A_44, %max3A_43 : vector<1000x16xf32>
    %mul3A_46 = arith.constant 5.000000e-01 : f32
    %mul3A_47 = vector.broadcast %mul3A_46 : f32 to vector<1000x16xf32>
    %mul3A_48 = arith.mulf %mul3A_47, %add3A_45 : vector<1000x16xf32>
    %broadcast_in_dim3A_49 = arith.constant 0.000000e+00 : f32
    %broadcast_in_dim3A_50 = vector.broadcast %broadcast_in_dim3A_49 : f32 to vector<1000x16xf32>
    %slice3A = vector.extract_strided_slice %dot_general3A_8 {offsets = [0, 0], sizes = [1000, 16], strides = [1, 1]} : vector<1000x128xf32> to vector<1000x16xf32>
    %dot_general3A_51 = arith.constant dense<0.000000e+00> : vector<1000x256xf32>
    %dot_general3A_52 = tpu.matmul %slice3A, %get3A_19, %dot_general3A_51 {dimension_numbers = #tpu.dot_dimension_numbers<[1], [0], [0], [1], [0, 0, 1, 1], [], []>, transpose_lhs_hint = false} : vector<1000x16xf32>, vector<16x256xf32>, vector<1000x256xf32> -> vector<1000x256xf32>
    %mul3A_53 = arith.mulf %get3A_1, %dot_general3A_52 : vector<1000x256xf32>
    %dot_general3A_54 = arith.constant dense<0.000000e+00> : vector<1000x16xf32>
    %dot_general3A_55 = tpu.matmul %mul3A_53, %get3A_16, %dot_general3A_54 {dimension_numbers = #tpu.dot_dimension_numbers<[1], [0], [0], [1], [0, 0, 1, 1], [], []>, transpose_lhs_hint = false} : vector<1000x256xf32>, vector<256x16xf32>, vector<1000x16xf32> -> vector<1000x16xf32>
    %sub3A_56 = arith.subf %dot_general3A_55, %mul3A_48 : vector<1000x16xf32>
    %mul3A_57 = arith.constant 1.000000e+00 : f32
    %mul3A_58 = vector.broadcast %mul3A_57 : f32 to vector<1000x16xf32>
    %mul3A_59 = arith.mulf %sub3A_56, %mul3A_58 : vector<1000x16xf32>
    %reduce_max3A = arith.constant dense<0xFF800000> : vector<1000xf32>
    %reduce_max3A_60 = vector.multi_reduction <maximumf>, %mul3A_59, %reduce_max3A [1] : vector<1000x16xf32> to vector<1000xf32>
    %broadcast_in_dim3A_61 = vector.shape_cast %reduce_max3A_60 : vector<1000xf32> to vector<1000x1xf32>
    %sub3A_62 = vector.broadcast %broadcast_in_dim3A_61 : vector<1000x1xf32> to vector<1000x16xf32>
    %sub3A_63 = arith.subf %mul3A_59, %sub3A_62 : vector<1000x16xf32>
    %exp3A_64 = math.exp %sub3A_63 : vector<1000x16xf32>
    %reduce_sum3A_65 = arith.constant dense<0.000000e+00> : vector<1000xf32>
    %reduce_sum3A_66 = vector.multi_reduction <add>, %exp3A_64, %reduce_sum3A_65 [1] : vector<1000x16xf32> to vector<1000xf32>
    %broadcast_in_dim3A_67 = vector.shape_cast %reduce_sum3A_66 : vector<1000xf32> to vector<1000x1xf32>
    %div3A = vector.broadcast %broadcast_in_dim3A_67 : vector<1000x1xf32> to vector<1000x16xf32>
    %div3A_68 = arith.divf %exp3A_64, %div3A : vector<1000x16xf32>
    %add3A_69 = arith.addf %broadcast_in_dim3A_50, %div3A_68 : vector<1000x16xf32>
    %slice3A_70 = vector.extract_strided_slice %dot_general3A_8 {offsets = [0, 16], sizes = [1000, 16], strides = [1, 1]} : vector<1000x128xf32> to vector<1000x16xf32>
    %dot_general3A_71 = arith.constant dense<0.000000e+00> : vector<1000x256xf32>
    %dot_general3A_72 = tpu.matmul %slice3A_70, %get3A_19, %dot_general3A_71 {dimension_numbers = #tpu.dot_dimension_numbers<[1], [0], [0], [1], [0, 0, 1, 1], [], []>, transpose_lhs_hint = false} : vector<1000x16xf32>, vector<16x256xf32>, vector<1000x256xf32> -> vector<1000x256xf32>
    %mul3A_73 = arith.mulf %get3A_1, %dot_general3A_72 : vector<1000x256xf32>
    %dot_general3A_74 = arith.constant dense<0.000000e+00> : vector<1000x16xf32>
    %dot_general3A_75 = tpu.matmul %mul3A_73, %get3A_16, %dot_general3A_74 {dimension_numbers = #tpu.dot_dimension_numbers<[1], [0], [0], [1], [0, 0, 1, 1], [], []>, transpose_lhs_hint = false} : vector<1000x256xf32>, vector<256x16xf32>, vector<1000x16xf32> -> vector<1000x16xf32>
    %sub3A_76 = arith.subf %dot_general3A_75, %mul3A_48 : vector<1000x16xf32>
    %mul3A_77 = arith.constant 1.000000e+00 : f32
    %mul3A_78 = vector.broadcast %mul3A_77 : f32 to vector<1000x16xf32>
    %mul3A_79 = arith.mulf %sub3A_76, %mul3A_78 : vector<1000x16xf32>
    %reduce_max3A_80 = arith.constant dense<0xFF800000> : vector<1000xf32>
    %reduce_max3A_81 = vector.multi_reduction <maximumf>, %mul3A_79, %reduce_max3A_80 [1] : vector<1000x16xf32> to vector<1000xf32>
    %broadcast_in_dim3A_82 = vector.shape_cast %reduce_max3A_81 : vector<1000xf32> to vector<1000x1xf32>
    %sub3A_83 = vector.broadcast %broadcast_in_dim3A_82 : vector<1000x1xf32> to vector<1000x16xf32>
    %sub3A_84 = arith.subf %mul3A_79, %sub3A_83 : vector<1000x16xf32>
    %exp3A_85 = math.exp %sub3A_84 : vector<1000x16xf32>
    %reduce_sum3A_86 = arith.constant dense<0.000000e+00> : vector<1000xf32>
    %reduce_sum3A_87 = vector.multi_reduction <add>, %exp3A_85, %reduce_sum3A_86 [1] : vector<1000x16xf32> to vector<1000xf32>
    %broadcast_in_dim3A_88 = vector.shape_cast %reduce_sum3A_87 : vector<1000xf32> to vector<1000x1xf32>
    %div3A_89 = vector.broadcast %broadcast_in_dim3A_88 : vector<1000x1xf32> to vector<1000x16xf32>
    %div3A_90 = arith.divf %exp3A_85, %div3A_89 : vector<1000x16xf32>
    %add3A_91 = arith.addf %add3A_69, %div3A_90 : vector<1000x16xf32>
    %slice3A_92 = vector.extract_strided_slice %dot_general3A_8 {offsets = [0, 32], sizes = [1000, 16], strides = [1, 1]} : vector<1000x128xf32> to vector<1000x16xf32>
    %dot_general3A_93 = arith.constant dense<0.000000e+00> : vector<1000x256xf32>
    %dot_general3A_94 = tpu.matmul %slice3A_92, %get3A_19, %dot_general3A_93 {dimension_numbers = #tpu.dot_dimension_numbers<[1], [0], [0], [1], [0, 0, 1, 1], [], []>, transpose_lhs_hint = false} : vector<1000x16xf32>, vector<16x256xf32>, vector<1000x256xf32> -> vector<1000x256xf32>
    %mul3A_95 = arith.mulf %get3A_1, %dot_general3A_94 : vector<1000x256xf32>
    %dot_general3A_96 = arith.constant dense<0.000000e+00> : vector<1000x16xf32>
    %dot_general3A_97 = tpu.matmul %mul3A_95, %get3A_16, %dot_general3A_96 {dimension_numbers = #tpu.dot_dimension_numbers<[1], [0], [0], [1], [0, 0, 1, 1], [], []>, transpose_lhs_hint = false} : vector<1000x256xf32>, vector<256x16xf32>, vector<1000x16xf32> -> vector<1000x16xf32>
    %sub3A_98 = arith.subf %dot_general3A_97, %mul3A_48 : vector<1000x16xf32>
    %mul3A_99 = arith.constant 1.000000e+00 : f32
    %mul3A_100 = vector.broadcast %mul3A_99 : f32 to vector<1000x16xf32>
    %mul3A_101 = arith.mulf %sub3A_98, %mul3A_100 : vector<1000x16xf32>
    %reduce_max3A_102 = arith.constant dense<0xFF800000> : vector<1000xf32>
    %reduce_max3A_103 = vector.multi_reduction <maximumf>, %mul3A_101, %reduce_max3A_102 [1] : vector<1000x16xf32> to vector<1000xf32>
    %broadcast_in_dim3A_104 = vector.shape_cast %reduce_max3A_103 : vector<1000xf32> to vector<1000x1xf32>
    %sub3A_105 = vector.broadcast %broadcast_in_dim3A_104 : vector<1000x1xf32> to vector<1000x16xf32>
    %sub3A_106 = arith.subf %mul3A_101, %sub3A_105 : vector<1000x16xf32>
    %exp3A_107 = math.exp %sub3A_106 : vector<1000x16xf32>
    %reduce_sum3A_108 = arith.constant dense<0.000000e+00> : vector<1000xf32>
    %reduce_sum3A_109 = vector.multi_reduction <add>, %exp3A_107, %reduce_sum3A_108 [1] : vector<1000x16xf32> to vector<1000xf32>
    %broadcast_in_dim3A_110 = vector.shape_cast %reduce_sum3A_109 : vector<1000xf32> to vector<1000x1xf32>
    %div3A_111 = vector.broadcast %broadcast_in_dim3A_110 : vector<1000x1xf32> to vector<1000x16xf32>
    %div3A_112 = arith.divf %exp3A_107, %div3A_111 : vector<1000x16xf32>
    %add3A_113 = arith.addf %add3A_91, %div3A_112 : vector<1000x16xf32>
    %slice3A_114 = vector.extract_strided_slice %dot_general3A_8 {offsets = [0, 48], sizes = [1000, 16], strides = [1, 1]} : vector<1000x128xf32> to vector<1000x16xf32>
    %dot_general3A_115 = arith.constant dense<0.000000e+00> : vector<1000x256xf32>
    %dot_general3A_116 = tpu.matmul %slice3A_114, %get3A_19, %dot_general3A_115 {dimension_numbers = #tpu.dot_dimension_numbers<[1], [0], [0], [1], [0, 0, 1, 1], [], []>, transpose_lhs_hint = false} : vector<1000x16xf32>, vector<16x256xf32>, vector<1000x256xf32> -> vector<1000x256xf32>
    %mul3A_117 = arith.mulf %get3A_1, %dot_general3A_116 : vector<1000x256xf32>
    %dot_general3A_118 = arith.constant dense<0.000000e+00> : vector<1000x16xf32>
    %dot_general3A_119 = tpu.matmul %mul3A_117, %get3A_16, %dot_general3A_118 {dimension_numbers = #tpu.dot_dimension_numbers<[1], [0], [0], [1], [0, 0, 1, 1], [], []>, transpose_lhs_hint = false} : vector<1000x256xf32>, vector<256x16xf32>, vector<1000x16xf32> -> vector<1000x16xf32>
    %sub3A_120 = arith.subf %dot_general3A_119, %mul3A_48 : vector<1000x16xf32>
    %mul3A_121 = arith.constant 1.000000e+00 : f32
    %mul3A_122 = vector.broadcast %mul3A_121 : f32 to vector<1000x16xf32>
    %mul3A_123 = arith.mulf %sub3A_120, %mul3A_122 : vector<1000x16xf32>
    %reduce_max3A_124 = arith.constant dense<0xFF800000> : vector<1000xf32>
    %reduce_max3A_125 = vector.multi_reduction <maximumf>, %mul3A_123, %reduce_max3A_124 [1] : vector<1000x16xf32> to vector<1000xf32>
    %broadcast_in_dim3A_126 = vector.shape_cast %reduce_max3A_125 : vector<1000xf32> to vector<1000x1xf32>
    %sub3A_127 = vector.broadcast %broadcast_in_dim3A_126 : vector<1000x1xf32> to vector<1000x16xf32>
    %sub3A_128 = arith.subf %mul3A_123, %sub3A_127 : vector<1000x16xf32>
    %exp3A_129 = math.exp %sub3A_128 : vector<1000x16xf32>
    %reduce_sum3A_130 = arith.constant dense<0.000000e+00> : vector<1000xf32>
    %reduce_sum3A_131 = vector.multi_reduction <add>, %exp3A_129, %reduce_sum3A_130 [1] : vector<1000x16xf32> to vector<1000xf32>
    %broadcast_in_dim3A_132 = vector.shape_cast %reduce_sum3A_131 : vector<1000xf32> to vector<1000x1xf32>
    %div3A_133 = vector.broadcast %broadcast_in_dim3A_132 : vector<1000x1xf32> to vector<1000x16xf32>
    %div3A_134 = arith.divf %exp3A_129, %div3A_133 : vector<1000x16xf32>
    %add3A_135 = arith.addf %add3A_113, %div3A_134 : vector<1000x16xf32>
    %slice3A_136 = vector.extract_strided_slice %dot_general3A_8 {offsets = [0, 64], sizes = [1000, 16], strides = [1, 1]} : vector<1000x128xf32> to vector<1000x16xf32>
    %dot_general3A_137 = arith.constant dense<0.000000e+00> : vector<1000x256xf32>
    %dot_general3A_138 = tpu.matmul %slice3A_136, %get3A_19, %dot_general3A_137 {dimension_numbers = #tpu.dot_dimension_numbers<[1], [0], [0], [1], [0, 0, 1, 1], [], []>, transpose_lhs_hint = false} : vector<1000x16xf32>, vector<16x256xf32>, vector<1000x256xf32> -> vector<1000x256xf32>
    %mul3A_139 = arith.mulf %get3A_1, %dot_general3A_138 : vector<1000x256xf32>
    %dot_general3A_140 = arith.constant dense<0.000000e+00> : vector<1000x16xf32>
    %dot_general3A_141 = tpu.matmul %mul3A_139, %get3A_16, %dot_general3A_140 {dimension_numbers = #tpu.dot_dimension_numbers<[1], [0], [0], [1], [0, 0, 1, 1], [], []>, transpose_lhs_hint = false} : vector<1000x256xf32>, vector<256x16xf32>, vector<1000x16xf32> -> vector<1000x16xf32>
    %sub3A_142 = arith.subf %dot_general3A_141, %mul3A_48 : vector<1000x16xf32>
    %mul3A_143 = arith.constant 1.000000e+00 : f32
    %mul3A_144 = vector.broadcast %mul3A_143 : f32 to vector<1000x16xf32>
    %mul3A_145 = arith.mulf %sub3A_142, %mul3A_144 : vector<1000x16xf32>
    %reduce_max3A_146 = arith.constant dense<0xFF800000> : vector<1000xf32>
    %reduce_max3A_147 = vector.multi_reduction <maximumf>, %mul3A_145, %reduce_max3A_146 [1] : vector<1000x16xf32> to vector<1000xf32>
    %broadcast_in_dim3A_148 = vector.shape_cast %reduce_max3A_147 : vector<1000xf32> to vector<1000x1xf32>
    %sub3A_149 = vector.broadcast %broadcast_in_dim3A_148 : vector<1000x1xf32> to vector<1000x16xf32>
    %sub3A_150 = arith.subf %mul3A_145, %sub3A_149 : vector<1000x16xf32>
    %exp3A_151 = math.exp %sub3A_150 : vector<1000x16xf32>
    %reduce_sum3A_152 = arith.constant dense<0.000000e+00> : vector<1000xf32>
    %reduce_sum3A_153 = vector.multi_reduction <add>, %exp3A_151, %reduce_sum3A_152 [1] : vector<1000x16xf32> to vector<1000xf32>
    %broadcast_in_dim3A_154 = vector.shape_cast %reduce_sum3A_153 : vector<1000xf32> to vector<1000x1xf32>
    %div3A_155 = vector.broadcast %broadcast_in_dim3A_154 : vector<1000x1xf32> to vector<1000x16xf32>
    %div3A_156 = arith.divf %exp3A_151, %div3A_155 : vector<1000x16xf32>
    %add3A_157 = arith.addf %add3A_135, %div3A_156 : vector<1000x16xf32>
    %slice3A_158 = vector.extract_strided_slice %dot_general3A_8 {offsets = [0, 80], sizes = [1000, 16], strides = [1, 1]} : vector<1000x128xf32> to vector<1000x16xf32>
    %dot_general3A_159 = arith.constant dense<0.000000e+00> : vector<1000x256xf32>
    %dot_general3A_160 = tpu.matmul %slice3A_158, %get3A_19, %dot_general3A_159 {dimension_numbers = #tpu.dot_dimension_numbers<[1], [0], [0], [1], [0, 0, 1, 1], [], []>, transpose_lhs_hint = false} : vector<1000x16xf32>, vector<16x256xf32>, vector<1000x256xf32> -> vector<1000x256xf32>
    %mul3A_161 = arith.mulf %get3A_1, %dot_general3A_160 : vector<1000x256xf32>
    %dot_general3A_162 = arith.constant dense<0.000000e+00> : vector<1000x16xf32>
    %dot_general3A_163 = tpu.matmul %mul3A_161, %get3A_16, %dot_general3A_162 {dimension_numbers = #tpu.dot_dimension_numbers<[1], [0], [0], [1], [0, 0, 1, 1], [], []>, transpose_lhs_hint = false} : vector<1000x256xf32>, vector<256x16xf32>, vector<1000x16xf32> -> vector<1000x16xf32>
    %sub3A_164 = arith.subf %dot_general3A_163, %mul3A_48 : vector<1000x16xf32>
    %mul3A_165 = arith.constant 1.000000e+00 : f32
    %mul3A_166 = vector.broadcast %mul3A_165 : f32 to vector<1000x16xf32>
    %mul3A_167 = arith.mulf %sub3A_164, %mul3A_166 : vector<1000x16xf32>
    %reduce_max3A_168 = arith.constant dense<0xFF800000> : vector<1000xf32>
    %reduce_max3A_169 = vector.multi_reduction <maximumf>, %mul3A_167, %reduce_max3A_168 [1] : vector<1000x16xf32> to vector<1000xf32>
    %broadcast_in_dim3A_170 = vector.shape_cast %reduce_max3A_169 : vector<1000xf32> to vector<1000x1xf32>
    %sub3A_171 = vector.broadcast %broadcast_in_dim3A_170 : vector<1000x1xf32> to vector<1000x16xf32>
    %sub3A_172 = arith.subf %mul3A_167, %sub3A_171 : vector<1000x16xf32>
    %exp3A_173 = math.exp %sub3A_172 : vector<1000x16xf32>
    %reduce_sum3A_174 = arith.constant dense<0.000000e+00> : vector<1000xf32>
    %reduce_sum3A_175 = vector.multi_reduction <add>, %exp3A_173, %reduce_sum3A_174 [1] : vector<1000x16xf32> to vector<1000xf32>
    %broadcast_in_dim3A_176 = vector.shape_cast %reduce_sum3A_175 : vector<1000xf32> to vector<1000x1xf32>
    %div3A_177 = vector.broadcast %broadcast_in_dim3A_176 : vector<1000x1xf32> to vector<1000x16xf32>
    %div3A_178 = arith.divf %exp3A_173, %div3A_177 : vector<1000x16xf32>
    %add3A_179 = arith.addf %add3A_157, %div3A_178 : vector<1000x16xf32>
    %slice3A_180 = vector.extract_strided_slice %dot_general3A_8 {offsets = [0, 96], sizes = [1000, 16], strides = [1, 1]} : vector<1000x128xf32> to vector<1000x16xf32>
    %dot_general3A_181 = arith.constant dense<0.000000e+00> : vector<1000x256xf32>
    %dot_general3A_182 = tpu.matmul %slice3A_180, %get3A_19, %dot_general3A_181 {dimension_numbers = #tpu.dot_dimension_numbers<[1], [0], [0], [1], [0, 0, 1, 1], [], []>, transpose_lhs_hint = false} : vector<1000x16xf32>, vector<16x256xf32>, vector<1000x256xf32> -> vector<1000x256xf32>
    %mul3A_183 = arith.mulf %get3A_1, %dot_general3A_182 : vector<1000x256xf32>
    %dot_general3A_184 = arith.constant dense<0.000000e+00> : vector<1000x16xf32>
    %dot_general3A_185 = tpu.matmul %mul3A_183, %get3A_16, %dot_general3A_184 {dimension_numbers = #tpu.dot_dimension_numbers<[1], [0], [0], [1], [0, 0, 1, 1], [], []>, transpose_lhs_hint = false} : vector<1000x256xf32>, vector<256x16xf32>, vector<1000x16xf32> -> vector<1000x16xf32>
    %sub3A_186 = arith.subf %dot_general3A_185, %mul3A_48 : vector<1000x16xf32>
    %mul3A_187 = arith.constant 1.000000e+00 : f32
    %mul3A_188 = vector.broadcast %mul3A_187 : f32 to vector<1000x16xf32>
    %mul3A_189 = arith.mulf %sub3A_186, %mul3A_188 : vector<1000x16xf32>
    %reduce_max3A_190 = arith.constant dense<0xFF800000> : vector<1000xf32>
    %reduce_max3A_191 = vector.multi_reduction <maximumf>, %mul3A_189, %reduce_max3A_190 [1] : vector<1000x16xf32> to vector<1000xf32>
    %broadcast_in_dim3A_192 = vector.shape_cast %reduce_max3A_191 : vector<1000xf32> to vector<1000x1xf32>
    %sub3A_193 = vector.broadcast %broadcast_in_dim3A_192 : vector<1000x1xf32> to vector<1000x16xf32>
    %sub3A_194 = arith.subf %mul3A_189, %sub3A_193 : vector<1000x16xf32>
    %exp3A_195 = math.exp %sub3A_194 : vector<1000x16xf32>
    %reduce_sum3A_196 = arith.constant dense<0.000000e+00> : vector<1000xf32>
    %reduce_sum3A_197 = vector.multi_reduction <add>, %exp3A_195, %reduce_sum3A_196 [1] : vector<1000x16xf32> to vector<1000xf32>
    %broadcast_in_dim3A_198 = vector.shape_cast %reduce_sum3A_197 : vector<1000xf32> to vector<1000x1xf32>
    %div3A_199 = vector.broadcast %broadcast_in_dim3A_198 : vector<1000x1xf32> to vector<1000x16xf32>
    %div3A_200 = arith.divf %exp3A_195, %div3A_199 : vector<1000x16xf32>
    %add3A_201 = arith.addf %add3A_179, %div3A_200 : vector<1000x16xf32>
    %slice3A_202 = vector.extract_strided_slice %dot_general3A_8 {offsets = [0, 112], sizes = [1000, 16], strides = [1, 1]} : vector<1000x128xf32> to vector<1000x16xf32>
    %dot_general3A_203 = arith.constant dense<0.000000e+00> : vector<1000x256xf32>
    %dot_general3A_204 = tpu.matmul %slice3A_202, %get3A_19, %dot_general3A_203 {dimension_numbers = #tpu.dot_dimension_numbers<[1], [0], [0], [1], [0, 0, 1, 1], [], []>, transpose_lhs_hint = false} : vector<1000x16xf32>, vector<16x256xf32>, vector<1000x256xf32> -> vector<1000x256xf32>
    %mul3A_205 = arith.mulf %get3A_1, %dot_general3A_204 : vector<1000x256xf32>
    %dot_general3A_206 = arith.constant dense<0.000000e+00> : vector<1000x16xf32>
    %dot_general3A_207 = tpu.matmul %mul3A_205, %get3A_16, %dot_general3A_206 {dimension_numbers = #tpu.dot_dimension_numbers<[1], [0], [0], [1], [0, 0, 1, 1], [], []>, transpose_lhs_hint = false} : vector<1000x256xf32>, vector<256x16xf32>, vector<1000x16xf32> -> vector<1000x16xf32>
    %sub3A_208 = arith.subf %dot_general3A_207, %mul3A_48 : vector<1000x16xf32>
    %mul3A_209 = arith.constant 1.000000e+00 : f32
    %mul3A_210 = vector.broadcast %mul3A_209 : f32 to vector<1000x16xf32>
    %mul3A_211 = arith.mulf %sub3A_208, %mul3A_210 : vector<1000x16xf32>
    %reduce_max3A_212 = arith.constant dense<0xFF800000> : vector<1000xf32>
    %reduce_max3A_213 = vector.multi_reduction <maximumf>, %mul3A_211, %reduce_max3A_212 [1] : vector<1000x16xf32> to vector<1000xf32>
    %broadcast_in_dim3A_214 = vector.shape_cast %reduce_max3A_213 : vector<1000xf32> to vector<1000x1xf32>
    %sub3A_215 = vector.broadcast %broadcast_in_dim3A_214 : vector<1000x1xf32> to vector<1000x16xf32>
    %sub3A_216 = arith.subf %mul3A_211, %sub3A_215 : vector<1000x16xf32>
    %exp3A_217 = math.exp %sub3A_216 : vector<1000x16xf32>
    %reduce_sum3A_218 = arith.constant dense<0.000000e+00> : vector<1000xf32>
    %reduce_sum3A_219 = vector.multi_reduction <add>, %exp3A_217, %reduce_sum3A_218 [1] : vector<1000x16xf32> to vector<1000xf32>
    %broadcast_in_dim3A_220 = vector.shape_cast %reduce_sum3A_219 : vector<1000xf32> to vector<1000x1xf32>
    %div3A_221 = vector.broadcast %broadcast_in_dim3A_220 : vector<1000x1xf32> to vector<1000x16xf32>
    %div3A_222 = arith.divf %exp3A_217, %div3A_221 : vector<1000x16xf32>
    %add3A_223 = arith.addf %add3A_201, %div3A_222 : vector<1000x16xf32>
    %mul3A_224 = arith.constant 1.250000e-01 : f32
    %mul3A_225 = vector.broadcast %mul3A_224 : f32 to vector<1000x16xf32>
    %mul3A_226 = arith.mulf %add3A_223, %mul3A_225 : vector<1000x16xf32>
    %max3A_227 = arith.constant 0.000000e+00 : f32
    %max3A_228 = vector.broadcast %max3A_227 : f32 to vector<1000x16xf32>
    %max3A_229 = arith.maximumf %mul3A_226, %max3A_228 : vector<1000x16xf32>
    %get3A_230 = arith.constant 0 : index
    %get3A_231 = arith.constant 0 : index
    %get3A_232 = vector.load %arg4[%get3A_230, %get3A_231] : memref<1000x16xf32, #tpu.memory_space<vmem>>, vector<1000x16xf32>
    %mul3A_233 = arith.constant 3.000000e-01 : f32
    %mul3A_234 = vector.broadcast %mul3A_233 : f32 to vector<1000x16xf32>
    %mul3A_235 = arith.mulf %mul3A_234, %get3A_232 : vector<1000x16xf32>
    %mul3A_236 = arith.constant 0.699999988 : f32
    %mul3A_237 = vector.broadcast %mul3A_236 : f32 to vector<1000x16xf32>
    %mul3A_238 = arith.mulf %mul3A_237, %max3A_229 : vector<1000x16xf32>
    %add3A_239 = arith.addf %mul3A_235, %mul3A_238 : vector<1000x16xf32>
    %reduce_sum3A_240 = arith.constant dense<0.000000e+00> : vector<1000xf32>
    %reduce_sum3A_241 = vector.multi_reduction <add>, %add3A_239, %reduce_sum3A_240 [1] : vector<1000x16xf32> to vector<1000xf32>
    %broadcast_in_dim3A_242 = vector.shape_cast %reduce_sum3A_241 : vector<1000xf32> to vector<1000x1xf32>
    %max3A_243 = arith.constant 9.99999993E-9 : f32
    %max3A_244 = vector.broadcast %max3A_243 : f32 to vector<1000x1xf32>
    %max3A_245 = arith.maximumf %broadcast_in_dim3A_242, %max3A_244 : vector<1000x1xf32>
    %div3A_246 = vector.broadcast %max3A_245 : vector<1000x1xf32> to vector<1000x16xf32>
    %div3A_247 = arith.divf %add3A_239, %div3A_246 : vector<1000x16xf32>
    %sub3A_248 = vector.broadcast %broadcast_in_dim3A : vector<1000x1xf32> to vector<1000x16xf32>
    %sub3A_249 = arith.subf %sub3A_248, %dot_general3A_33 : vector<1000x16xf32>
    %mul3A_250 = arith.mulf %div3A_247, %sub3A_249 : vector<1000x16xf32>
    %mul3A_251 = arith.mulf %mul3A_250, %sub3A_249 : vector<1000x16xf32>
    %reduce_sum3A_252 = arith.constant dense<0.000000e+00> : vector<1000xf32>
    %reduce_sum3A_253 = vector.multi_reduction <add>, %mul3A_251, %reduce_sum3A_252 [1] : vector<1000x16xf32> to vector<1000xf32>
    %broadcast_in_dim3A_254 = vector.shape_cast %reduce_sum3A_253 : vector<1000xf32> to vector<1000x1xf32>
    %sub3A_255 = vector.broadcast %add3A : f32 to vector<1000x1xf32>
    %sub3A_256 = arith.subf %broadcast_in_dim3A, %sub3A_255 : vector<1000x1xf32>
    %concatenate3A = tpu.concatenate %sub3A_256, %broadcast_in_dim3A_254 in 1 : vector<1000x1xf32>, vector<1000x1xf32> -> vector<1000x2xf32>
    %swap3A = arith.constant 0 : index
    %swap3A_257 = arith.constant 0 : index
    %swap3A_258 = vector.load %arg9[%swap3A, %swap3A_257] : memref<1000x2xf32, #tpu.memory_space<vmem>>, vector<1000x2xf32>
    tpu.vector_store %arg9[%swap3A, %swap3A_257], %concatenate3A {strides = array<i32>} : memref<1000x2xf32, #tpu.memory_space<vmem>>, vector<1000x2xf32>,
    return
  }
  func.func @transform_0(%arg0: i32) -> (i32, i32) {
    %c0_i32 = arith.constant 0 : i32
    %c0_i32_0 = arith.constant 0 : i32
    return %arg0, %c0_i32 : i32, i32
  }
  func.func @transform_1(%arg0: i32) -> (i32, i32) {
    %c0_i32 = arith.constant 0 : i32
    %c0_i32_0 = arith.constant 0 : i32
    return %arg0, %c0_i32 : i32, i32
  }
  func.func @transform_2(%arg0: i32) -> (i32, i32) {
    %c0_i32 = arith.constant 0 : i32
    %c0_i32_0 = arith.constant 0 : i32
    %c0_i32_1 = arith.constant 0 : i32
    return %c0_i32, %c0_i32_0 : i32, i32
  }
  func.func @transform_3(%arg0: i32) -> (i32, i32) {
    %c0_i32 = arith.constant 0 : i32
    %c0_i32_0 = arith.constant 0 : i32
    return %arg0, %c0_i32 : i32, i32
  }
  func.func @transform_4(%arg0: i32) -> (i32, i32) {
    %c0_i32 = arith.constant 0 : i32
    %c0_i32_0 = arith.constant 0 : i32
    %c0_i32_1 = arith.constant 0 : i32
    return %c0_i32, %c0_i32_0 : i32, i32
  }
  func.func @transform_5(%arg0: i32) -> (i32, i32) {
    %c0_i32 = arith.constant 0 : i32
    %c0_i32_0 = arith.constant 0 : i32
    %c0_i32_1 = arith.constant 0 : i32
    return %c0_i32, %c0_i32_0 : i32, i32
  }
  func.func @transform_6(%arg0: i32) -> (i32, i32) {
    %c0_i32 = arith.constant 0 : i32
    %c0_i32_0 = arith.constant 0 : i32
    %c0_i32_1 = arith.constant 0 : i32
    return %c0_i32, %c0_i32_0 : i32, i32
  }
  func.func @transform_7(%arg0: i32) -> (i32, i32) {
    %c0_i32 = arith.constant 0 : i32
    %c0_i32_0 = arith.constant 0 : i32
    %c0_i32_1 = arith.constant 0 : i32
    return %c0_i32, %c0_i32_0 : i32, i32
  }
  func.func @transform_8(%arg0: i32) -> (i32, i32) {
    %c0_i32 = arith.constant 0 : i32
    %c0_i32_0 = arith.constant 0 : i32
    return %arg0, %c0_i32 : i32, i32
  }
}

</mosaic_0001>

<sc_bundles>
// kernel: kernel.6.cloned.1.call-start
scs
__scs_entry_jumppad:
0x0: {  	(pc) =	sbr.rel $0x88, $3  }
0x1: {  	(tag) =	ssettag $0x0;
	lr =	simm.s32 $0x1  }
0x2: {  	[smem:$0x3F95] =	sst lr;
	_ =	strace $0xD0000000  }
0x3: {  	_ = 	snop  }
0x4: {  	_ = 	snop  }
0x5: {  	_ = 	snop  }
0x6: {  	_ = 	snop  }
0x7: {  	_ = 	snop  }
__scs_overlays_trampoline_lowered:
0x8: {  	[smem:$0x3FA4] =	sst s0  }
0x9: {  	[smem:$0x3FA5] =	sst s1  }
0xa: {  	[smem:$0x3FA6] =	sst s2  }
0xb: {  	[smem:$0x3FA7] =	sst s3  }
0xc: {  	[smem:$0x3FA8] =	sst s4  }
0xd: {  	[smem:$0x3FA9] =	sst s5  }
0xe: {  	[smem:$0x3FAA] =	sst s6  }
0xf: {  	[smem:$0x3FAB] =	sst s7  }
0x10: {  	[smem:$0x3FAC] =	sst s8  }
0x11: {  	[smem:$0x3FAD] =	sst s9;
	s0 =	simm.s32 @!p0 $0x0  }
0x12: {  	s1 =	sld [smem:$0x3F93];
	s0 =	simm.s32 @p0 $0x1  }
0x13: {  	[smem:$0x3FAE] =	sst s0;
	s0 =	simm.s32 @!p1 $0x0  }
0x14: {  	s2 =	sld [smem:$0x3F92];
	s0 =	simm.s32 @p1 $0x1  }
0x15: {  	[smem:$0x3FAF] =	sst s0;
	s0 =	simm.s32 @!p2 $0x0  }
0x16: {  	s3 =	sld [smem:$0x3FDB];
	s0 =	simm.s32 @p2 $0x1  }
0x17: {  	s4 =	simm.s32 $0x1BF5;
	[smem:$0x3FB1] =	sst s0  }
0x18: {  	s0 =	sld [smem:$0x3F94];
	_ =	swait.ge [sflag:s4], $0x0  }
0x19: {  	s7 =	sld [smem:$0x3F95]  }
0x1a: {  	s8 =	sadd.s32 $0xFFFFE003, lr  }
0x1b: {  	s9 =	sadd.s32 $0xFFFFFEF7, lr;
	s5 =	simm.s32 $0xFFFFFFFF;
	p2 =	slt.u32 s8, $0xFFFFF086  }
0x1c: {  	p1 =	slt.u32 s9, $0xF7A;
	s5 =	simm.s32 @!p2 $0x0  }
0x1d: {  	s5 =	simm.s32 @p1 $0x1;
	p0 =	seq.s32 s7, s2  }
0x1e: {  	s7 =	smul.u32 @!p0 $0xF7A, s2;
	p2 =	seq.s32 @!p0 s5, $0x0  }
0x1f: {  	s9 =	smul.u32 $0xF7A, s1;
	s8 =	simm.s32 @!p0 $0x1BF5;
	p2 =	por !p2, p0  }
0x20: {  	[sflag:s8] =	ssyncset.s32 @!p0 $0xFFFFF086;
	s6 =	sadd.s32 @!p0 s3, s7;
	s7 =	simm.s32 @!p0 $0x108  }
0x21: {  	s3 =	sadd.s32 s3, s9;
	s6 =	sadd.s32 @!p0 $0x88, s6;
	s7 =	simm.s32 @p2 $0x1082  }
0x22: {  	[simem:s7], [sflag:s8] =	dma.local @!p0 [hbm:s6], $0xF7A  }
0x23: {  	s9 =	sor.u32 $0xD0000000, s2;
	s6 =	simm.s32 $0x108;
	_ =	swait.ge @!p0 [sflag:s8], $0x0  }
0x24: {  	s3 =	sadd.s32 $0x88, s3;
	s6 =	simm.s32 @!p1 $0x1082;
	[sflag:s4] =	ssyncset.s32 $0xFFFFF086  }
0x25: {  	[simem:s6], [sflag:s4] =	dma.local [hbm:s3], $0xF7A  }
0x26: {  	[smem:$0x3F95] =	sst s1;
	(tag) =	ssettag s2;
	_ =	strace s9  }
0x27: {  	s1 =	sld [smem:$0x3FA5]  }
0x28: {  	s2 =	sld [smem:$0x3FA6]  }
0x29: {  	s4 =	sld [smem:$0x3FA8]  }
0x2a: {  	p0 =	seq.s32 s5, $0x0;
	s5 =	sld [smem:$0x3FA9]  }
0x2b: {  	s6 =	sld [smem:$0x3FAA]  }
0x2c: {  	s7 =	sld [smem:$0x3FAB]  }
0x2d: {  	s3 =	simm.s32 $0x108;
	s8 =	sld [smem:$0x3FAC]  }
0x2e: {  	s3 =	simm.s32 @!p0 $0x1082;
	s9 =	sld [smem:$0x3FAD]  }
0x2f: {  	lr =	sadd.s32 s0, s3;
	s0 =	sld [smem:$0x3FA4]  }
0x30: {  	s3 =	sld [smem:$0x3FA7]  }
0x31: {  	[smem:$0x3FB0] =	sst s10  }
0x32: {  	s10 =	sld [smem:$0x3FAE];
	_ =	sdelay $0x3  }
0x33: {  	p0 =	seq.s32 s10, $0x1;
	s10 =	sld [smem:$0x3FB0];
	_ =	sdelay $0x3  }
0x34: {  	[smem:$0x3FB0] =	sst s10  }
0x35: {  	s10 =	sld [smem:$0x3FAF];
	_ =	sdelay $0x3  }
0x36: {  	p1 =	seq.s32 s10, $0x1;
	s10 =	sld [smem:$0x3FB0];
	_ =	sdelay $0x3  }
0x37: {  	[smem:$0x3FB0] =	sst s10  }
0x38: {  	s10 =	sld [smem:$0x3FB1]  }
0x39: {  	_ = 	snop;
	(pc) =	sbr.ind lr, $3  }
0x3a: {  	_ = 	snop  }
0x3b: {  	_ = 	snop  }
0x3c: {  	p2 =	seq.s32 s10, $0x1;
	s10 =	sld [smem:$0x3FB0]  }
0x3d: {  	_ =	shalt  }
0x3e: {  	_ =	shalt  }
0x3f: {  	_ =	shalt  }
0x40: {  	_ =	shalt  }
0x41: {  	_ =	shalt  }
0x42: {  	_ =	shalt  }
0x43: {  	_ =	shalt  }
0x44: {  	_ =	shalt  }
0x45: {  	_ =	shalt  }
0x46: {  	_ =	shalt  }
0x47: {  	_ =	shalt  }
0x48: {  	_ =	shalt  }
0x49: {  	_ =	shalt  }
0x4a: {  	_ =	shalt  }
0x4b: {  	_ =	shalt  }
0x4c: {  	_ =	shalt  }
0x4d: {  	_ =	shalt  }
0x4e: {  	_ =	shalt  }
0x4f: {  	_ =	shalt  }
0x50: {  	_ =	shalt  }
0x51: {  	_ =	shalt  }
0x52: {  	_ =	shalt  }
0x53: {  	_ =	shalt  }
0x54: {  	_ =	shalt  }
0x55: {  	_ =	shalt  }
0x56: {  	_ =	shalt  }
0x57: {  	_ =	shalt  }
0x58: {  	_ =	shalt  }
0x59: {  	_ =	shalt  }
0x5a: {  	_ =	shalt  }
0x5b: {  	_ =	shalt  }
0x5c: {  	_ =	shalt  }
0x5d: {  	_ =	shalt  }
0x5e: {  	_ =	shalt  }
0x5f: {  	_ =	shalt  }
0x60: {  	_ =	shalt  }
0x61: {  	_ =	shalt  }
0x62: {  	_ =	shalt  }
0x63: {  	_ =	shalt  }
0x64: {  	_ =	shalt  }
0x65: {  	_ =	shalt  }
0x66: {  	_ =	shalt  }
0x67: {  	_ =	shalt  }
0x68: {  	_ =	shalt  }
0x69: {  	_ =	shalt  }
0x6a: {  	_ =	shalt  }
0x6b: {  	_ =	shalt  }
0x6c: {  	_ =	shalt  }
0x6d: {  	_ =	shalt  }
0x6e: {  	_ =	shalt  }
0x6f: {  	_ =	shalt  }
0x70: {  	_ =	shalt  }
0x71: {  	_ =	shalt  }
0x72: {  	_ =	shalt  }
0x73: {  	_ =	shalt  }
0x74: {  	_ =	shalt  }
0x75: {  	_ =	shalt  }
0x76: {  	_ =	shalt  }
0x77: {  	_ =	shalt  }
0x78: {  	_ =	shalt  }
0x79: {  	_ =	shalt  }
0x7a: {  	_ =	shalt  }
0x7b: {  	_ =	shalt  }
0x7c: {  	_ =	shalt  }
0x7d: {  	_ =	shalt  }
0x7e: {  	_ =	shalt  }
0x7f: {  	_ =	shalt  }
0x80: {  	_ =	shalt  }
0x81: {  	_ =	shalt  }
0x82: {  	_ =	shalt  }
0x83: {  	_ =	shalt  }
0x84: {  	_ =	shalt  }
0x85: {  	_ =	shalt  }
0x86: {  	_ =	shalt  }
0x87: {  	_ =	shalt  }
.Lfunc_end0:
.L_simem_size_0:
called_computation_lowered:
.L_overlay_start_0:
0x88: {  	s2 =	sld [smem:$0x3FD9]  }
0x89: {  	s3 =	sld [smem:$0x3FFE];
	_ =	sdelay $0x1  }
0x8a: {  	s1 =	srdreg.scid  }
0x8b: {  	s0 =	sand.u32 $0x1, s1  }
0x8c: {  	s16 =	sshll.u32 s0, $0xA;
	s2 =	sadd.s32 s3, s2  }
0x8d: {  	s2 =	sadd.s32 s2, s16  }
0x8e: {  	[smem:$0x3FBC] =	sst s2  }
0x8f: {  	_ = 	snop  }
0x90: {  	(tm) =	ssettm $0x1  }
0x91: {  	s17 =	sld [smem:$0x3FFB];
	_ =	sdelay $0x3  }
0x92: {  	_ =	strace s17  }
0x93: {  	s2 =	sld [smem:$0x3FFC];
	_ =	sdelay $0x3  }
0x94: {  	_ =	strace s2  }
0x95: {  	s2 =	sld [smem:$0x3FFD];
	_ =	sdelay $0x3  }
0x96: {  	_ =	strace s2  }
0x97: {  	_ =	strace $0x8FFFFFFF  }
0x98: {  	s18 =	sld [smem:$0x3FDB];
	_ =	sdelay $0x1  }
0x99: {  	s19 =	simm.s32 $_scs_section_size  }
0x9a: {  	s4 =	simm.s32 $_size__tile_overlayer_lowered;
	s5 =	simm.s32 $_tile_overlayer_lowered  }
0x9b: {  	s22 =	simm.s32 $0x1BFF;
	s21 =	sshll.u32 s5, $0x1;
	s2 =	sadd.s32 s19, s18  }
0x9c: {  	s6 =	simm.s32 $0x0;
	s20 =	sshll.u32 s4, $0x1;
	s4 =	sadd.s32 s21, s2  }
0x9d: {  	[timem:s6], [sflag:s22] =	dma.local [hbm:s4], s20  }
0x9e: {  	_ =	swait.ge [sflag:s22], s20  }
0x9f: {  	s3 =	ssub.s32 $0x0, s20;
	[sflag:s22] =	ssyncset.done $0x0  }
0xa0: {  	[sflag:s22] =	ssyncadd.s32 s3;
	_ =	sdelay $0x1  }
0xa1: {  	s23 =	simm.s32 $0x1B8B  }
0xa2: {  	_ =	swait.ge [sflag:s23], $0x1  }
0xa3: {  	[sflag:s23] =	ssyncset.done $0x0  }
0xa4: {  	s25 =	simm.s32 $0x1B8E;
	s24 =	sld [smem:$0x3FFE];
	[sflag:s23] =	ssyncadd.s32 $0xFFFFFFFF  }
0xa5: {  	s26 =	simm.s32 $execute0_lowered;
	[smem:$0x3FD2] =	sst s25  }
0xa6: {  	s4 =	sshll.u32 s26, $0x1;
	_ =	strace $0x80000046;
	[dreg:$0x1] =	wrdreg $0xFFFFFFFF  }
0xa7: {  	s28 =	simm.s32 $_size_execute0_lowered;
	s2 =	sadd.s32 s2, s4;
	[dreg:$0x0] =	wrdreg $0x0  }
0xa8: {  	s4 =	sshll.u32 s28, $0x1;
	[dreg:$0x2] =	wrdreg s2  }
0xa9: {  	[dreg:$0x3] =	wrdreg s4  }
0xaa: {  	[dreg:$0x4] =	wrdreg $0xC0  }
0xab: {  	_ =	task [dreg:s6], $0x5FFFF  }
0xac: {  	[dreg:$0x1] =	wrdreg $0xFFFFFFFF  }
0xad: {  	[dreg:$0x0] =	wrdreg $0x60  }
0xae: {  	[dreg:$0x2] =	wrdreg s24  }
0xaf: {  	[dreg:$0x3] =	wrdreg $0x9  }
0xb0: {  	_ =	task.clear_ibuf [dreg:s6], $0x4FFFF;
	_ =	strace $0x90000046  }
0xb1: {  	s29 =	simm.s32 $0x9;
	_ =	strace $0x80000048  }
0xb2: {  	_ =	swait.ge [sflag:s29], $0x1  }
0xb3: {  	[sflag:s29] =	ssyncadd.s32 $0xFFFFFFFF  }
0xb4: {  	_ =	strace $0x90000048  }
0xb5: {  	_ =	sfence  }
0xb6: {  	s30 =	sld [smem:$0x0];
	_ =	sdelay $0x2  }
0xb7: {  	s31 =	sshll.u32 s1, $0xD;
	s1 =	sshrl.u32 s1, $0x2  }
0xb8: {  	s3 =	sand.u32 $0x4000, s31;
	s1 =	sadd.s32 s1, s30  }
0xb9: {  	s0 =	sor.u32 s3, s0;
	s1 =	sshll.u32 s1, $0x11  }
0xba: {  	s0 =	sor.u32 s1, s0  }
0xbb: {  	s0 =	sadd.s32 $0x8F2B, s0  }
0xbc: {  	[sflag:s0] =	ssyncadd.remote.s32 $0x1  }
0xbd: {  	_ =	sfence.sel $0xFFFF  }
0xbe: {  	[dreg:$0x0] =	wrdreg $0xFFFFFFFF;
	(pc) =	sbr.abs _section_cstart, $3  }
0xbf: {  	[dreg:$0x1] =	wrdreg $0xFFFFFFFF  }
0xc0: {  	_ =	task.clear_ibuf [dreg:s6], $0x2FFFF;
	_ =	strace $0x9FFFFFFF  }
0xc1: {  	(tm) =	ssettm $0x7FFFFFFF  }
tec
execute0_lowered:
.L_overlay_start_1:
0x0: {  	(tag) =	ssettag $0x1  }
0x1: {  	s6 =	rddreg [dreg:$0x0];
	s2 =	simm.s32 $0x0  }
0x2: {  	s10 =	simm.s32 $0x1000;
	[smem:$0x7FF] =	sst s2  }
0x3: {  	s11 =	simm.s32 $0x100;
	_ =	strace $0x80000047;
	[dreg:$0x4] =	wrdreg s10  }
0x4: {  	s12 =	simm.s32 $0x1800;
	[dreg:$0x5] =	wrdreg s11  }
0x5: {  	s13 =	simm.s32 $0x180;
	[dreg:$0x6] =	wrdreg s12  }
0x6: {  	s15 =	simm.s32 $0x2000;
	[dreg:$0x7] =	wrdreg s13  }
0x7: {  	s1 =	srdreg.scid;
	s17 =	simm.s32 $0x200;
	[dreg:$0x8] =	wrdreg s15  }
0x8: {  	s0 =	stileid.u32;
	s18 =	simm.s32 $0x2800;
	[dreg:$0x9] =	wrdreg s17  }
0x9: {  	s20 =	simm.s32 $0x280;
	s21 =	simm.s32 $0x3000;
	[dreg:$0xa] =	wrdreg s18  }
0xa: {  	s22 =	simm.s32 $0x300;
	s23 =	simm.s32 $0x3800;
	[dreg:$0xb] =	wrdreg s20  }
0xb: {  	s24 =	simm.s32 $0x380;
	s26 =	simm.s32 $0x4000;
	[dreg:$0xc] =	wrdreg s21  }
0xc: {  	s28 =	simm.s32 $0x480;
	s30 =	simm.s32 $0x5000;
	[dreg:$0xd] =	wrdreg s22  }
0xd: {  	s31 =	simm.s32 $0x7000;
	s3 =	smul.u32 $0x320, s0;
	[dreg:$0xe] =	wrdreg s23  }
0xe: {  	s5 =	sand.u32 $0x1, s1;
	s7 =	smul.u32 $0x32000, s0;
	[dreg:$0xf] =	wrdreg s24  }
0xf: {  	s1 =	sadd.s32 $0x1EB200, s6;
	s4 =	smul.u32 $0x190, s5;
	[dreg:$0x10] =	wrdreg s26  }
0x10: {  	s19 =	sshll.u32 s0, $0x1;
	s8 =	smul.u32 $0x19000, s5;
	[dreg:$0x11] =	wrdreg s28  }
0x11: {  	s14 =	ssub.s32 $0x2, s5;
	s5 =	sor.u32 s5, s19;
	[dreg:$0x12] =	wrdreg s30  }
0x12: {  	s11 =	simm.s32 $0x500;
	s12 =	simm.s32 $0x5800;
	s13 =	simm.s32 $0x580  }
0x13: {  	s15 =	simm.s32 $0x600;
	s17 =	simm.s32 $0x680;
	[dreg:$0x1a] =	wrdreg s31  }
0x14: {  	s18 =	simm.s32 $0x7800;
	s19 =	simm.s32 $0x780;
	s20 =	simm.s32 $0x8000  }
0x15: {  	s21 =	simm.s32 $0x4;
	s23 =	simm.s32 $0x6;
	[dreg:$0x13] =	wrdreg s11  }
0x16: {  	s24 =	simm.s32 $0x0;
	s16 =	sshrl.u32 s14, $0x1;
	[dreg:$0x14] =	wrdreg s12  }
0x17: {  	s10 =	smul.u32 $0x1900, s5;
	s11 =	simm.s32 $0x1;
	[dreg:$0x15] =	wrdreg s13  }
0x18: {  	s12 =	simm.s32 $0x80;
	s13 =	simm.s32 $0x800;
	[dreg:$0x17] =	wrdreg s15  }
0x19: {  	s15 =	simm.s32 $0x2;
	[dreg:$0x19] =	wrdreg s17;
	s17 =	simm.s32 $0x700  }
0x1a: {  	s9 =	sadd.s32 s4, s3;
	s3 =	sadd.s32 s7, s1;
	s7 =	smul.u32 $0x190, s5  }
0x1b: {  	s4 =	sshll.u32 s9, $0x8;
	s3 =	sadd.s32 s8, s3;
	s8 =	ssub.s32 s14, s16  }
0x1c: {  	s9 =	sadd.s32 $0x18, s9;
	s14 =	simm.s32 $0x6000;
	[dreg:$0x3] =	wrdreg s3  }
0x1d: {  	s16 =	simm.s32 $0x6800;
	s4 =	sadd.s32 s4, s1;
	[dreg:$0x16] =	wrdreg s14  }
0x1e: {  	s3 =	sadd.s32 $0x188400, s6;
	[dreg:$0x18] =	wrdreg s16;
	s4 =	sadd.s32 $0x800, s4  }
0x1f: {  	s29 =	smax.u32 s8, $0x1;
	[dreg:$0x2] =	wrdreg s4;
	s4 =	sadd.s32 $0x1B9200, s6  }
0x20: {  	s5 =	sadd.s32 $0x188, s7;
	[dreg:$0x1d] =	wrdreg s29;
	s25 =	sadd.s32 s4, s10  }
0x21: {  	s14 =	simm.s32 $0x3;
	[dreg:$0x1b] =	wrdreg s25;
	s0 =	sadd.s32 $0x80, s25  }
0x22: {  	s16 =	simm.s32 $0x4800;
	s10 =	simm.s32 $0x400;
	[dreg:$0x1c] =	wrdreg s0  }
.LBB2_1:
0x23: {  	s0 =	rddreg [dreg:$0x1b]  }
0x24: {  	[tilespmem:s2], [sflag:$0x1] =	stream.linear.gather [hbm4b:s0+s2], $0x400, $0x38;
	[tilespmem:$0x8800] =	vst v63  }
0x25: {  	s7 =	rddreg [dreg:$0x1c]  }
0x26: {  	[tilespmem:s10], [sflag:$0x2] =	stream.linear.gather [hbm4b:s7+s2], $0x400, $0x38;
	[tilespmem:$0x8800] =	vst v63  }
0x27: {  	_ =	swait.ge [sflag:s11], $0x400  }
0x28: {  	p0 =	por $0x1, $0x1;
	[sflag:s11] =	ssyncset.done $0x0  }
0x29: {  	s25 =	simm.s32 @!p0 $0x5;
	[sflag:s11] =	ssyncadd.s32 $0xFFFFFC00  }
0x2a: {  	_ =	swait.ge @!p0 [sflag:s25], $0x4000  }
0x2b: {  	s26 =	rddreg [dreg:$0x5]  }
0x2c: {  	s28 =	rddreg [dreg:$0x4]  }
0x2d: {  	s8 =	rddreg [dreg:$0x8]  }
0x2e: {  	s29 =	rddreg [dreg:$0x6]  }
0x2f: {  	[sflag:s25] =	ssyncset.done @!p0 $0x0;
	s22 =	rddreg [dreg:$0xa]  }
0x30: {  	s30 =	rddreg [dreg:$0xc];
	[sflag:s25] =	ssyncadd.s32 @!p0 $0xFFFFC000  }
0x31: {  	[tilespmem:s13], [sflag:$0x3] =	stream.indirect.gather [hbm4b:s3+s12], $0x10, s2, s12, $0xb8;
	[tilespmem:$0x8800] =	vst v63  }
0x32: {  	s31 =	rddreg [dreg:$0xe]  }
0x33: {  	[tilespmem:s28], [sflag:$0x3] =	stream.indirect.gather [hbm4b:s3+s12], $0x10, s12, s12, $0xb8;
	[tilespmem:$0x8800] =	vst v63  }
0x34: {  	s0 =	rddreg [dreg:$0x10]  }
0x35: {  	[tilespmem:s29], [sflag:$0x3] =	stream.indirect.gather [hbm4b:s3+s12], $0x10, s26, s12, $0xb8;
	[tilespmem:$0x8800] =	vst v63  }
0x36: {  	s28 =	rddreg [dreg:$0x7]  }
0x37: {  	[tilespmem:s8], [sflag:$0x3] =	stream.indirect.gather [hbm4b:s3+s12], $0x10, s28, s12, $0xb8;
	[tilespmem:$0x8800] =	vst v63  }
0x38: {  	s29 =	rddreg [dreg:$0x9]  }
0x39: {  	[tilespmem:s22], [sflag:$0x3] =	stream.indirect.gather [hbm4b:s3+s12], $0x10, s29, s12, $0xb8;
	[tilespmem:$0x8800] =	vst v63  }
0x3a: {  	s28 =	rddreg [dreg:$0xb]  }
0x3b: {  	[tilespmem:s30], [sflag:$0x3] =	stream.indirect.gather [hbm4b:s3+s12], $0x10, s28, s12, $0xb8;
	[tilespmem:$0x8800] =	vst v63  }
0x3c: {  	s29 =	rddreg [dreg:$0xd]  }
0x3d: {  	[tilespmem:s31], [sflag:$0x3] =	stream.indirect.gather [hbm4b:s3+s12], $0x10, s29, s12, $0xb8;
	[tilespmem:$0x8800] =	vst v63  }
0x3e: {  	s28 =	rddreg [dreg:$0xf]  }
0x3f: {  	[tilespmem:s0], [sflag:$0x3] =	stream.indirect.gather [hbm4b:s3+s12], $0x10, s28, s12, $0xb8;
	[tilespmem:$0x8800] =	vst v63  }
0x40: {  	_ =	swait.ge [sflag:s14], $0x800  }
0x41: {  	[sflag:s14] =	ssyncset.done $0x0  }
0x42: {  	[sflag:s14] =	ssyncadd.s32 $0xFFFFF800  }
0x43: {  	_ =	swait.ge [sflag:s14], $0x800  }
0x44: {  	[sflag:s14] =	ssyncset.done $0x0  }
0x45: {  	[sflag:s14] =	ssyncadd.s32 $0xFFFFF800  }
0x46: {  	_ =	swait.ge [sflag:s14], $0x800  }
0x47: {  	[sflag:s14] =	ssyncset.done $0x0  }
0x48: {  	[sflag:s14] =	ssyncadd.s32 $0xFFFFF800  }
0x49: {  	_ =	swait.ge [sflag:s14], $0x800  }
0x4a: {  	[sflag:s14] =	ssyncset.done $0x0  }
0x4b: {  	[sflag:s14] =	ssyncadd.s32 $0xFFFFF800  }
0x4c: {  	_ =	swait.ge [sflag:s14], $0x800  }
0x4d: {  	[sflag:s14] =	ssyncset.done $0x0  }
0x4e: {  	[sflag:s14] =	ssyncadd.s32 $0xFFFFF800  }
0x4f: {  	_ =	swait.ge [sflag:s14], $0x800  }
0x50: {  	[sflag:s14] =	ssyncset.done $0x0  }
0x51: {  	[sflag:s14] =	ssyncadd.s32 $0xFFFFF800  }
0x52: {  	s25 =	sadd.s32 $0xFFFFFFF8, s9;
	_ =	swait.ge [sflag:s14], $0x800  }
0x53: {  	p1 =	slt.s32 s25, s5;
	s26 =	smov.u32 s5;
	[sflag:s14] =	ssyncset.done $0x0  }
0x54: {  	s26 =	smov.u32 @p1 s25;
	[sflag:s14] =	ssyncadd.s32 $0xFFFFF800  }
0x55: {  	s25 =	sshll.u32 s26, $0x4;
	_ =	swait.ge [sflag:s14], $0x800  }
0x56: {  	s25 =	sand.u32 $0x1FFFFF80, s25;
	[sflag:s14] =	ssyncset.done $0x0  }
0x57: {  	s25 =	sadd.s32 s4, s25;
	s1 =	rddreg [dreg:$0x3];
	[sflag:s14] =	ssyncadd.s32 $0xFFFFF800  }
0x58: {  	[tilespmem:s2], [sflag:$0x1] =	stream.linear.gather [hbm4b:s25+s2], $0x400, $0x38;
	[tilespmem:$0x8800] =	vst v63  }
0x59: {  	s6 =	sadd.s32 $0x0, s1  }
0x5a: {  	[hbm4b:s6+s2] =	stream.linear.scatter [tilespmem:s13], [sflag:$0x5], $0x4000, $0x38;
	[tilespmem:$0x8800] =	vst v63  }
0x5b: {  	_ =	swait.ge [sflag:s15], $0x400  }
0x5c: {  	[sflag:s15] =	ssyncset.done $0x0  }
0x5d: {  	s25 =	simm.s32 @!p0 $0x6;
	[sflag:s15] =	ssyncadd.s32 $0xFFFFFC00  }
0x5e: {  	_ =	swait.ge @!p0 [sflag:s25], $0x4000  }
0x5f: {  	s7 =	rddreg [dreg:$0x14]  }
0x60: {  	s28 =	rddreg [dreg:$0x11]  }
0x61: {  	s8 =	rddreg [dreg:$0x12]  }
0x62: {  	[sflag:s25] =	ssyncset.done @!p0 $0x0;
	s29 =	rddreg [dreg:$0x13]  }
0x63: {  	s22 =	rddreg [dreg:$0x16];
	[sflag:s25] =	ssyncadd.s32 @!p0 $0xFFFFC000  }
0x64: {  	[tilespmem:s16], [sflag:$0x4] =	stream.indirect.gather [hbm4b:s3+s12], $0x10, s10, s12, $0xb8;
	[tilespmem:$0x8800] =	vst v63  }
0x65: {  	s30 =	rddreg [dreg:$0x18]  }
0x66: {  	[tilespmem:s8], [sflag:$0x4] =	stream.indirect.gather [hbm4b:s3+s12], $0x10, s28, s12, $0xb8;
	[tilespmem:$0x8800] =	vst v63  }
0x67: {  	s31 =	rddreg [dreg:$0x19]  }
0x68: {  	[tilespmem:s7], [sflag:$0x4] =	stream.indirect.gather [hbm4b:s3+s12], $0x10, s29, s12, $0xb8;
	[tilespmem:$0x8800] =	vst v63  }
0x69: {  	s28 =	rddreg [dreg:$0x15]  }
0x6a: {  	[tilespmem:s22], [sflag:$0x4] =	stream.indirect.gather [hbm4b:s3+s12], $0x10, s28, s12, $0xb8;
	[tilespmem:$0x8800] =	vst v63  }
0x6b: {  	s29 =	rddreg [dreg:$0x17]  }
0x6c: {  	[tilespmem:s30], [sflag:$0x4] =	stream.indirect.gather [hbm4b:s3+s12], $0x10, s29, s12, $0xb8;
	[tilespmem:$0x8800] =	vst v63  }
0x6d: {  	s28 =	rddreg [dreg:$0x1a]  }
0x6e: {  	[tilespmem:s28], [sflag:$0x4] =	stream.indirect.gather [hbm4b:s3+s12], $0x10, s31, s12, $0xb8;
	[tilespmem:$0x8800] =	vst v63  }
0x6f: {  	_ = 	snop  }
0x70: {  	[tilespmem:s18], [sflag:$0x4] =	stream.indirect.gather [hbm4b:s3+s12], $0x10, s17, s12, $0xb8;
	[tilespmem:$0x8800] =	vst v63  }
0x71: {  	_ = 	snop  }
0x72: {  	[tilespmem:s20], [sflag:$0x4] =	stream.indirect.gather [hbm4b:s3+s12], $0x10, s19, s12, $0xb8;
	[tilespmem:$0x8800] =	vst v63  }
0x73: {  	_ =	swait.ge [sflag:s21], $0x800  }
0x74: {  	[sflag:s21] =	ssyncset.done $0x0  }
0x75: {  	[sflag:s21] =	ssyncadd.s32 $0xFFFFF800  }
0x76: {  	_ =	swait.ge [sflag:s21], $0x800  }
0x77: {  	[sflag:s21] =	ssyncset.done $0x0  }
0x78: {  	[sflag:s21] =	ssyncadd.s32 $0xFFFFF800  }
0x79: {  	_ =	swait.ge [sflag:s21], $0x800  }
0x7a: {  	[sflag:s21] =	ssyncset.done $0x0  }
0x7b: {  	[sflag:s21] =	ssyncadd.s32 $0xFFFFF800  }
0x7c: {  	_ =	swait.ge [sflag:s21], $0x800  }
0x7d: {  	[sflag:s21] =	ssyncset.done $0x0  }
0x7e: {  	[sflag:s21] =	ssyncadd.s32 $0xFFFFF800  }
0x7f: {  	p0 =	slt.s32 s9, s5;
	s25 =	smov.u32 s5;
	_ =	swait.ge [sflag:s21], $0x800  }
0x80: {  	s25 =	smov.u32 @p0 s9;
	[sflag:s21] =	ssyncset.done $0x0  }
0x81: {  	s25 =	sshll.u32 s25, $0x4;
	[sflag:s21] =	ssyncadd.s32 $0xFFFFF800  }
0x82: {  	s26 =	simm.s32 $0x0;
	s25 =	sand.u32 $0x1FFFFFF0, s25;
	_ =	swait.ge [sflag:s21], $0x800  }
0x83: {  	s29 =	smov.u32 s9;
	s28 =	simm.s32 $0x1000;
	[sflag:s21] =	ssyncset.done $0x0  }
.LBB2_2:
0x84: {  	[sflag:s21] =	ssyncadd.s32 $0xFFFFF800  }
0x85: {  	_ =	swait.ge [sflag:s21], $0x800  }
0x86: {  	[sflag:s21] =	ssyncset.done $0x0  }
0x87: {  	[sflag:s21] =	ssyncadd.s32 $0xFFFFF800  }
0x88: {  	_ =	swait.ge [sflag:s21], $0x800  }
0x89: {  	s29 =	sadd.s32 $0x10, s29;
	[sflag:s21] =	ssyncset.done $0x0  }
0x8a: {  	s0 =	sadd.s32 s4, s25;
	s1 =	rddreg [dreg:$0x2];
	[sflag:s21] =	ssyncadd.s32 $0xFFFFF800  }
0x8b: {  	[tilespmem:s10], [sflag:$0x2] =	stream.linear.gather [hbm4b:s0+s2], $0x400, $0x38;
	[tilespmem:$0x8800] =	vst v63  }
0x8c: {  	s30 =	smov.u32 s28;
	s31 =	smov.u32 s5;
	s6 =	sadd.s32 s26, s1  }
0x8d: {  	[hbm4b:s6+s2] =	stream.linear.scatter [tilespmem:s16], [sflag:$0x6], $0x4000, $0x38;
	[tilespmem:$0x8800] =	vst v63  }
0x8e: {  	p1 =	slt.s32 s29, s5;
	s26 =	smov.u32 s30;
	_ =	swait.ge [sflag:s11], $0x400  }
0x8f: {  	s31 =	smov.u32 @p1 s29;
	p1 =	seq.s32 s26, $0x0;
	[sflag:s11] =	ssyncset.done $0x0  }
0x90: {  	s0 =	simm.s32 @!p1 $0x5;
	[sflag:s11] =	ssyncadd.s32 $0xFFFFFC00  }
0x91: {  	_ =	swait.ge @!p1 [sflag:s0], $0x4000  }
0x92: {  	s31 =	sshll.u32 s31, $0x4;
	s1 =	rddreg [dreg:$0xe]  }
0x93: {  	s31 =	sand.u32 $0x1FFFFFF0, s31;
	s30 =	rddreg [dreg:$0x5]  }
0x94: {  	s25 =	smov.u32 s31;
	s31 =	rddreg [dreg:$0x4]  }
0x95: {  	s7 =	rddreg [dreg:$0x8]  }
0x96: {  	[sflag:s0] =	ssyncset.done @!p1 $0x0;
	s8 =	rddreg [dreg:$0x6]  }
0x97: {  	s6 =	rddreg [dreg:$0x7];
	[sflag:s0] =	ssyncadd.s32 @!p1 $0xFFFFC000  }
0x98: {  	[tilespmem:s13], [sflag:$0x3] =	stream.indirect.gather [hbm4b:s3+s12], $0x10, s2, s12, $0xb8;
	[tilespmem:$0x8800] =	vst v63  }
0x99: {  	s22 =	rddreg [dreg:$0x9]  }
0x9a: {  	[tilespmem:s31], [sflag:$0x3] =	stream.indirect.gather [hbm4b:s3+s12], $0x10, s12, s12, $0xb8;
	[tilespmem:$0x8800] =	vst v63  }
0x9b: {  	s0 =	rddreg [dreg:$0xa]  }
0x9c: {  	[tilespmem:s8], [sflag:$0x3] =	stream.indirect.gather [hbm4b:s3+s12], $0x10, s30, s12, $0xb8;
	[tilespmem:$0x8800] =	vst v63  }
0x9d: {  	s31 =	rddreg [dreg:$0xc]  }
0x9e: {  	[tilespmem:s7], [sflag:$0x3] =	stream.indirect.gather [hbm4b:s3+s12], $0x10, s6, s12, $0xb8;
	[tilespmem:$0x8800] =	vst v63  }
0x9f: {  	s8 =	rddreg [dreg:$0xb]  }
0xa0: {  	[tilespmem:s0], [sflag:$0x3] =	stream.indirect.gather [hbm4b:s3+s12], $0x10, s22, s12, $0xb8;
	[tilespmem:$0x8800] =	vst v63  }
0xa1: {  	s30 =	rddreg [dreg:$0x10]  }
0xa2: {  	[tilespmem:s31], [sflag:$0x3] =	stream.indirect.gather [hbm4b:s3+s12], $0x10, s8, s12, $0xb8;
	[tilespmem:$0x8800] =	vst v63  }
0xa3: {  	s7 =	rddreg [dreg:$0xd]  }
0xa4: {  	[tilespmem:s1], [sflag:$0x3] =	stream.indirect.gather [hbm4b:s3+s12], $0x10, s7, s12, $0xb8;
	[tilespmem:$0x8800] =	vst v63  }
0xa5: {  	s31 =	rddreg [dreg:$0xf]  }
0xa6: {  	[tilespmem:s30], [sflag:$0x3] =	stream.indirect.gather [hbm4b:s3+s12], $0x10, s31, s12, $0xb8;
	[tilespmem:$0x8800] =	vst v63  }
0xa7: {  	_ =	swait.ge [sflag:s14], $0x800  }
0xa8: {  	[sflag:s14] =	ssyncset.done $0x0  }
0xa9: {  	[sflag:s14] =	ssyncadd.s32 $0xFFFFF800  }
0xaa: {  	_ =	swait.ge [sflag:s14], $0x800  }
0xab: {  	[sflag:s14] =	ssyncset.done $0x0  }
0xac: {  	[sflag:s14] =	ssyncadd.s32 $0xFFFFF800  }
0xad: {  	_ =	swait.ge [sflag:s14], $0x800  }
0xae: {  	[sflag:s14] =	ssyncset.done $0x0  }
0xaf: {  	[sflag:s14] =	ssyncadd.s32 $0xFFFFF800  }
0xb0: {  	_ =	swait.ge [sflag:s14], $0x800  }
0xb1: {  	[sflag:s14] =	ssyncset.done $0x0  }
0xb2: {  	[sflag:s14] =	ssyncadd.s32 $0xFFFFF800  }
0xb3: {  	_ =	swait.ge [sflag:s14], $0x800  }
0xb4: {  	[sflag:s14] =	ssyncset.done $0x0  }
0xb5: {  	[sflag:s14] =	ssyncadd.s32 $0xFFFFF800  }
0xb6: {  	_ =	swait.ge [sflag:s14], $0x800  }
0xb7: {  	[sflag:s14] =	ssyncset.done $0x0  }
0xb8: {  	[sflag:s14] =	ssyncadd.s32 $0xFFFFF800  }
0xb9: {  	s0 =	sadd.s32 $0xFFFFFFF8, s29;
	_ =	swait.ge [sflag:s14], $0x800  }
0xba: {  	p2 =	slt.s32 s0, s5;
	s1 =	smov.u32 s5;
	[sflag:s14] =	ssyncset.done $0x0  }
0xbb: {  	s1 =	smov.u32 @p2 s0;
	[sflag:s14] =	ssyncadd.s32 $0xFFFFF800  }
0xbc: {  	s0 =	sshll.u32 s1, $0x4;
	_ =	swait.ge [sflag:s14], $0x800  }
0xbd: {  	s0 =	sand.u32 $0x1FFFFF80, s0;
	[sflag:s14] =	ssyncset.done $0x0  }
0xbe: {  	s0 =	sadd.s32 s4, s0;
	s7 =	rddreg [dreg:$0x3];
	[sflag:s14] =	ssyncadd.s32 $0xFFFFF800  }
0xbf: {  	[tilespmem:s2], [sflag:$0x1] =	stream.linear.gather [hbm4b:s0+s2], $0x400, $0x38;
	[tilespmem:$0x8800] =	vst v63  }
0xc0: {  	s8 =	sadd.s32 s26, s7  }
0xc1: {  	[hbm4b:s8+s2] =	stream.linear.scatter [tilespmem:s13], [sflag:$0x5], $0x4000, $0x38;
	[tilespmem:$0x8800] =	vst v63  }
0xc2: {  	_ =	swait.ge [sflag:s15], $0x400  }
0xc3: {  	[sflag:s15] =	ssyncset.done $0x0  }
0xc4: {  	s0 =	simm.s32 @!p1 $0x6;
	[sflag:s15] =	ssyncadd.s32 $0xFFFFFC00  }
0xc5: {  	_ =	swait.ge @!p1 [sflag:s0], $0x4000  }
0xc6: {  	s1 =	rddreg [dreg:$0x19]  }
0xc7: {  	s6 =	rddreg [dreg:$0x14]  }
0xc8: {  	s7 =	rddreg [dreg:$0x13]  }
0xc9: {  	[sflag:s0] =	ssyncset.done @!p1 $0x0;
	s22 =	rddreg [dreg:$0x11]  }
0xca: {  	s31 =	rddreg [dreg:$0x12];
	[sflag:s0] =	ssyncadd.s32 @!p1 $0xFFFFC000  }
0xcb: {  	[tilespmem:s16], [sflag:$0x4] =	stream.indirect.gather [hbm4b:s3+s12], $0x10, s10, s12, $0xb8;
	[tilespmem:$0x8800] =	vst v63  }
0xcc: {  	s30 =	rddreg [dreg:$0x18]  }
0xcd: {  	[tilespmem:s31], [sflag:$0x4] =	stream.indirect.gather [hbm4b:s3+s12], $0x10, s22, s12, $0xb8;
	[tilespmem:$0x8800] =	vst v63  }
0xce: {  	s0 =	rddreg [dreg:$0x16]  }
0xcf: {  	[tilespmem:s6], [sflag:$0x4] =	stream.indirect.gather [hbm4b:s3+s12], $0x10, s7, s12, $0xb8;
	[tilespmem:$0x8800] =	vst v63  }
0xd0: {  	s31 =	rddreg [dreg:$0x15]  }
0xd1: {  	[tilespmem:s0], [sflag:$0x4] =	stream.indirect.gather [hbm4b:s3+s12], $0x10, s31, s12, $0xb8;
	[tilespmem:$0x8800] =	vst v63  }
0xd2: {  	s22 =	rddreg [dreg:$0x17]  }
0xd3: {  	[tilespmem:s30], [sflag:$0x4] =	stream.indirect.gather [hbm4b:s3+s12], $0x10, s22, s12, $0xb8;
	[tilespmem:$0x8800] =	vst v63  }
0xd4: {  	s31 =	rddreg [dreg:$0x1a]  }
0xd5: {  	[tilespmem:s31], [sflag:$0x4] =	stream.indirect.gather [hbm4b:s3+s12], $0x10, s1, s12, $0xb8;
	[tilespmem:$0x8800] =	vst v63  }
0xd6: {  	_ = 	snop  }
0xd7: {  	[tilespmem:s18], [sflag:$0x4] =	stream.indirect.gather [hbm4b:s3+s12], $0x10, s17, s12, $0xb8;
	[tilespmem:$0x8800] =	vst v63  }
0xd8: {  	_ = 	snop  }
0xd9: {  	[tilespmem:s20], [sflag:$0x4] =	stream.indirect.gather [hbm4b:s3+s12], $0x10, s19, s12, $0xb8;
	[tilespmem:$0x8800] =	vst v63  }
0xda: {  	_ =	swait.ge [sflag:s21], $0x800  }
0xdb: {  	[sflag:s21] =	ssyncset.done $0x0  }
0xdc: {  	[sflag:s21] =	ssyncadd.s32 $0xFFFFF800  }
0xdd: {  	_ =	swait.ge [sflag:s21], $0x800  }
0xde: {  	[sflag:s21] =	ssyncset.done $0x0  }
0xdf: {  	[sflag:s21] =	ssyncadd.s32 $0xFFFFF800  }
0xe0: {  	_ =	swait.ge [sflag:s21], $0x800  }
0xe1: {  	[sflag:s21] =	ssyncset.done $0x0  }
0xe2: {  	[sflag:s21] =	ssyncadd.s32 $0xFFFFF800  }
0xe3: {  	_ =	swait.ge [sflag:s21], $0x800  }
0xe4: {  	s28 =	sadd.s32 $0x1000, s28;
	[sflag:s21] =	ssyncset.done $0x0  }
0xe5: {  	p0 =	sne.s32 s28, $0x19000;
	[sflag:s21] =	ssyncadd.s32 $0xFFFFF800  }
.Ltmp0:
0xe6: {  	_ =	swait.ge [sflag:s21], $0x800;
	(pc) =	sbr.rel @p0 .LBB2_2-.Ltmp0, $4  }
0xe7: {  	[sflag:s21] =	ssyncset.done $0x0  }
0xe8: {  	[sflag:s21] =	ssyncadd.s32 $0xFFFFF800  }
0xe9: {  	_ =	swait.ge [sflag:s21], $0x800  }
0xea: {  	[sflag:s21] =	ssyncset.done $0x0  }
0xeb: {  	[sflag:s21] =	ssyncadd.s32 $0xFFFFF800  }
0xec: {  	_ =	swait.ge [sflag:s21], $0x800  }
0xed: {  	[sflag:s21] =	ssyncset.done $0x0  }
0xee: {  	[sflag:s21] =	ssyncadd.s32 $0xFFFFF800  }
0xef: {  	_ =	swait.ge [sflag:s21], $0x800  }
0xf0: {  	[sflag:s21] =	ssyncset.done $0x0  }
0xf1: {  	s1 =	sadd.s32 s4, s25;
	s0 =	rddreg [dreg:$0x2];
	[sflag:s21] =	ssyncadd.s32 $0xFFFFF800  }
0xf2: {  	[tilespmem:s10], [sflag:$0x2] =	stream.linear.gather [hbm4b:s1+s2], $0x400, $0x38;
	[tilespmem:$0x8800] =	vst v63  }
0xf3: {  	s0 =	sadd.s32 s26, s0  }
0xf4: {  	[hbm4b:s0+s2] =	stream.linear.scatter [tilespmem:s16], [sflag:$0x6], $0x4000, $0x38;
	[tilespmem:$0x8800] =	vst v63  }
0xf5: {  	_ =	swait.ge [sflag:s11], $0x400  }
0xf6: {  	[sflag:s11] =	ssyncset.done $0x0  }
0xf7: {  	s30 =	simm.s32 $0x5;
	[sflag:s11] =	ssyncadd.s32 $0xFFFFFC00  }
0xf8: {  	_ =	swait.ge [sflag:s30], $0x4000  }
0xf9: {  	[sflag:s30] =	ssyncset.done $0x0  }
0xfa: {  	[sflag:s30] =	ssyncadd.s32 $0xFFFFC000  }
0xfb: {  	_ =	swait.ge [sflag:s15], $0x400  }
0xfc: {  	[sflag:s15] =	ssyncset.done $0x0  }
0xfd: {  	[sflag:s15] =	ssyncadd.s32 $0xFFFFFC00  }
0xfe: {  	_ =	swait.ge [sflag:s23], $0x4000  }
0xff: {  	s24 =	sadd.s32 $0x1, s24;
	s31 =	rddreg [dreg:$0x1d]  }
0x100: {  	p0 =	sne.s32 s24, s31  }
.Ltmp1:
0x101: {  	_ = 	snop;
	(pc) =	sbr.rel @p0 .LBB2_1-.Ltmp1, $3  }
0x102: {  	_ =	sdelay $0x1  }
0x103: {  	[sflag:s23] =	ssyncset.done $0x0  }
0x104: {  	[sflag:s23] =	ssyncadd.s32 $0xFFFFC000  }
0x105: {  	_ =	sfence.sel $0x180000  }
0x106: {  	[bflag:$0x0] =	sbarrier.arrive $0xFFFF  }
0x107: {  	_ =	strace $0x90000047  }
0x108: {  	s0 =	stileid.u32;
	[bflag:$0x2] =	sbarrier.arrive $0xFFFF  }
0x109: {  	p0 =	sne.s32 s0, $0x0;
	s0 =	rddreg [dreg:$0x1]  }
0x10a: {  	s0 =	sadd.s32 @!p0 $0x100000, s0  }
0x10b: {  	[sflag:s0] =	ssyncadd.tile.s32 @!p0 $0x1;
	_ =	shalt  }
.Lfunc_end2:
_tile_overlayer_lowered:
.L_overlay_start_2:
0x10c: {  	(tag) =	ssettag $0x2  }
0x10d: {  	s0 =	rddreg [dreg:$0x0];
	s2 =	stileid.u32  }
0x10e: {  	s1 =	rddreg [dreg:$0x1];
	p0 =	sne.s32 s2, $0x0  }
0x10f: {  	s3 =	rddreg [dreg:$0x2];
	[bflag:$0x3] =	sbarrier.arrive $0xFFFF;
	s2 =	simm.s32 @!p0 $0x1C07  }
0x110: {  	[timem:s3], [sflag:s2] =	dma.local @!p0 [hbm:s0], s1  }
0x111: {  	s0 =	simm.s32 @!p0 $0x7  }
0x112: {  	_ =	swait.ge @!p0 [sflag:s0], s1  }
0x113: {  	s1 =	ssub.s32 @!p0 $0x0, s1;
	[sflag:s0] =	ssyncset.done @!p0 $0x0  }
0x114: {  	[sflag:s0] =	ssyncadd.s32 @!p0 s1  }
0x115: {  	[bflag:$0x3] =	sbarrier.arrive $0xFFFF  }
0x116: {  	_ =	shalt  }

</sc_bundles>
